<compile_context>
chip_gen: v7x
topology: tpu7x:2x2x1
jax: 0.10.2.dev20260603
libtpu: 0.0.44.dev20260713+nightly
codegen_flags: <defaults>
</compile_context>

<pallas_src>
import jax
import jax.numpy as jnp
import numpy as np
from jax import lax
from jax.experimental import pallas as pl
from jax.experimental.pallas import tpu as pltpu
from jax.experimental.pallas import tpu_sc as plsc

R0 = 6.0
N_NODES = 10000
N_EDGES = 640000
N_RAD = 8
DIM_A, DIM_V, DIM_D = 128, 64, 32

D = 128
NW = 32
CHUNK = 128
CH_PER_W = 80
IDXG = 16
NGRP = CH_PER_W // IDXG
EDGES_PW = CHUNK * CH_PER_W
E_HALF = NW * EDGES_PW
E_PAD = 2 * E_HALF
N_TILE_ROWS = 632
N_PAD = 16 * N_TILE_ROWS

FB = 2048

_A_SEL = [0, 1, 2, 3, 1, 1, 1, 2, 2, 2, 3, 3, 3, 0, 0, 0]
_B_SEL = [0, 0, 0, 0, 1, 2, 3, 1, 2, 3, 1, 2, 3, 0, 0, 0]


def _feat_body(rt_ref, phi_ref):
    rx = rt_ref[0:1, :]
    ry = rt_ref[1:2, :]
    rz = rt_ref[2:3, :]
    r_sq = rx * rx + ry * ry + rz * rz
    x_sq = r_sq * (1.0 / R0)
    w = jnp.maximum(1.0 - x_sq, 0.0)
    s = jnp.sqrt(x_sq)
    cc = 17.0 / R0
    norm = jnp.sqrt(r_sq * (cc * cc) + 1e-12)
    scale = (jnp.tanh(norm) / norm) * cc
    rvx, rvy, rvz = rx * scale, ry * scale, rz * scale

    c1 = jnp.cos(np.pi * s)
    us = [jnp.ones_like(c1), c1]
    for _ in range(2, N_RAD):
        us.append(2.0 * c1 * us[-1] - us[-2])
    rad8 = jnp.concatenate([u * w for u in us], axis=0)

    zero = jnp.zeros_like(rx)
    mvec = jnp.concatenate([
        jnp.ones_like(rx), rvx, rvy, rvz,
        rvx * rvx, rvx * rvy, rvx * rvz,
        rvy * rvx, rvy * rvy, rvy * rvz,
        rvz * rvx, rvz * rvy, rvz * rvz,
        zero, zero, zero,
    ], axis=0)

    f = lax.broadcasted_iota(jnp.int32, (1, D), 1)
    pr = (lax.broadcasted_iota(jnp.int32, (N_RAD, D), 0)
          == (f & 7)).astype(jnp.float32)
    pm = (lax.broadcasted_iota(jnp.int32, (16, D), 0)
          == (f >> 3)).astype(jnp.float32)
    dn = (((0,), (0,)), ((), ()))
    rexp = lax.dot_general(rad8, pr, dn, preferred_element_type=jnp.float32)
    mexp = lax.dot_general(mvec, pm, dn, preferred_element_type=jnp.float32)
    phi_ref[...] = rexp * mexp


def _features(rt, half):
    off = half * (E_HALF // FB)
    return pl.pallas_call(
        _feat_body,
        grid=(E_HALF // FB,),
        in_specs=[pl.BlockSpec((8, FB), lambda i: (0, i + off))],
        out_specs=pl.BlockSpec((FB, D), lambda i: (i, 0)),
        out_shape=jax.ShapeDtypeStruct((E_HALF, D), jnp.float32),
    )(rt)


def _scatter_body(phi_hbm, idx_hbm, out_hbm, idx_v, buf_a, buf_b, acc_sh,
                  sem_a, sem_b):
    c = lax.axis_index("c")
    s = lax.axis_index("s")
    wid = s * 2 + c
    base = s * N_TILE_ROWS

    @pl.loop(0, CHUNK)
    def _zero_rows(i):
        @pl.loop(0, D // 16)
        def _zero_cols(j):
            buf_a[i, pl.ds(j * 16, 16)] = jnp.zeros((16,), jnp.float32)

    for t in range(4):
        pltpu.sync_copy(buf_a, acc_sh.at[pl.ds(base + t * CHUNK, CHUNK)])
    pltpu.sync_copy(buf_a.at[pl.ds(0, N_TILE_ROWS - 4 * CHUNK)],
                    acc_sh.at[pl.ds(base + 4 * CHUNK, N_TILE_ROWS - 4 * CHUNK)])
    plsc.subcore_barrier()

    ebase = wid * EDGES_PW

    def chunk_src(k):
        return phi_hbm.at[pl.ds(ebase + k * CHUNK, CHUNK)]

    for g in range(NGRP):
        pltpu.sync_copy(idx_hbm.at[wid, pl.ds(g * IDXG, IDXG)], idx_v)
        pltpu.async_copy(chunk_src(g * IDXG), buf_a, sem_a)

        @pl.loop(0, IDXG, step=2)
        def _edge_chunk(j):
            k0 = g * IDXG + j
            pltpu.make_async_copy(chunk_src(k0), buf_a, sem_a).wait()
            pltpu.async_copy(chunk_src(k0 + 1), buf_b, sem_b)
            pltpu.sync_copy(buf_a, acc_sh.at[idx_v.at[j]], add=True)
            pltpu.make_async_copy(chunk_src(k0 + 1), buf_b, sem_b).wait()

            @pl.when(j + 2 < IDXG)
            def _prefetch():
                pltpu.async_copy(chunk_src(k0 + 2), buf_a, sem_a)

            pltpu.sync_copy(buf_b, acc_sh.at[idx_v.at[j + 1]], add=True)

    plsc.subcore_barrier()

    obase = c * N_PAD + base
    for t in range(4):
        pltpu.sync_copy(acc_sh.at[pl.ds(base + t * CHUNK, CHUNK)], buf_b)
        pltpu.sync_copy(buf_b, out_hbm.at[pl.ds(obase + t * CHUNK, CHUNK)])
    tail = N_TILE_ROWS - 4 * CHUNK
    pltpu.sync_copy(acc_sh.at[pl.ds(base + 4 * CHUNK, tail)],
                    buf_b.at[pl.ds(0, tail)])
    pltpu.sync_copy(buf_b.at[pl.ds(0, tail)],
                    out_hbm.at[pl.ds(obase + 4 * CHUNK, tail)])


def _scatter_partials(phi, idx3):
    mesh = plsc.VectorSubcoreMesh(core_axis_name="c", subcore_axis_name="s")
    return pl.kernel(
        _scatter_body,
        out_type=jax.ShapeDtypeStruct((2 * N_PAD, D), jnp.float32),
        mesh=mesh,
        scratch_types=[
            pltpu.VMEM((IDXG, CHUNK), jnp.int32),
            pltpu.VMEM((CHUNK, D), jnp.float32),
            pltpu.VMEM((CHUNK, D), jnp.float32),
            pltpu.VMEM_SHARED((N_PAD, D), jnp.float32),
            pltpu.SemaphoreType.DMA,
            pltpu.SemaphoreType.DMA,
        ],
        compiler_params=pltpu.CompilerParams(use_tc_tiling_on_sc=True),
    )(phi, idx3)


def _mm_body(p_ref, q_ref, wa_ref, wv_ref, wd_ref, ba_ref,
             oa_ref, ov_ref, od_ref):
    a = p_ref[0] + p_ref[1] + q_ref[0] + q_ref[1]
    oa_ref[...] = (jnp.dot(a, wa_ref[...], preferred_element_type=jnp.float32)
                   + ba_ref[...])
    dn = (((0,), (1,)), ((), ()))
    ov_ref[...] = lax.dot_general(wv_ref[...], a, dn,
                                  preferred_element_type=jnp.float32)
    od_ref[...] = lax.dot_general(wd_ref[...], a, dn,
                                  preferred_element_type=jnp.float32)


def _node_matmuls(p3, q3, wa_b, wv_b, wd_b, ba2):
    full = lambda i: (0, 0)
    return pl.pallas_call(
        _mm_body,
        grid=(1,),
        in_specs=[
            pl.BlockSpec((2, N_NODES, D), lambda i: (0, 0, 0)),
            pl.BlockSpec((2, N_NODES, D), lambda i: (0, 0, 0)),
            pl.BlockSpec((D, DIM_A), full),
            pl.BlockSpec((D, 3 * DIM_V), full),
            pl.BlockSpec((D, 9 * DIM_D), full),
            pl.BlockSpec((1, DIM_A), full),
        ],
        out_specs=[
            pl.BlockSpec((N_NODES, DIM_A), full),
            pl.BlockSpec((3 * DIM_V, N_NODES), full),
            pl.BlockSpec((9 * DIM_D, N_NODES), full),
        ],
        out_shape=[
            jax.ShapeDtypeStruct((N_NODES, DIM_A), jnp.float32),
            jax.ShapeDtypeStruct((3 * DIM_V, N_NODES), jnp.float32),
            jax.ShapeDtypeStruct((9 * DIM_D, N_NODES), jnp.float32),
        ],
    )(p3, q3, wa_b, wv_b, wd_b, ba2)


def kernel(r_ij, edge_src, W_a, b_a, W_v, W_d):
    rt = jnp.zeros((8, E_PAD), jnp.float32).at[:3, :N_EDGES].set(r_ij.T)
    idx_pad = jnp.concatenate([
        edge_src.astype(jnp.int32),
        jnp.full((E_PAD - N_EDGES,), N_NODES, jnp.int32),
    ]).reshape(2, NW, CH_PER_W, CHUNK)

    phi_a = _features(rt, 0)
    part_a = _scatter_partials(phi_a, idx_pad[0]).reshape(2, N_PAD, D)
    phi_b = _features(rt, 1)
    part_b = _scatter_partials(phi_b, idx_pad[1]).reshape(2, N_PAD, D)

    wa_b = jnp.zeros((D, DIM_A), jnp.float32).at[0:N_RAD].set(W_a)
    wv4 = jnp.zeros((D // 8, 8, 3, DIM_V), jnp.float32)
    wd4 = jnp.zeros((D // 8, 8, 9, DIM_D), jnp.float32)
    for x in range(3):
        wv4 = wv4.at[1 + x, :, x, :].set(W_v)
        for y in range(3):
            g = 3 * x + y
            wd4 = wd4.at[4 + g, :, g, :].set(W_d)
    wv_b = wv4.reshape(D, 3 * DIM_V)
    wd_b = wd4.reshape(D, 9 * DIM_D)

    oa, ov, od = _node_matmuls(part_a, part_b, wa_b, wv_b, wd_b,
                               b_a.reshape(1, DIM_A))
    B_a = oa
    B_v = ov.reshape(3, DIM_V, N_NODES).transpose(2, 1, 0)
    B_d = od.reshape(3, 3, DIM_D, N_NODES).transpose(3, 2, 0, 1)
    return (B_a, B_v, B_d)

# --- scband reference (transcript-rebuilt; emitter-appended) ---
"""Pipeline reference for scband-block-39926015983784 (READ-ONLY COPY).

The authoritative reference and input builder live on the scoring server;
editing this copy changes nothing except your own understanding.
"""

import jax, jax.numpy as jnp
import numpy as np

R0 = 6.0
N_NODES = 10000
N_EDGES = 640000
N_RAD = 8
DIM_A, DIM_V, DIM_D = 128, 64, 32


def radial_encode_edge(r, n, rmax):
    """ r: (..., 3) -> (..., n) """
    npi = jnp.pi * jnp.arange(0, n, dtype=r.dtype)
    x_sq = jnp.sum(r ** 2, axis=-1) / rmax
    return jnp.cos(npi * jnp.sqrt(x_sq)[..., None]) * jax.nn.relu(1.0 - x_sq)[..., None]


def tens_sigmoid(inds, x):
    """ Magnitude-squashing nonlinearity that preserves tensor direction. """
    sq = x ** 2
    for _ in range(inds):
        sq = jnp.sum(sq, axis=-1)
    norm = jnp.sqrt(sq + 1e-12)
    scale = jnp.tanh(norm) / norm
    return x * scale[(...,) + (None,) * inds]


def setup_inputs(seed: int = 0) -> dict:
    key = jax.random.key(seed)
    k1, k2, k3, k4, k5 = jax.random.split(key, 5)
    r_ij = jax.random.normal(k1, (N_EDGES, 3), dtype=jnp.float32)
    edge_src = jax.random.randint(k2, (N_EDGES,), 0, N_NODES, dtype=jnp.int64 if jax.config.jax_enable_x64 else jnp.int32)
    s = 1.0 / np.sqrt(N_RAD)
    W_a = jax.random.normal(k3, (N_RAD, DIM_A), dtype=jnp.float32) * s
    b_a = jnp.zeros((DIM_A,), dtype=jnp.float32)
    W_v = jax.random.normal(k4, (N_RAD, DIM_V), dtype=jnp.float32) * s
    W_d = jax.random.normal(k5, (N_RAD, DIM_D), dtype=jnp.float32) * s
    return {"r_ij": r_ij, "edge_src": edge_src, "W_a": W_a, "b_a": b_a, "W_v": W_v, "W_d": W_d}


def reference(r_ij, edge_src, W_a, b_a, W_v, W_d):
    rad_enc_ij = radial_encode_edge(r_ij, N_RAD, R0)
    r = tens_sigmoid(1, r_ij * (17.0 / R0))
    phi_a_ij = rad_enc_ij                                            # (E, 8)
    phi_v_ij = rad_enc_ij[..., None] * r[..., None, :]               # (E, 8, 3)
    phi_d_ij = rad_enc_ij[..., None, None] * r[..., None, None, :] * r[..., None, :, None]  # (E, 8, 3, 3)
    A_a_i = jax.ops.segment_sum(phi_a_ij, edge_src, num_segments=N_NODES)
    A_v_i = jax.ops.segment_sum(phi_v_ij, edge_src, num_segments=N_NODES)
    A_d_i = jax.ops.segment_sum(phi_d_ij, edge_src, num_segments=N_NODES)
    B_a_i = jnp.einsum('nc,cd->nd', A_a_i, W_a) + b_a
    B_v_i = jnp.einsum('ncx,cd->ndx', A_v_i, W_v)
    B_d_i = jnp.einsum('ncxy,cd->ndxy', A_d_i, W_d)
    return (B_a_i, B_v_i, B_d_i)

if __name__ == "__main__":
    import jax
    _d = setup_inputs()
    print(jax.jit(kernel)(*tuple(_d.values())))

</pallas_src>

<mosaic_0001>
#map = affine_map<(d0, d1) -> (0, 0)>
#map1 = affine_map<(d0, d1) -> (0, 0, 0)>
module attributes {stable_mosaic.version = 14 : i64} {
  func.func @_scatter_body(%arg0: i32, %arg1: i32, %arg2: memref<327680x128xf32, #tpu.memory_space<hbm>>, %arg3: memref<32x80x128xi32, #tpu.memory_space<hbm>>, %arg4: memref<20224x128xf32, #tpu.memory_space<hbm>>, %arg5: memref<16x128xi32, #tpu.memory_space<vmem>>, %arg6: memref<128x128xf32, #tpu.memory_space<vmem>>, %arg7: memref<128x128xf32, #tpu.memory_space<vmem>>, %arg8: memref<10112x128xf32, #tpu.memory_space<vmem_shared>>, %arg9: memref<!tpu.dma_semaphore, #tpu.memory_space<semaphore_mem>>, %arg10: memref<!tpu.dma_semaphore, #tpu.memory_space<semaphore_mem>>) attributes {dimension_semantics = [#tpu.dimension_semantics<core_parallel>, #tpu.dimension_semantics<subcore_parallel>], iteration_bounds = array<i64: 2, 16>, scalar_prefetch = 0 : i64, scratch_operands = 6 : i64, tpu.core_type = #tpu.core_type<sc_vector_subcore>, window_params = [{transform_indices = #map}, {transform_indices = #map1}, {transform_indices = #map}]} {
    %mul3A = arith.constant 2 : i32
    %mul3A_0 = arith.muli %arg1, %mul3A : i32
    %add3A = arith.addi %mul3A_0, %arg0 : i32
    %mul3A_1 = arith.constant 632 : i32
    %mul3A_2 = arith.muli %arg1, %mul3A_1 : i32
    %scan3A = arith.constant 0 : i32
    %scan3A_3 = arith.constant 128 : i32
    %scan3A_4 = arith.addi %scan3A, %scan3A_3 : i32
    %scan3A_5 = arith.constant 1 : i32
    scf.for %scan3A_97 = %scan3A to %scan3A_4 step %scan3A_5  : i32 {
      %mul3A_98 = arith.constant 1 : i32
      %mul3A_99 = arith.muli %scan3A_97, %mul3A_98 : i32
      %add3A_100 = arith.constant 0 : i32
      %add3A_101 = arith.addi %add3A_100, %mul3A_99 : i32
      %scan3A_102 = arith.constant 0 : i32
      %scan3A_103 = arith.constant 8 : i32
      %scan3A_104 = arith.addi %scan3A_102, %scan3A_103 : i32
      %scan3A_105 = arith.constant 1 : i32
      scf.for %scan3A_107 = %scan3A_102 to %scan3A_104 step %scan3A_105  : i32 {
        %mul3A_108 = arith.constant 1 : i32
        %mul3A_109 = arith.muli %scan3A_107, %mul3A_108 : i32
        %add3A_110 = arith.constant 0 : i32
        %add3A_111 = arith.addi %add3A_110, %mul3A_109 : i32
        %broadcast_in_dim3A = arith.constant 0.000000e+00 : f32
        %broadcast_in_dim3A_112 = vector.broadcast %broadcast_in_dim3A : f32 to vector<16xf32>
        %mul3A_113 = arith.constant 16 : i32
        %mul3A_114 = arith.muli %add3A_111, %mul3A_113 : i32
        %swap3A = arith.index_cast %add3A_101 : i32 to index
        %swap3A_115 = arith.index_cast %mul3A_114 : i32 to index
        %swap3A_116 = tpu.vector_load %arg6[%swap3A, %swap3A_115] {strides = array<i32>} : memref<128x128xf32, #tpu.memory_space<vmem>>, vector<1x16xf32>,
        %swap3A_117 = vector.shape_cast %swap3A_116 : vector<1x16xf32> to vector<16xf32>
        %swap3A_118 = vector.shape_cast %broadcast_in_dim3A_112 : vector<16xf32> to vector<1x16xf32>
        tpu.vector_store %arg6[%swap3A, %swap3A_115], %swap3A_118 {strides = array<i32>} : memref<128x128xf32, #tpu.memory_space<vmem>>, vector<1x16xf32>,
      }
      %scan3A_106 = arith.constant 8 : i32
    }
    %scan3A_6 = arith.constant 128 : i32
    %add3A_7 = arith.constant 0 : i32
    %add3A_8 = arith.addi %mul3A_2, %add3A_7 : i32
    "tpu.region"() ({
      %run_scoped3A = tpu.sem_alloc : memref<!tpu.dma_semaphore, #tpu.memory_space<semaphore_mem>>
      %dma_start3A_97 = arith.constant 0 : i32
      %dma_start3A_98 = tpu.memref_slice %arg8[%add3A_8, %dma_start3A_97] : memref<10112x128xf32, #tpu.memory_space<vmem_shared>> -> memref<128x128xf32, #tpu.memory_space<vmem_shared>>
      %dma_start3A_99 = arith.constant 0 : i32
      %dma_start3A_100 = tpu.memref_slice %arg8[%add3A_8, %dma_start3A_99] : memref<10112x128xf32, #tpu.memory_space<vmem_shared>> -> memref<128x128xf32, #tpu.memory_space<vmem_shared>>
      tpu.enqueue_dma source(%arg6 : memref<128x128xf32, #tpu.memory_space<vmem>>) target(%dma_start3A_100 : memref<128x128xf32, #tpu.memory_space<vmem_shared>>) target_semaphore(%run_scoped3A : memref<!tpu.dma_semaphore, #tpu.memory_space<semaphore_mem>>)
      %dma_wait3A = arith.constant 0 : i32
      %dma_wait3A_101 = tpu.memref_slice %arg8[%add3A_8, %dma_wait3A] : memref<10112x128xf32, #tpu.memory_space<vmem_shared>> -> memref<128x128xf32, #tpu.memory_space<vmem_shared>>
      %dma_wait3A_102 = arith.constant 0 : i32
      %dma_wait3A_103 = tpu.memref_slice %arg8[%add3A_8, %dma_wait3A_102] : memref<10112x128xf32, #tpu.memory_space<vmem_shared>> -> memref<128x128xf32, #tpu.memory_space<vmem_shared>>
      tpu.wait_dma2 semaphore(%run_scoped3A : memref<!tpu.dma_semaphore, #tpu.memory_space<semaphore_mem>>) src(%arg6 : memref<128x128xf32, #tpu.memory_space<vmem>>) dst(%dma_wait3A_103 : memref<128x128xf32, #tpu.memory_space<vmem_shared>>)
      tpu.yield
    }) : () -> ()
    %add3A_9 = arith.constant 128 : i32
    %add3A_10 = arith.addi %mul3A_2, %add3A_9 : i32
    "tpu.region"() ({
      %run_scoped3A = tpu.sem_alloc : memref<!tpu.dma_semaphore, #tpu.memory_space<semaphore_mem>>
      %dma_start3A_97 = arith.constant 0 : i32
      %dma_start3A_98 = tpu.memref_slice %arg8[%add3A_10, %dma_start3A_97] : memref<10112x128xf32, #tpu.memory_space<vmem_shared>> -> memref<128x128xf32, #tpu.memory_space<vmem_shared>>
      %dma_start3A_99 = arith.constant 0 : i32
      %dma_start3A_100 = tpu.memref_slice %arg8[%add3A_10, %dma_start3A_99] : memref<10112x128xf32, #tpu.memory_space<vmem_shared>> -> memref<128x128xf32, #tpu.memory_space<vmem_shared>>
      tpu.enqueue_dma source(%arg6 : memref<128x128xf32, #tpu.memory_space<vmem>>) target(%dma_start3A_100 : memref<128x128xf32, #tpu.memory_space<vmem_shared>>) target_semaphore(%run_scoped3A : memref<!tpu.dma_semaphore, #tpu.memory_space<semaphore_mem>>)
      %dma_wait3A = arith.constant 0 : i32
      %dma_wait3A_101 = tpu.memref_slice %arg8[%add3A_10, %dma_wait3A] : memref<10112x128xf32, #tpu.memory_space<vmem_shared>> -> memref<128x128xf32, #tpu.memory_space<vmem_shared>>
      %dma_wait3A_102 = arith.constant 0 : i32
      %dma_wait3A_103 = tpu.memref_slice %arg8[%add3A_10, %dma_wait3A_102] : memref<10112x128xf32, #tpu.memory_space<vmem_shared>> -> memref<128x128xf32, #tpu.memory_space<vmem_shared>>
      tpu.wait_dma2 semaphore(%run_scoped3A : memref<!tpu.dma_semaphore, #tpu.memory_space<semaphore_mem>>) src(%arg6 : memref<128x128xf32, #tpu.memory_space<vmem>>) dst(%dma_wait3A_103 : memref<128x128xf32, #tpu.memory_space<vmem_shared>>)
      tpu.yield
    }) : () -> ()
    %add3A_11 = arith.constant 256 : i32
    %add3A_12 = arith.addi %mul3A_2, %add3A_11 : i32
    "tpu.region"() ({
      %run_scoped3A = tpu.sem_alloc : memref<!tpu.dma_semaphore, #tpu.memory_space<semaphore_mem>>
      %dma_start3A_97 = arith.constant 0 : i32
      %dma_start3A_98 = tpu.memref_slice %arg8[%add3A_12, %dma_start3A_97] : memref<10112x128xf32, #tpu.memory_space<vmem_shared>> -> memref<128x128xf32, #tpu.memory_space<vmem_shared>>
      %dma_start3A_99 = arith.constant 0 : i32
      %dma_start3A_100 = tpu.memref_slice %arg8[%add3A_12, %dma_start3A_99] : memref<10112x128xf32, #tpu.memory_space<vmem_shared>> -> memref<128x128xf32, #tpu.memory_space<vmem_shared>>
      tpu.enqueue_dma source(%arg6 : memref<128x128xf32, #tpu.memory_space<vmem>>) target(%dma_start3A_100 : memref<128x128xf32, #tpu.memory_space<vmem_shared>>) target_semaphore(%run_scoped3A : memref<!tpu.dma_semaphore, #tpu.memory_space<semaphore_mem>>)
      %dma_wait3A = arith.constant 0 : i32
      %dma_wait3A_101 = tpu.memref_slice %arg8[%add3A_12, %dma_wait3A] : memref<10112x128xf32, #tpu.memory_space<vmem_shared>> -> memref<128x128xf32, #tpu.memory_space<vmem_shared>>
      %dma_wait3A_102 = arith.constant 0 : i32
      %dma_wait3A_103 = tpu.memref_slice %arg8[%add3A_12, %dma_wait3A_102] : memref<10112x128xf32, #tpu.memory_space<vmem_shared>> -> memref<128x128xf32, #tpu.memory_space<vmem_shared>>
      tpu.wait_dma2 semaphore(%run_scoped3A : memref<!tpu.dma_semaphore, #tpu.memory_space<semaphore_mem>>) src(%arg6 : memref<128x128xf32, #tpu.memory_space<vmem>>) dst(%dma_wait3A_103 : memref<128x128xf32, #tpu.memory_space<vmem_shared>>)
      tpu.yield
    }) : () -> ()
    %add3A_13 = arith.constant 384 : i32
    %add3A_14 = arith.addi %mul3A_2, %add3A_13 : i32
    "tpu.region"() ({
      %run_scoped3A = tpu.sem_alloc : memref<!tpu.dma_semaphore, #tpu.memory_space<semaphore_mem>>
      %dma_start3A_97 = arith.constant 0 : i32
      %dma_start3A_98 = tpu.memref_slice %arg8[%add3A_14, %dma_start3A_97] : memref<10112x128xf32, #tpu.memory_space<vmem_shared>> -> memref<128x128xf32, #tpu.memory_space<vmem_shared>>
      %dma_start3A_99 = arith.constant 0 : i32
      %dma_start3A_100 = tpu.memref_slice %arg8[%add3A_14, %dma_start3A_99] : memref<10112x128xf32, #tpu.memory_space<vmem_shared>> -> memref<128x128xf32, #tpu.memory_space<vmem_shared>>
      tpu.enqueue_dma source(%arg6 : memref<128x128xf32, #tpu.memory_space<vmem>>) target(%dma_start3A_100 : memref<128x128xf32, #tpu.memory_space<vmem_shared>>) target_semaphore(%run_scoped3A : memref<!tpu.dma_semaphore, #tpu.memory_space<semaphore_mem>>)
      %dma_wait3A = arith.constant 0 : i32
      %dma_wait3A_101 = tpu.memref_slice %arg8[%add3A_14, %dma_wait3A] : memref<10112x128xf32, #tpu.memory_space<vmem_shared>> -> memref<128x128xf32, #tpu.memory_space<vmem_shared>>
      %dma_wait3A_102 = arith.constant 0 : i32
      %dma_wait3A_103 = tpu.memref_slice %arg8[%add3A_14, %dma_wait3A_102] : memref<10112x128xf32, #tpu.memory_space<vmem_shared>> -> memref<128x128xf32, #tpu.memory_space<vmem_shared>>
      tpu.wait_dma2 semaphore(%run_scoped3A : memref<!tpu.dma_semaphore, #tpu.memory_space<semaphore_mem>>) src(%arg6 : memref<128x128xf32, #tpu.memory_space<vmem>>) dst(%dma_wait3A_103 : memref<128x128xf32, #tpu.memory_space<vmem_shared>>)
      tpu.yield
    }) : () -> ()
    %add3A_15 = arith.constant 512 : i32
    %add3A_16 = arith.addi %mul3A_2, %add3A_15 : i32
    "tpu.region"() ({
      %run_scoped3A = tpu.sem_alloc : memref<!tpu.dma_semaphore, #tpu.memory_space<semaphore_mem>>
      %dma_start3A_97 = arith.constant 0 : i32
      %dma_start3A_98 = arith.constant 0 : i32
      %dma_start3A_99 = tpu.memref_slice %arg6[%dma_start3A_97, %dma_start3A_98] : memref<128x128xf32, #tpu.memory_space<vmem>> -> memref<120x128xf32, #tpu.memory_space<vmem>>
      %dma_start3A_100 = arith.constant 0 : i32
      %dma_start3A_101 = tpu.memref_slice %arg8[%add3A_16, %dma_start3A_100] : memref<10112x128xf32, #tpu.memory_space<vmem_shared>> -> memref<120x128xf32, #tpu.memory_space<vmem_shared>>
      %dma_start3A_102 = arith.constant 0 : i32
      %dma_start3A_103 = tpu.memref_slice %arg8[%add3A_16, %dma_start3A_102] : memref<10112x128xf32, #tpu.memory_space<vmem_shared>> -> memref<120x128xf32, #tpu.memory_space<vmem_shared>>
      %dma_start3A_104 = arith.constant 0 : i32
      %dma_start3A_105 = arith.constant 0 : i32
      %dma_start3A_106 = tpu.memref_slice %arg6[%dma_start3A_104, %dma_start3A_105] : memref<128x128xf32, #tpu.memory_space<vmem>> -> memref<120x128xf32, #tpu.memory_space<vmem>>
      tpu.enqueue_dma source(%dma_start3A_106 : memref<120x128xf32, #tpu.memory_space<vmem>>) target(%dma_start3A_103 : memref<120x128xf32, #tpu.memory_space<vmem_shared>>) target_semaphore(%run_scoped3A : memref<!tpu.dma_semaphore, #tpu.memory_space<semaphore_mem>>)
      %dma_wait3A = arith.constant 0 : i32
      %dma_wait3A_107 = arith.constant 0 : i32
      %dma_wait3A_108 = tpu.memref_slice %arg6[%dma_wait3A, %dma_wait3A_107] : memref<128x128xf32, #tpu.memory_space<vmem>> -> memref<120x128xf32, #tpu.memory_space<vmem>>
      %dma_wait3A_109 = arith.constant 0 : i32
      %dma_wait3A_110 = tpu.memref_slice %arg8[%add3A_16, %dma_wait3A_109] : memref<10112x128xf32, #tpu.memory_space<vmem_shared>> -> memref<120x128xf32, #tpu.memory_space<vmem_shared>>
      %dma_wait3A_111 = arith.constant 0 : i32
      %dma_wait3A_112 = tpu.memref_slice %arg8[%add3A_16, %dma_wait3A_111] : memref<10112x128xf32, #tpu.memory_space<vmem_shared>> -> memref<120x128xf32, #tpu.memory_space<vmem_shared>>
      %dma_wait3A_113 = arith.constant 0 : i32
      %dma_wait3A_114 = arith.constant 0 : i32
      %dma_wait3A_115 = tpu.memref_slice %arg6[%dma_wait3A_113, %dma_wait3A_114] : memref<128x128xf32, #tpu.memory_space<vmem>> -> memref<120x128xf32, #tpu.memory_space<vmem>>
      tpu.wait_dma2 semaphore(%run_scoped3A : memref<!tpu.dma_semaphore, #tpu.memory_space<semaphore_mem>>) src(%dma_wait3A_115 : memref<120x128xf32, #tpu.memory_space<vmem>>) dst(%dma_wait3A_112 : memref<120x128xf32, #tpu.memory_space<vmem_shared>>)
      tpu.yield
    }) : () -> ()
    %barrier3A = arith.constant 0 : index
    tpu.barrier barrier_id(%barrier3A)
    %mul3A_17 = arith.constant 10240 : i32
    %mul3A_18 = arith.muli %add3A, %mul3A_17 : i32
    "tpu.region"() ({
      %run_scoped3A = tpu.sem_alloc : memref<!tpu.dma_semaphore, #tpu.memory_space<semaphore_mem>>
      %dma_start3A_97 = arith.constant 0 : i32
      %dma_start3A_98 = arith.constant 0 : i32
      %dma_start3A_99 = tpu.memref_slice %arg3[%add3A, %dma_start3A_97, %dma_start3A_98] : memref<32x80x128xi32, #tpu.memory_space<hbm>> -> memref<1x16x128xi32, #tpu.memory_space<hbm>>
      %dma_start3A_100 = tpu.memref_squeeze %dma_start3A_99 : memref<1x16x128xi32, #tpu.memory_space<hbm>> -> memref<16x128xi32, #tpu.memory_space<hbm>>
      %dma_start3A_101 = arith.constant 0 : i32
      %dma_start3A_102 = arith.constant 0 : i32
      %dma_start3A_103 = tpu.memref_slice %arg3[%add3A, %dma_start3A_101, %dma_start3A_102] : memref<32x80x128xi32, #tpu.memory_space<hbm>> -> memref<1x16x128xi32, #tpu.memory_space<hbm>>
      %dma_start3A_104 = tpu.memref_squeeze %dma_start3A_103 : memref<1x16x128xi32, #tpu.memory_space<hbm>> -> memref<16x128xi32, #tpu.memory_space<hbm>>
      tpu.enqueue_dma source(%dma_start3A_104 : memref<16x128xi32, #tpu.memory_space<hbm>>) target(%arg5 : memref<16x128xi32, #tpu.memory_space<vmem>>) target_semaphore(%run_scoped3A : memref<!tpu.dma_semaphore, #tpu.memory_space<semaphore_mem>>)
      %dma_wait3A = arith.constant 0 : i32
      %dma_wait3A_105 = arith.constant 0 : i32
      %dma_wait3A_106 = tpu.memref_slice %arg3[%add3A, %dma_wait3A, %dma_wait3A_105] : memref<32x80x128xi32, #tpu.memory_space<hbm>> -> memref<1x16x128xi32, #tpu.memory_space<hbm>>
      %dma_wait3A_107 = tpu.memref_squeeze %dma_wait3A_106 : memref<1x16x128xi32, #tpu.memory_space<hbm>> -> memref<16x128xi32, #tpu.memory_space<hbm>>
      %dma_wait3A_108 = arith.constant 0 : i32
      %dma_wait3A_109 = arith.constant 0 : i32
      %dma_wait3A_110 = tpu.memref_slice %arg3[%add3A, %dma_wait3A_108, %dma_wait3A_109] : memref<32x80x128xi32, #tpu.memory_space<hbm>> -> memref<1x16x128xi32, #tpu.memory_space<hbm>>
      %dma_wait3A_111 = tpu.memref_squeeze %dma_wait3A_110 : memref<1x16x128xi32, #tpu.memory_space<hbm>> -> memref<16x128xi32, #tpu.memory_space<hbm>>
      tpu.wait_dma2 semaphore(%run_scoped3A : memref<!tpu.dma_semaphore, #tpu.memory_space<semaphore_mem>>) src(%dma_wait3A_111 : memref<16x128xi32, #tpu.memory_space<hbm>>) dst(%arg5 : memref<16x128xi32, #tpu.memory_space<vmem>>)
      tpu.yield
    }) : () -> ()
    %add3A_19 = arith.constant 0 : i32
    %add3A_20 = arith.addi %mul3A_18, %add3A_19 : i32
    %dma_start3A = arith.constant 0 : i32
    %dma_start3A_21 = tpu.memref_slice %arg2[%add3A_20, %dma_start3A] : memref<327680x128xf32, #tpu.memory_space<hbm>> -> memref<128x128xf32, #tpu.memory_space<hbm>>
    %dma_start3A_22 = arith.constant 0 : i32
    %dma_start3A_23 = tpu.memref_slice %arg2[%add3A_20, %dma_start3A_22] : memref<327680x128xf32, #tpu.memory_space<hbm>> -> memref<128x128xf32, #tpu.memory_space<hbm>>
    tpu.enqueue_dma source(%dma_start3A_23 : memref<128x128xf32, #tpu.memory_space<hbm>>) target(%arg6 : memref<128x128xf32, #tpu.memory_space<vmem>>) target_semaphore(%arg9 : memref<!tpu.dma_semaphore, #tpu.memory_space<semaphore_mem>>)
    %scan3A_24 = arith.constant 0 : i32
    %scan3A_25 = arith.constant 8 : i32
    %scan3A_26 = arith.addi %scan3A_24, %scan3A_25 : i32
    %scan3A_27 = arith.constant 1 : i32
    scf.for %scan3A_97 = %scan3A_24 to %scan3A_26 step %scan3A_27  : i32 {
      %mul3A_98 = arith.constant 2 : i32
      %mul3A_99 = arith.muli %scan3A_97, %mul3A_98 : i32
      %add3A_100 = arith.constant 0 : i32
      %add3A_101 = arith.addi %add3A_100, %mul3A_99 : i32
      %add3A_102 = arith.constant 0 : i32
      %add3A_103 = arith.addi %add3A_102, %add3A_101 : i32
      %mul3A_104 = arith.constant 128 : i32
      %mul3A_105 = arith.muli %add3A_103, %mul3A_104 : i32
      %add3A_106 = arith.addi %mul3A_18, %mul3A_105 : i32
      %dma_wait3A = arith.constant 0 : i32
      %dma_wait3A_107 = tpu.memref_slice %arg2[%add3A_106, %dma_wait3A] : memref<327680x128xf32, #tpu.memory_space<hbm>> -> memref<128x128xf32, #tpu.memory_space<hbm>>
      %dma_wait3A_108 = arith.constant 0 : i32
      %dma_wait3A_109 = tpu.memref_slice %arg2[%add3A_106, %dma_wait3A_108] : memref<327680x128xf32, #tpu.memory_space<hbm>> -> memref<128x128xf32, #tpu.memory_space<hbm>>
      tpu.wait_dma2 semaphore(%arg9 : memref<!tpu.dma_semaphore, #tpu.memory_space<semaphore_mem>>) src(%dma_wait3A_109 : memref<128x128xf32, #tpu.memory_space<hbm>>) dst(%arg6 : memref<128x128xf32, #tpu.memory_space<vmem>>)
      %add3A_110 = arith.constant 1 : i32
      %add3A_111 = arith.addi %add3A_103, %add3A_110 : i32
      %mul3A_112 = arith.constant 128 : i32
      %mul3A_113 = arith.muli %add3A_111, %mul3A_112 : i32
      %add3A_114 = arith.addi %mul3A_18, %mul3A_113 : i32
      %dma_start3A_115 = arith.constant 0 : i32
      %dma_start3A_116 = tpu.memref_slice %arg2[%add3A_114, %dma_start3A_115] : memref<327680x128xf32, #tpu.memory_space<hbm>> -> memref<128x128xf32, #tpu.memory_space<hbm>>
      %dma_start3A_117 = arith.constant 0 : i32
      %dma_start3A_118 = tpu.memref_slice %arg2[%add3A_114, %dma_start3A_117] : memref<327680x128xf32, #tpu.memory_space<hbm>> -> memref<128x128xf32, #tpu.memory_space<hbm>>
      tpu.enqueue_dma source(%dma_start3A_118 : memref<128x128xf32, #tpu.memory_space<hbm>>) target(%arg7 : memref<128x128xf32, #tpu.memory_space<vmem>>) target_semaphore(%arg10 : memref<!tpu.dma_semaphore, #tpu.memory_space<semaphore_mem>>)
      "tpu.region"() ({
        %run_scoped3A = tpu.sem_alloc : memref<!tpu.dma_semaphore, #tpu.memory_space<semaphore_mem>>
        %dma_start3A_134 = arith.constant 0 : i32
        %dma_start3A_135 = tpu.memref_slice %arg5[%add3A_101, %dma_start3A_134] : memref<16x128xi32, #tpu.memory_space<vmem>> -> memref<1x128xi32, #tpu.memory_space<vmem>>
        %dma_start3A_136 = tpu.memref_squeeze %dma_start3A_135 : memref<1x128xi32, #tpu.memory_space<vmem>> -> memref<128xi32, #tpu.memory_space<vmem>>
        %dma_start3A_137 = arith.constant 0 : i32
        %dma_start3A_138 = arith.constant 0 : i32
        %dma_start3A_139 = tpu.memref_slice %arg8[%dma_start3A_137, %dma_start3A_138] : memref<10112x128xf32, #tpu.memory_space<vmem_shared>> -> memref<10112x128xf32, #tpu.memory_space<vmem_shared>>
        tpu.enqueue_indirect_dma source(%arg6 : memref<128x128xf32, #tpu.memory_space<vmem>>) target(%dma_start3A_139 : memref<10112x128xf32, #tpu.memory_space<vmem_shared>>) offsets(%dma_start3A_136 : memref<128xi32, #tpu.memory_space<vmem>>) semaphore(%run_scoped3A : memref<!tpu.dma_semaphore, #tpu.memory_space<semaphore_mem>>) {add = true}
        %dma_wait3A_140 = arith.constant 0 : i32
        %dma_wait3A_141 = tpu.memref_slice %arg5[%add3A_101, %dma_wait3A_140] : memref<16x128xi32, #tpu.memory_space<vmem>> -> memref<1x128xi32, #tpu.memory_space<vmem>>
        %dma_wait3A_142 = tpu.memref_squeeze %dma_wait3A_141 : memref<1x128xi32, #tpu.memory_space<vmem>> -> memref<128xi32, #tpu.memory_space<vmem>>
        %dma_wait3A_143 = arith.constant 0 : i32
        %dma_wait3A_144 = arith.constant 0 : i32
        %dma_wait3A_145 = tpu.memref_slice %arg8[%dma_wait3A_143, %dma_wait3A_144] : memref<10112x128xf32, #tpu.memory_space<vmem_shared>> -> memref<10112x128xf32, #tpu.memory_space<vmem_shared>>
        tpu.wait_indirect_dma semaphore(%run_scoped3A : memref<!tpu.dma_semaphore, #tpu.memory_space<semaphore_mem>>) src(%arg6 : memref<128x128xf32, #tpu.memory_space<vmem>>) dst(%dma_wait3A_145 : memref<10112x128xf32, #tpu.memory_space<vmem_shared>>)
        tpu.yield
      }) : () -> ()
      %add3A_119 = arith.constant 1 : i32
      %add3A_120 = arith.addi %add3A_103, %add3A_119 : i32
      %mul3A_121 = arith.constant 128 : i32
      %mul3A_122 = arith.muli %add3A_120, %mul3A_121 : i32
      %add3A_123 = arith.addi %mul3A_18, %mul3A_122 : i32
      %dma_wait3A_124 = arith.constant 0 : i32
      %dma_wait3A_125 = tpu.memref_slice %arg2[%add3A_123, %dma_wait3A_124] : memref<327680x128xf32, #tpu.memory_space<hbm>> -> memref<128x128xf32, #tpu.memory_space<hbm>>
      %dma_wait3A_126 = arith.constant 0 : i32
      %dma_wait3A_127 = tpu.memref_slice %arg2[%add3A_123, %dma_wait3A_126] : memref<327680x128xf32, #tpu.memory_space<hbm>> -> memref<128x128xf32, #tpu.memory_space<hbm>>
      tpu.wait_dma2 semaphore(%arg10 : memref<!tpu.dma_semaphore, #tpu.memory_space<semaphore_mem>>) src(%dma_wait3A_127 : memref<128x128xf32, #tpu.memory_space<hbm>>) dst(%arg7 : memref<128x128xf32, #tpu.memory_space<vmem>>)
      %add3A_128 = arith.constant 2 : i32
      %add3A_129 = arith.addi %add3A_101, %add3A_128 : i32
      %lt3A = arith.constant 16 : i32
      %lt3A_130 = arith.cmpi slt, %add3A_129, %lt3A : i32
      %convert_element_type3A = arith.extui %lt3A_130 : i1 to i32
      %cond3A = arith.constant 0 : i32
      %cond3A_131 = arith.cmpi ne, %convert_element_type3A, %cond3A : i32
      scf.if %cond3A_131 {
        %add3A_134 = arith.constant 2 : i32
        %add3A_135 = arith.addi %add3A_103, %add3A_134 : i32
        %mul3A_136 = arith.constant 128 : i32
        %mul3A_137 = arith.muli %add3A_135, %mul3A_136 : i32
        %add3A_138 = arith.addi %mul3A_18, %mul3A_137 : i32
        %dma_start3A_139 = arith.constant 0 : i32
        %dma_start3A_140 = tpu.memref_slice %arg2[%add3A_138, %dma_start3A_139] : memref<327680x128xf32, #tpu.memory_space<hbm>> -> memref<128x128xf32, #tpu.memory_space<hbm>>
        %dma_start3A_141 = arith.constant 0 : i32
        %dma_start3A_142 = tpu.memref_slice %arg2[%add3A_138, %dma_start3A_141] : memref<327680x128xf32, #tpu.memory_space<hbm>> -> memref<128x128xf32, #tpu.memory_space<hbm>>
        tpu.enqueue_dma source(%dma_start3A_142 : memref<128x128xf32, #tpu.memory_space<hbm>>) target(%arg6 : memref<128x128xf32, #tpu.memory_space<vmem>>) target_semaphore(%arg9 : memref<!tpu.dma_semaphore, #tpu.memory_space<semaphore_mem>>)
      } else {
      }
      %add3A_132 = arith.constant 1 : i32
      %add3A_133 = arith.addi %add3A_101, %add3A_132 : i32
      "tpu.region"() ({
        %run_scoped3A = tpu.sem_alloc : memref<!tpu.dma_semaphore, #tpu.memory_space<semaphore_mem>>
        %dma_start3A_134 = arith.constant 0 : i32
        %dma_start3A_135 = tpu.memref_slice %arg5[%add3A_133, %dma_start3A_134] : memref<16x128xi32, #tpu.memory_space<vmem>> -> memref<1x128xi32, #tpu.memory_space<vmem>>
        %dma_start3A_136 = tpu.memref_squeeze %dma_start3A_135 : memref<1x128xi32, #tpu.memory_space<vmem>> -> memref<128xi32, #tpu.memory_space<vmem>>
        %dma_start3A_137 = arith.constant 0 : i32
        %dma_start3A_138 = arith.constant 0 : i32
        %dma_start3A_139 = tpu.memref_slice %arg8[%dma_start3A_137, %dma_start3A_138] : memref<10112x128xf32, #tpu.memory_space<vmem_shared>> -> memref<10112x128xf32, #tpu.memory_space<vmem_shared>>
        tpu.enqueue_indirect_dma source(%arg7 : memref<128x128xf32, #tpu.memory_space<vmem>>) target(%dma_start3A_139 : memref<10112x128xf32, #tpu.memory_space<vmem_shared>>) offsets(%dma_start3A_136 : memref<128xi32, #tpu.memory_space<vmem>>) semaphore(%run_scoped3A : memref<!tpu.dma_semaphore, #tpu.memory_space<semaphore_mem>>) {add = true}
        %dma_wait3A_140 = arith.constant 0 : i32
        %dma_wait3A_141 = tpu.memref_slice %arg5[%add3A_133, %dma_wait3A_140] : memref<16x128xi32, #tpu.memory_space<vmem>> -> memref<1x128xi32, #tpu.memory_space<vmem>>
        %dma_wait3A_142 = tpu.memref_squeeze %dma_wait3A_141 : memref<1x128xi32, #tpu.memory_space<vmem>> -> memref<128xi32, #tpu.memory_space<vmem>>
        %dma_wait3A_143 = arith.constant 0 : i32
        %dma_wait3A_144 = arith.constant 0 : i32
        %dma_wait3A_145 = tpu.memref_slice %arg8[%dma_wait3A_143, %dma_wait3A_144] : memref<10112x128xf32, #tpu.memory_space<vmem_shared>> -> memref<10112x128xf32, #tpu.memory_space<vmem_shared>>
        tpu.wait_indirect_dma semaphore(%run_scoped3A : memref<!tpu.dma_semaphore, #tpu.memory_space<semaphore_mem>>) src(%arg7 : memref<128x128xf32, #tpu.memory_space<vmem>>) dst(%dma_wait3A_145 : memref<10112x128xf32, #tpu.memory_space<vmem_shared>>)
        tpu.yield
      }) : () -> ()
    }
    %scan3A_28 = arith.constant 8 : i32
    "tpu.region"() ({
      %run_scoped3A = tpu.sem_alloc : memref<!tpu.dma_semaphore, #tpu.memory_space<semaphore_mem>>
      %dma_start3A_97 = arith.constant 16 : i32
      %dma_start3A_98 = arith.constant 0 : i32
      %dma_start3A_99 = tpu.memref_slice %arg3[%add3A, %dma_start3A_97, %dma_start3A_98] : memref<32x80x128xi32, #tpu.memory_space<hbm>> -> memref<1x16x128xi32, #tpu.memory_space<hbm>>
      %dma_start3A_100 = tpu.memref_squeeze %dma_start3A_99 : memref<1x16x128xi32, #tpu.memory_space<hbm>> -> memref<16x128xi32, #tpu.memory_space<hbm>>
      %dma_start3A_101 = arith.constant 16 : i32
      %dma_start3A_102 = arith.constant 0 : i32
      %dma_start3A_103 = tpu.memref_slice %arg3[%add3A, %dma_start3A_101, %dma_start3A_102] : memref<32x80x128xi32, #tpu.memory_space<hbm>> -> memref<1x16x128xi32, #tpu.memory_space<hbm>>
      %dma_start3A_104 = tpu.memref_squeeze %dma_start3A_103 : memref<1x16x128xi32, #tpu.memory_space<hbm>> -> memref<16x128xi32, #tpu.memory_space<hbm>>
      tpu.enqueue_dma source(%dma_start3A_104 : memref<16x128xi32, #tpu.memory_space<hbm>>) target(%arg5 : memref<16x128xi32, #tpu.memory_space<vmem>>) target_semaphore(%run_scoped3A : memref<!tpu.dma_semaphore, #tpu.memory_space<semaphore_mem>>)
      %dma_wait3A = arith.constant 16 : i32
      %dma_wait3A_105 = arith.constant 0 : i32
      %dma_wait3A_106 = tpu.memref_slice %arg3[%add3A, %dma_wait3A, %dma_wait3A_105] : memref<32x80x128xi32, #tpu.memory_space<hbm>> -> memref<1x16x128xi32, #tpu.memory_space<hbm>>
      %dma_wait3A_107 = tpu.memref_squeeze %dma_wait3A_106 : memref<1x16x128xi32, #tpu.memory_space<hbm>> -> memref<16x128xi32, #tpu.memory_space<hbm>>
      %dma_wait3A_108 = arith.constant 16 : i32
      %dma_wait3A_109 = arith.constant 0 : i32
      %dma_wait3A_110 = tpu.memref_slice %arg3[%add3A, %dma_wait3A_108, %dma_wait3A_109] : memref<32x80x128xi32, #tpu.memory_space<hbm>> -> memref<1x16x128xi32, #tpu.memory_space<hbm>>
      %dma_wait3A_111 = tpu.memref_squeeze %dma_wait3A_110 : memref<1x16x128xi32, #tpu.memory_space<hbm>> -> memref<16x128xi32, #tpu.memory_space<hbm>>
      tpu.wait_dma2 semaphore(%run_scoped3A : memref<!tpu.dma_semaphore, #tpu.memory_space<semaphore_mem>>) src(%dma_wait3A_111 : memref<16x128xi32, #tpu.memory_space<hbm>>) dst(%arg5 : memref<16x128xi32, #tpu.memory_space<vmem>>)
      tpu.yield
    }) : () -> ()
    %add3A_29 = arith.constant 2048 : i32
    %add3A_30 = arith.addi %mul3A_18, %add3A_29 : i32
    %dma_start3A_31 = arith.constant 0 : i32
    %dma_start3A_32 = tpu.memref_slice %arg2[%add3A_30, %dma_start3A_31] : memref<327680x128xf32, #tpu.memory_space<hbm>> -> memref<128x128xf32, #tpu.memory_space<hbm>>
    %dma_start3A_33 = arith.constant 0 : i32
    %dma_start3A_34 = tpu.memref_slice %arg2[%add3A_30, %dma_start3A_33] : memref<327680x128xf32, #tpu.memory_space<hbm>> -> memref<128x128xf32, #tpu.memory_space<hbm>>
    tpu.enqueue_dma source(%dma_start3A_34 : memref<128x128xf32, #tpu.memory_space<hbm>>) target(%arg6 : memref<128x128xf32, #tpu.memory_space<vmem>>) target_semaphore(%arg9 : memref<!tpu.dma_semaphore, #tpu.memory_space<semaphore_mem>>)
    %scan3A_35 = arith.constant 0 : i32
    %scan3A_36 = arith.constant 8 : i32
    %scan3A_37 = arith.addi %scan3A_35, %scan3A_36 : i32
    %scan3A_38 = arith.constant 1 : i32
    scf.for %scan3A_97 = %scan3A_35 to %scan3A_37 step %scan3A_38  : i32 {
      %mul3A_98 = arith.constant 2 : i32
      %mul3A_99 = arith.muli %scan3A_97, %mul3A_98 : i32
      %add3A_100 = arith.constant 0 : i32
      %add3A_101 = arith.addi %add3A_100, %mul3A_99 : i32
      %add3A_102 = arith.constant 16 : i32
      %add3A_103 = arith.addi %add3A_102, %add3A_101 : i32
      %mul3A_104 = arith.constant 128 : i32
      %mul3A_105 = arith.muli %add3A_103, %mul3A_104 : i32
      %add3A_106 = arith.addi %mul3A_18, %mul3A_105 : i32
      %dma_wait3A = arith.constant 0 : i32
      %dma_wait3A_107 = tpu.memref_slice %arg2[%add3A_106, %dma_wait3A] : memref<327680x128xf32, #tpu.memory_space<hbm>> -> memref<128x128xf32, #tpu.memory_space<hbm>>
      %dma_wait3A_108 = arith.constant 0 : i32
      %dma_wait3A_109 = tpu.memref_slice %arg2[%add3A_106, %dma_wait3A_108] : memref<327680x128xf32, #tpu.memory_space<hbm>> -> memref<128x128xf32, #tpu.memory_space<hbm>>
      tpu.wait_dma2 semaphore(%arg9 : memref<!tpu.dma_semaphore, #tpu.memory_space<semaphore_mem>>) src(%dma_wait3A_109 : memref<128x128xf32, #tpu.memory_space<hbm>>) dst(%arg6 : memref<128x128xf32, #tpu.memory_space<vmem>>)
      %add3A_110 = arith.constant 1 : i32
      %add3A_111 = arith.addi %add3A_103, %add3A_110 : i32
      %mul3A_112 = arith.constant 128 : i32
      %mul3A_113 = arith.muli %add3A_111, %mul3A_112 : i32
      %add3A_114 = arith.addi %mul3A_18, %mul3A_113 : i32
      %dma_start3A_115 = arith.constant 0 : i32
      %dma_start3A_116 = tpu.memref_slice %arg2[%add3A_114, %dma_start3A_115] : memref<327680x128xf32, #tpu.memory_space<hbm>> -> memref<128x128xf32, #tpu.memory_space<hbm>>
      %dma_start3A_117 = arith.constant 0 : i32
      %dma_start3A_118 = tpu.memref_slice %arg2[%add3A_114, %dma_start3A_117] : memref<327680x128xf32, #tpu.memory_space<hbm>> -> memref<128x128xf32, #tpu.memory_space<hbm>>
      tpu.enqueue_dma source(%dma_start3A_118 : memref<128x128xf32, #tpu.memory_space<hbm>>) target(%arg7 : memref<128x128xf32, #tpu.memory_space<vmem>>) target_semaphore(%arg10 : memref<!tpu.dma_semaphore, #tpu.memory_space<semaphore_mem>>)
      "tpu.region"() ({
        %run_scoped3A = tpu.sem_alloc : memref<!tpu.dma_semaphore, #tpu.memory_space<semaphore_mem>>
        %dma_start3A_134 = arith.constant 0 : i32
        %dma_start3A_135 = tpu.memref_slice %arg5[%add3A_101, %dma_start3A_134] : memref<16x128xi32, #tpu.memory_space<vmem>> -> memref<1x128xi32, #tpu.memory_space<vmem>>
        %dma_start3A_136 = tpu.memref_squeeze %dma_start3A_135 : memref<1x128xi32, #tpu.memory_space<vmem>> -> memref<128xi32, #tpu.memory_space<vmem>>
        %dma_start3A_137 = arith.constant 0 : i32
        %dma_start3A_138 = arith.constant 0 : i32
        %dma_start3A_139 = tpu.memref_slice %arg8[%dma_start3A_137, %dma_start3A_138] : memref<10112x128xf32, #tpu.memory_space<vmem_shared>> -> memref<10112x128xf32, #tpu.memory_space<vmem_shared>>
        tpu.enqueue_indirect_dma source(%arg6 : memref<128x128xf32, #tpu.memory_space<vmem>>) target(%dma_start3A_139 : memref<10112x128xf32, #tpu.memory_space<vmem_shared>>) offsets(%dma_start3A_136 : memref<128xi32, #tpu.memory_space<vmem>>) semaphore(%run_scoped3A : memref<!tpu.dma_semaphore, #tpu.memory_space<semaphore_mem>>) {add = true}
        %dma_wait3A_140 = arith.constant 0 : i32
        %dma_wait3A_141 = tpu.memref_slice %arg5[%add3A_101, %dma_wait3A_140] : memref<16x128xi32, #tpu.memory_space<vmem>> -> memref<1x128xi32, #tpu.memory_space<vmem>>
        %dma_wait3A_142 = tpu.memref_squeeze %dma_wait3A_141 : memref<1x128xi32, #tpu.memory_space<vmem>> -> memref<128xi32, #tpu.memory_space<vmem>>
        %dma_wait3A_143 = arith.constant 0 : i32
        %dma_wait3A_144 = arith.constant 0 : i32
        %dma_wait3A_145 = tpu.memref_slice %arg8[%dma_wait3A_143, %dma_wait3A_144] : memref<10112x128xf32, #tpu.memory_space<vmem_shared>> -> memref<10112x128xf32, #tpu.memory_space<vmem_shared>>
        tpu.wait_indirect_dma semaphore(%run_scoped3A : memref<!tpu.dma_semaphore, #tpu.memory_space<semaphore_mem>>) src(%arg6 : memref<128x128xf32, #tpu.memory_space<vmem>>) dst(%dma_wait3A_145 : memref<10112x128xf32, #tpu.memory_space<vmem_shared>>)
        tpu.yield
      }) : () -> ()
      %add3A_119 = arith.constant 1 : i32
      %add3A_120 = arith.addi %add3A_103, %add3A_119 : i32
      %mul3A_121 = arith.constant 128 : i32
      %mul3A_122 = arith.muli %add3A_120, %mul3A_121 : i32
      %add3A_123 = arith.addi %mul3A_18, %mul3A_122 : i32
      %dma_wait3A_124 = arith.constant 0 : i32
      %dma_wait3A_125 = tpu.memref_slice %arg2[%add3A_123, %dma_wait3A_124] : memref<327680x128xf32, #tpu.memory_space<hbm>> -> memref<128x128xf32, #tpu.memory_space<hbm>>
      %dma_wait3A_126 = arith.constant 0 : i32
      %dma_wait3A_127 = tpu.memref_slice %arg2[%add3A_123, %dma_wait3A_126] : memref<327680x128xf32, #tpu.memory_space<hbm>> -> memref<128x128xf32, #tpu.memory_space<hbm>>
      tpu.wait_dma2 semaphore(%arg10 : memref<!tpu.dma_semaphore, #tpu.memory_space<semaphore_mem>>) src(%dma_wait3A_127 : memref<128x128xf32, #tpu.memory_space<hbm>>) dst(%arg7 : memref<128x128xf32, #tpu.memory_space<vmem>>)
      %add3A_128 = arith.constant 2 : i32
      %add3A_129 = arith.addi %add3A_101, %add3A_128 : i32
      %lt3A = arith.constant 16 : i32
      %lt3A_130 = arith.cmpi slt, %add3A_129, %lt3A : i32
      %convert_element_type3A = arith.extui %lt3A_130 : i1 to i32
      %cond3A = arith.constant 0 : i32
      %cond3A_131 = arith.cmpi ne, %convert_element_type3A, %cond3A : i32
      scf.if %cond3A_131 {
        %add3A_134 = arith.constant 2 : i32
        %add3A_135 = arith.addi %add3A_103, %add3A_134 : i32
        %mul3A_136 = arith.constant 128 : i32
        %mul3A_137 = arith.muli %add3A_135, %mul3A_136 : i32
        %add3A_138 = arith.addi %mul3A_18, %mul3A_137 : i32
        %dma_start3A_139 = arith.constant 0 : i32
        %dma_start3A_140 = tpu.memref_slice %arg2[%add3A_138, %dma_start3A_139] : memref<327680x128xf32, #tpu.memory_space<hbm>> -> memref<128x128xf32, #tpu.memory_space<hbm>>
        %dma_start3A_141 = arith.constant 0 : i32
        %dma_start3A_142 = tpu.memref_slice %arg2[%add3A_138, %dma_start3A_141] : memref<327680x128xf32, #tpu.memory_space<hbm>> -> memref<128x128xf32, #tpu.memory_space<hbm>>
        tpu.enqueue_dma source(%dma_start3A_142 : memref<128x128xf32, #tpu.memory_space<hbm>>) target(%arg6 : memref<128x128xf32, #tpu.memory_space<vmem>>) target_semaphore(%arg9 : memref<!tpu.dma_semaphore, #tpu.memory_space<semaphore_mem>>)
      } else {
      }
      %add3A_132 = arith.constant 1 : i32
      %add3A_133 = arith.addi %add3A_101, %add3A_132 : i32
      "tpu.region"() ({
        %run_scoped3A = tpu.sem_alloc : memref<!tpu.dma_semaphore, #tpu.memory_space<semaphore_mem>>
        %dma_start3A_134 = arith.constant 0 : i32
        %dma_start3A_135 = tpu.memref_slice %arg5[%add3A_133, %dma_start3A_134] : memref<16x128xi32, #tpu.memory_space<vmem>> -> memref<1x128xi32, #tpu.memory_space<vmem>>
        %dma_start3A_136 = tpu.memref_squeeze %dma_start3A_135 : memref<1x128xi32, #tpu.memory_space<vmem>> -> memref<128xi32, #tpu.memory_space<vmem>>
        %dma_start3A_137 = arith.constant 0 : i32
        %dma_start3A_138 = arith.constant 0 : i32
        %dma_start3A_139 = tpu.memref_slice %arg8[%dma_start3A_137, %dma_start3A_138] : memref<10112x128xf32, #tpu.memory_space<vmem_shared>> -> memref<10112x128xf32, #tpu.memory_space<vmem_shared>>
        tpu.enqueue_indirect_dma source(%arg7 : memref<128x128xf32, #tpu.memory_space<vmem>>) target(%dma_start3A_139 : memref<10112x128xf32, #tpu.memory_space<vmem_shared>>) offsets(%dma_start3A_136 : memref<128xi32, #tpu.memory_space<vmem>>) semaphore(%run_scoped3A : memref<!tpu.dma_semaphore, #tpu.memory_space<semaphore_mem>>) {add = true}
        %dma_wait3A_140 = arith.constant 0 : i32
        %dma_wait3A_141 = tpu.memref_slice %arg5[%add3A_133, %dma_wait3A_140] : memref<16x128xi32, #tpu.memory_space<vmem>> -> memref<1x128xi32, #tpu.memory_space<vmem>>
        %dma_wait3A_142 = tpu.memref_squeeze %dma_wait3A_141 : memref<1x128xi32, #tpu.memory_space<vmem>> -> memref<128xi32, #tpu.memory_space<vmem>>
        %dma_wait3A_143 = arith.constant 0 : i32
        %dma_wait3A_144 = arith.constant 0 : i32
        %dma_wait3A_145 = tpu.memref_slice %arg8[%dma_wait3A_143, %dma_wait3A_144] : memref<10112x128xf32, #tpu.memory_space<vmem_shared>> -> memref<10112x128xf32, #tpu.memory_space<vmem_shared>>
        tpu.wait_indirect_dma semaphore(%run_scoped3A : memref<!tpu.dma_semaphore, #tpu.memory_space<semaphore_mem>>) src(%arg7 : memref<128x128xf32, #tpu.memory_space<vmem>>) dst(%dma_wait3A_145 : memref<10112x128xf32, #tpu.memory_space<vmem_shared>>)
        tpu.yield
      }) : () -> ()
    }
    %scan3A_39 = arith.constant 8 : i32
    "tpu.region"() ({
      %run_scoped3A = tpu.sem_alloc : memref<!tpu.dma_semaphore, #tpu.memory_space<semaphore_mem>>
      %dma_start3A_97 = arith.constant 32 : i32
      %dma_start3A_98 = arith.constant 0 : i32
      %dma_start3A_99 = tpu.memref_slice %arg3[%add3A, %dma_start3A_97, %dma_start3A_98] : memref<32x80x128xi32, #tpu.memory_space<hbm>> -> memref<1x16x128xi32, #tpu.memory_space<hbm>>
      %dma_start3A_100 = tpu.memref_squeeze %dma_start3A_99 : memref<1x16x128xi32, #tpu.memory_space<hbm>> -> memref<16x128xi32, #tpu.memory_space<hbm>>
      %dma_start3A_101 = arith.constant 32 : i32
      %dma_start3A_102 = arith.constant 0 : i32
      %dma_start3A_103 = tpu.memref_slice %arg3[%add3A, %dma_start3A_101, %dma_start3A_102] : memref<32x80x128xi32, #tpu.memory_space<hbm>> -> memref<1x16x128xi32, #tpu.memory_space<hbm>>
      %dma_start3A_104 = tpu.memref_squeeze %dma_start3A_103 : memref<1x16x128xi32, #tpu.memory_space<hbm>> -> memref<16x128xi32, #tpu.memory_space<hbm>>
      tpu.enqueue_dma source(%dma_start3A_104 : memref<16x128xi32, #tpu.memory_space<hbm>>) target(%arg5 : memref<16x128xi32, #tpu.memory_space<vmem>>) target_semaphore(%run_scoped3A : memref<!tpu.dma_semaphore, #tpu.memory_space<semaphore_mem>>)
      %dma_wait3A = arith.constant 32 : i32
      %dma_wait3A_105 = arith.constant 0 : i32
      %dma_wait3A_106 = tpu.memref_slice %arg3[%add3A, %dma_wait3A, %dma_wait3A_105] : memref<32x80x128xi32, #tpu.memory_space<hbm>> -> memref<1x16x128xi32, #tpu.memory_space<hbm>>
      %dma_wait3A_107 = tpu.memref_squeeze %dma_wait3A_106 : memref<1x16x128xi32, #tpu.memory_space<hbm>> -> memref<16x128xi32, #tpu.memory_space<hbm>>
      %dma_wait3A_108 = arith.constant 32 : i32
      %dma_wait3A_109 = arith.constant 0 : i32
      %dma_wait3A_110 = tpu.memref_slice %arg3[%add3A, %dma_wait3A_108, %dma_wait3A_109] : memref<32x80x128xi32, #tpu.memory_space<hbm>> -> memref<1x16x128xi32, #tpu.memory_space<hbm>>
      %dma_wait3A_111 = tpu.memref_squeeze %dma_wait3A_110 : memref<1x16x128xi32, #tpu.memory_space<hbm>> -> memref<16x128xi32, #tpu.memory_space<hbm>>
      tpu.wait_dma2 semaphore(%run_scoped3A : memref<!tpu.dma_semaphore, #tpu.memory_space<semaphore_mem>>) src(%dma_wait3A_111 : memref<16x128xi32, #tpu.memory_space<hbm>>) dst(%arg5 : memref<16x128xi32, #tpu.memory_space<vmem>>)
      tpu.yield
    }) : () -> ()
    %add3A_40 = arith.constant 4096 : i32
    %add3A_41 = arith.addi %mul3A_18, %add3A_40 : i32
    %dma_start3A_42 = arith.constant 0 : i32
    %dma_start3A_43 = tpu.memref_slice %arg2[%add3A_41, %dma_start3A_42] : memref<327680x128xf32, #tpu.memory_space<hbm>> -> memref<128x128xf32, #tpu.memory_space<hbm>>
    %dma_start3A_44 = arith.constant 0 : i32
    %dma_start3A_45 = tpu.memref_slice %arg2[%add3A_41, %dma_start3A_44] : memref<327680x128xf32, #tpu.memory_space<hbm>> -> memref<128x128xf32, #tpu.memory_space<hbm>>
    tpu.enqueue_dma source(%dma_start3A_45 : memref<128x128xf32, #tpu.memory_space<hbm>>) target(%arg6 : memref<128x128xf32, #tpu.memory_space<vmem>>) target_semaphore(%arg9 : memref<!tpu.dma_semaphore, #tpu.memory_space<semaphore_mem>>)
    %scan3A_46 = arith.constant 0 : i32
    %scan3A_47 = arith.constant 8 : i32
    %scan3A_48 = arith.addi %scan3A_46, %scan3A_47 : i32
    %scan3A_49 = arith.constant 1 : i32
    scf.for %scan3A_97 = %scan3A_46 to %scan3A_48 step %scan3A_49  : i32 {
      %mul3A_98 = arith.constant 2 : i32
      %mul3A_99 = arith.muli %scan3A_97, %mul3A_98 : i32
      %add3A_100 = arith.constant 0 : i32
      %add3A_101 = arith.addi %add3A_100, %mul3A_99 : i32
      %add3A_102 = arith.constant 32 : i32
      %add3A_103 = arith.addi %add3A_102, %add3A_101 : i32
      %mul3A_104 = arith.constant 128 : i32
      %mul3A_105 = arith.muli %add3A_103, %mul3A_104 : i32
      %add3A_106 = arith.addi %mul3A_18, %mul3A_105 : i32
      %dma_wait3A = arith.constant 0 : i32
      %dma_wait3A_107 = tpu.memref_slice %arg2[%add3A_106, %dma_wait3A] : memref<327680x128xf32, #tpu.memory_space<hbm>> -> memref<128x128xf32, #tpu.memory_space<hbm>>
      %dma_wait3A_108 = arith.constant 0 : i32
      %dma_wait3A_109 = tpu.memref_slice %arg2[%add3A_106, %dma_wait3A_108] : memref<327680x128xf32, #tpu.memory_space<hbm>> -> memref<128x128xf32, #tpu.memory_space<hbm>>
      tpu.wait_dma2 semaphore(%arg9 : memref<!tpu.dma_semaphore, #tpu.memory_space<semaphore_mem>>) src(%dma_wait3A_109 : memref<128x128xf32, #tpu.memory_space<hbm>>) dst(%arg6 : memref<128x128xf32, #tpu.memory_space<vmem>>)
      %add3A_110 = arith.constant 1 : i32
      %add3A_111 = arith.addi %add3A_103, %add3A_110 : i32
      %mul3A_112 = arith.constant 128 : i32
      %mul3A_113 = arith.muli %add3A_111, %mul3A_112 : i32
      %add3A_114 = arith.addi %mul3A_18, %mul3A_113 : i32
      %dma_start3A_115 = arith.constant 0 : i32
      %dma_start3A_116 = tpu.memref_slice %arg2[%add3A_114, %dma_start3A_115] : memref<327680x128xf32, #tpu.memory_space<hbm>> -> memref<128x128xf32, #tpu.memory_space<hbm>>
      %dma_start3A_117 = arith.constant 0 : i32
      %dma_start3A_118 = tpu.memref_slice %arg2[%add3A_114, %dma_start3A_117] : memref<327680x128xf32, #tpu.memory_space<hbm>> -> memref<128x128xf32, #tpu.memory_space<hbm>>
      tpu.enqueue_dma source(%dma_start3A_118 : memref<128x128xf32, #tpu.memory_space<hbm>>) target(%arg7 : memref<128x128xf32, #tpu.memory_space<vmem>>) target_semaphore(%arg10 : memref<!tpu.dma_semaphore, #tpu.memory_space<semaphore_mem>>)
      "tpu.region"() ({
        %run_scoped3A = tpu.sem_alloc : memref<!tpu.dma_semaphore, #tpu.memory_space<semaphore_mem>>
        %dma_start3A_134 = arith.constant 0 : i32
        %dma_start3A_135 = tpu.memref_slice %arg5[%add3A_101, %dma_start3A_134] : memref<16x128xi32, #tpu.memory_space<vmem>> -> memref<1x128xi32, #tpu.memory_space<vmem>>
        %dma_start3A_136 = tpu.memref_squeeze %dma_start3A_135 : memref<1x128xi32, #tpu.memory_space<vmem>> -> memref<128xi32, #tpu.memory_space<vmem>>
        %dma_start3A_137 = arith.constant 0 : i32
        %dma_start3A_138 = arith.constant 0 : i32
        %dma_start3A_139 = tpu.memref_slice %arg8[%dma_start3A_137, %dma_start3A_138] : memref<10112x128xf32, #tpu.memory_space<vmem_shared>> -> memref<10112x128xf32, #tpu.memory_space<vmem_shared>>
        tpu.enqueue_indirect_dma source(%arg6 : memref<128x128xf32, #tpu.memory_space<vmem>>) target(%dma_start3A_139 : memref<10112x128xf32, #tpu.memory_space<vmem_shared>>) offsets(%dma_start3A_136 : memref<128xi32, #tpu.memory_space<vmem>>) semaphore(%run_scoped3A : memref<!tpu.dma_semaphore, #tpu.memory_space<semaphore_mem>>) {add = true}
        %dma_wait3A_140 = arith.constant 0 : i32
        %dma_wait3A_141 = tpu.memref_slice %arg5[%add3A_101, %dma_wait3A_140] : memref<16x128xi32, #tpu.memory_space<vmem>> -> memref<1x128xi32, #tpu.memory_space<vmem>>
        %dma_wait3A_142 = tpu.memref_squeeze %dma_wait3A_141 : memref<1x128xi32, #tpu.memory_space<vmem>> -> memref<128xi32, #tpu.memory_space<vmem>>
        %dma_wait3A_143 = arith.constant 0 : i32
        %dma_wait3A_144 = arith.constant 0 : i32
        %dma_wait3A_145 = tpu.memref_slice %arg8[%dma_wait3A_143, %dma_wait3A_144] : memref<10112x128xf32, #tpu.memory_space<vmem_shared>> -> memref<10112x128xf32, #tpu.memory_space<vmem_shared>>
        tpu.wait_indirect_dma semaphore(%run_scoped3A : memref<!tpu.dma_semaphore, #tpu.memory_space<semaphore_mem>>) src(%arg6 : memref<128x128xf32, #tpu.memory_space<vmem>>) dst(%dma_wait3A_145 : memref<10112x128xf32, #tpu.memory_space<vmem_shared>>)
        tpu.yield
      }) : () -> ()
      %add3A_119 = arith.constant 1 : i32
      %add3A_120 = arith.addi %add3A_103, %add3A_119 : i32
      %mul3A_121 = arith.constant 128 : i32
      %mul3A_122 = arith.muli %add3A_120, %mul3A_121 : i32
      %add3A_123 = arith.addi %mul3A_18, %mul3A_122 : i32
      %dma_wait3A_124 = arith.constant 0 : i32
      %dma_wait3A_125 = tpu.memref_slice %arg2[%add3A_123, %dma_wait3A_124] : memref<327680x128xf32, #tpu.memory_space<hbm>> -> memref<128x128xf32, #tpu.memory_space<hbm>>
      %dma_wait3A_126 = arith.constant 0 : i32
      %dma_wait3A_127 = tpu.memref_slice %arg2[%add3A_123, %dma_wait3A_126] : memref<327680x128xf32, #tpu.memory_space<hbm>> -> memref<128x128xf32, #tpu.memory_space<hbm>>
      tpu.wait_dma2 semaphore(%arg10 : memref<!tpu.dma_semaphore, #tpu.memory_space<semaphore_mem>>) src(%dma_wait3A_127 : memref<128x128xf32, #tpu.memory_space<hbm>>) dst(%arg7 : memref<128x128xf32, #tpu.memory_space<vmem>>)
      %add3A_128 = arith.constant 2 : i32
      %add3A_129 = arith.addi %add3A_101, %add3A_128 : i32
      %lt3A = arith.constant 16 : i32
      %lt3A_130 = arith.cmpi slt, %add3A_129, %lt3A : i32
      %convert_element_type3A = arith.extui %lt3A_130 : i1 to i32
      %cond3A = arith.constant 0 : i32
      %cond3A_131 = arith.cmpi ne, %convert_element_type3A, %cond3A : i32
      scf.if %cond3A_131 {
        %add3A_134 = arith.constant 2 : i32
        %add3A_135 = arith.addi %add3A_103, %add3A_134 : i32
        %mul3A_136 = arith.constant 128 : i32
        %mul3A_137 = arith.muli %add3A_135, %mul3A_136 : i32
        %add3A_138 = arith.addi %mul3A_18, %mul3A_137 : i32
        %dma_start3A_139 = arith.constant 0 : i32
        %dma_start3A_140 = tpu.memref_slice %arg2[%add3A_138, %dma_start3A_139] : memref<327680x128xf32, #tpu.memory_space<hbm>> -> memref<128x128xf32, #tpu.memory_space<hbm>>
        %dma_start3A_141 = arith.constant 0 : i32
        %dma_start3A_142 = tpu.memref_slice %arg2[%add3A_138, %dma_start3A_141] : memref<327680x128xf32, #tpu.memory_space<hbm>> -> memref<128x128xf32, #tpu.memory_space<hbm>>
        tpu.enqueue_dma source(%dma_start3A_142 : memref<128x128xf32, #tpu.memory_space<hbm>>) target(%arg6 : memref<128x128xf32, #tpu.memory_space<vmem>>) target_semaphore(%arg9 : memref<!tpu.dma_semaphore, #tpu.memory_space<semaphore_mem>>)
      } else {
      }
      %add3A_132 = arith.constant 1 : i32
      %add3A_133 = arith.addi %add3A_101, %add3A_132 : i32
      "tpu.region"() ({
        %run_scoped3A = tpu.sem_alloc : memref<!tpu.dma_semaphore, #tpu.memory_space<semaphore_mem>>
        %dma_start3A_134 = arith.constant 0 : i32
        %dma_start3A_135 = tpu.memref_slice %arg5[%add3A_133, %dma_start3A_134] : memref<16x128xi32, #tpu.memory_space<vmem>> -> memref<1x128xi32, #tpu.memory_space<vmem>>
        %dma_start3A_136 = tpu.memref_squeeze %dma_start3A_135 : memref<1x128xi32, #tpu.memory_space<vmem>> -> memref<128xi32, #tpu.memory_space<vmem>>
        %dma_start3A_137 = arith.constant 0 : i32
        %dma_start3A_138 = arith.constant 0 : i32
        %dma_start3A_139 = tpu.memref_slice %arg8[%dma_start3A_137, %dma_start3A_138] : memref<10112x128xf32, #tpu.memory_space<vmem_shared>> -> memref<10112x128xf32, #tpu.memory_space<vmem_shared>>
        tpu.enqueue_indirect_dma source(%arg7 : memref<128x128xf32, #tpu.memory_space<vmem>>) target(%dma_start3A_139 : memref<10112x128xf32, #tpu.memory_space<vmem_shared>>) offsets(%dma_start3A_136 : memref<128xi32, #tpu.memory_space<vmem>>) semaphore(%run_scoped3A : memref<!tpu.dma_semaphore, #tpu.memory_space<semaphore_mem>>) {add = true}
        %dma_wait3A_140 = arith.constant 0 : i32
        %dma_wait3A_141 = tpu.memref_slice %arg5[%add3A_133, %dma_wait3A_140] : memref<16x128xi32, #tpu.memory_space<vmem>> -> memref<1x128xi32, #tpu.memory_space<vmem>>
        %dma_wait3A_142 = tpu.memref_squeeze %dma_wait3A_141 : memref<1x128xi32, #tpu.memory_space<vmem>> -> memref<128xi32, #tpu.memory_space<vmem>>
        %dma_wait3A_143 = arith.constant 0 : i32
        %dma_wait3A_144 = arith.constant 0 : i32
        %dma_wait3A_145 = tpu.memref_slice %arg8[%dma_wait3A_143, %dma_wait3A_144] : memref<10112x128xf32, #tpu.memory_space<vmem_shared>> -> memref<10112x128xf32, #tpu.memory_space<vmem_shared>>
        tpu.wait_indirect_dma semaphore(%run_scoped3A : memref<!tpu.dma_semaphore, #tpu.memory_space<semaphore_mem>>) src(%arg7 : memref<128x128xf32, #tpu.memory_space<vmem>>) dst(%dma_wait3A_145 : memref<10112x128xf32, #tpu.memory_space<vmem_shared>>)
        tpu.yield
      }) : () -> ()
    }
    %scan3A_50 = arith.constant 8 : i32
    "tpu.region"() ({
      %run_scoped3A = tpu.sem_alloc : memref<!tpu.dma_semaphore, #tpu.memory_space<semaphore_mem>>
      %dma_start3A_97 = arith.constant 48 : i32
      %dma_start3A_98 = arith.constant 0 : i32
      %dma_start3A_99 = tpu.memref_slice %arg3[%add3A, %dma_start3A_97, %dma_start3A_98] : memref<32x80x128xi32, #tpu.memory_space<hbm>> -> memref<1x16x128xi32, #tpu.memory_space<hbm>>
      %dma_start3A_100 = tpu.memref_squeeze %dma_start3A_99 : memref<1x16x128xi32, #tpu.memory_space<hbm>> -> memref<16x128xi32, #tpu.memory_space<hbm>>
      %dma_start3A_101 = arith.constant 48 : i32
      %dma_start3A_102 = arith.constant 0 : i32
      %dma_start3A_103 = tpu.memref_slice %arg3[%add3A, %dma_start3A_101, %dma_start3A_102] : memref<32x80x128xi32, #tpu.memory_space<hbm>> -> memref<1x16x128xi32, #tpu.memory_space<hbm>>
      %dma_start3A_104 = tpu.memref_squeeze %dma_start3A_103 : memref<1x16x128xi32, #tpu.memory_space<hbm>> -> memref<16x128xi32, #tpu.memory_space<hbm>>
      tpu.enqueue_dma source(%dma_start3A_104 : memref<16x128xi32, #tpu.memory_space<hbm>>) target(%arg5 : memref<16x128xi32, #tpu.memory_space<vmem>>) target_semaphore(%run_scoped3A : memref<!tpu.dma_semaphore, #tpu.memory_space<semaphore_mem>>)
      %dma_wait3A = arith.constant 48 : i32
      %dma_wait3A_105 = arith.constant 0 : i32
      %dma_wait3A_106 = tpu.memref_slice %arg3[%add3A, %dma_wait3A, %dma_wait3A_105] : memref<32x80x128xi32, #tpu.memory_space<hbm>> -> memref<1x16x128xi32, #tpu.memory_space<hbm>>
      %dma_wait3A_107 = tpu.memref_squeeze %dma_wait3A_106 : memref<1x16x128xi32, #tpu.memory_space<hbm>> -> memref<16x128xi32, #tpu.memory_space<hbm>>
      %dma_wait3A_108 = arith.constant 48 : i32
      %dma_wait3A_109 = arith.constant 0 : i32
      %dma_wait3A_110 = tpu.memref_slice %arg3[%add3A, %dma_wait3A_108, %dma_wait3A_109] : memref<32x80x128xi32, #tpu.memory_space<hbm>> -> memref<1x16x128xi32, #tpu.memory_space<hbm>>
      %dma_wait3A_111 = tpu.memref_squeeze %dma_wait3A_110 : memref<1x16x128xi32, #tpu.memory_space<hbm>> -> memref<16x128xi32, #tpu.memory_space<hbm>>
      tpu.wait_dma2 semaphore(%run_scoped3A : memref<!tpu.dma_semaphore, #tpu.memory_space<semaphore_mem>>) src(%dma_wait3A_111 : memref<16x128xi32, #tpu.memory_space<hbm>>) dst(%arg5 : memref<16x128xi32, #tpu.memory_space<vmem>>)
      tpu.yield
    }) : () -> ()
    %add3A_51 = arith.constant 6144 : i32
    %add3A_52 = arith.addi %mul3A_18, %add3A_51 : i32
    %dma_start3A_53 = arith.constant 0 : i32
    %dma_start3A_54 = tpu.memref_slice %arg2[%add3A_52, %dma_start3A_53] : memref<327680x128xf32, #tpu.memory_space<hbm>> -> memref<128x128xf32, #tpu.memory_space<hbm>>
    %dma_start3A_55 = arith.constant 0 : i32
    %dma_start3A_56 = tpu.memref_slice %arg2[%add3A_52, %dma_start3A_55] : memref<327680x128xf32, #tpu.memory_space<hbm>> -> memref<128x128xf32, #tpu.memory_space<hbm>>
    tpu.enqueue_dma source(%dma_start3A_56 : memref<128x128xf32, #tpu.memory_space<hbm>>) target(%arg6 : memref<128x128xf32, #tpu.memory_space<vmem>>) target_semaphore(%arg9 : memref<!tpu.dma_semaphore, #tpu.memory_space<semaphore_mem>>)
    %scan3A_57 = arith.constant 0 : i32
    %scan3A_58 = arith.constant 8 : i32
    %scan3A_59 = arith.addi %scan3A_57, %scan3A_58 : i32
    %scan3A_60 = arith.constant 1 : i32
    scf.for %scan3A_97 = %scan3A_57 to %scan3A_59 step %scan3A_60  : i32 {
      %mul3A_98 = arith.constant 2 : i32
      %mul3A_99 = arith.muli %scan3A_97, %mul3A_98 : i32
      %add3A_100 = arith.constant 0 : i32
      %add3A_101 = arith.addi %add3A_100, %mul3A_99 : i32
      %add3A_102 = arith.constant 48 : i32
      %add3A_103 = arith.addi %add3A_102, %add3A_101 : i32
      %mul3A_104 = arith.constant 128 : i32
      %mul3A_105 = arith.muli %add3A_103, %mul3A_104 : i32
      %add3A_106 = arith.addi %mul3A_18, %mul3A_105 : i32
      %dma_wait3A = arith.constant 0 : i32
      %dma_wait3A_107 = tpu.memref_slice %arg2[%add3A_106, %dma_wait3A] : memref<327680x128xf32, #tpu.memory_space<hbm>> -> memref<128x128xf32, #tpu.memory_space<hbm>>
      %dma_wait3A_108 = arith.constant 0 : i32
      %dma_wait3A_109 = tpu.memref_slice %arg2[%add3A_106, %dma_wait3A_108] : memref<327680x128xf32, #tpu.memory_space<hbm>> -> memref<128x128xf32, #tpu.memory_space<hbm>>
      tpu.wait_dma2 semaphore(%arg9 : memref<!tpu.dma_semaphore, #tpu.memory_space<semaphore_mem>>) src(%dma_wait3A_109 : memref<128x128xf32, #tpu.memory_space<hbm>>) dst(%arg6 : memref<128x128xf32, #tpu.memory_space<vmem>>)
      %add3A_110 = arith.constant 1 : i32
      %add3A_111 = arith.addi %add3A_103, %add3A_110 : i32
      %mul3A_112 = arith.constant 128 : i32
      %mul3A_113 = arith.muli %add3A_111, %mul3A_112 : i32
      %add3A_114 = arith.addi %mul3A_18, %mul3A_113 : i32
      %dma_start3A_115 = arith.constant 0 : i32
      %dma_start3A_116 = tpu.memref_slice %arg2[%add3A_114, %dma_start3A_115] : memref<327680x128xf32, #tpu.memory_space<hbm>> -> memref<128x128xf32, #tpu.memory_space<hbm>>
      %dma_start3A_117 = arith.constant 0 : i32
      %dma_start3A_118 = tpu.memref_slice %arg2[%add3A_114, %dma_start3A_117] : memref<327680x128xf32, #tpu.memory_space<hbm>> -> memref<128x128xf32, #tpu.memory_space<hbm>>
      tpu.enqueue_dma source(%dma_start3A_118 : memref<128x128xf32, #tpu.memory_space<hbm>>) target(%arg7 : memref<128x128xf32, #tpu.memory_space<vmem>>) target_semaphore(%arg10 : memref<!tpu.dma_semaphore, #tpu.memory_space<semaphore_mem>>)
      "tpu.region"() ({
        %run_scoped3A = tpu.sem_alloc : memref<!tpu.dma_semaphore, #tpu.memory_space<semaphore_mem>>
        %dma_start3A_134 = arith.constant 0 : i32
        %dma_start3A_135 = tpu.memref_slice %arg5[%add3A_101, %dma_start3A_134] : memref<16x128xi32, #tpu.memory_space<vmem>> -> memref<1x128xi32, #tpu.memory_space<vmem>>
        %dma_start3A_136 = tpu.memref_squeeze %dma_start3A_135 : memref<1x128xi32, #tpu.memory_space<vmem>> -> memref<128xi32, #tpu.memory_space<vmem>>
        %dma_start3A_137 = arith.constant 0 : i32
        %dma_start3A_138 = arith.constant 0 : i32
        %dma_start3A_139 = tpu.memref_slice %arg8[%dma_start3A_137, %dma_start3A_138] : memref<10112x128xf32, #tpu.memory_space<vmem_shared>> -> memref<10112x128xf32, #tpu.memory_space<vmem_shared>>
        tpu.enqueue_indirect_dma source(%arg6 : memref<128x128xf32, #tpu.memory_space<vmem>>) target(%dma_start3A_139 : memref<10112x128xf32, #tpu.memory_space<vmem_shared>>) offsets(%dma_start3A_136 : memref<128xi32, #tpu.memory_space<vmem>>) semaphore(%run_scoped3A : memref<!tpu.dma_semaphore, #tpu.memory_space<semaphore_mem>>) {add = true}
        %dma_wait3A_140 = arith.constant 0 : i32
        %dma_wait3A_141 = tpu.memref_slice %arg5[%add3A_101, %dma_wait3A_140] : memref<16x128xi32, #tpu.memory_space<vmem>> -> memref<1x128xi32, #tpu.memory_space<vmem>>
        %dma_wait3A_142 = tpu.memref_squeeze %dma_wait3A_141 : memref<1x128xi32, #tpu.memory_space<vmem>> -> memref<128xi32, #tpu.memory_space<vmem>>
        %dma_wait3A_143 = arith.constant 0 : i32
        %dma_wait3A_144 = arith.constant 0 : i32
        %dma_wait3A_145 = tpu.memref_slice %arg8[%dma_wait3A_143, %dma_wait3A_144] : memref<10112x128xf32, #tpu.memory_space<vmem_shared>> -> memref<10112x128xf32, #tpu.memory_space<vmem_shared>>
        tpu.wait_indirect_dma semaphore(%run_scoped3A : memref<!tpu.dma_semaphore, #tpu.memory_space<semaphore_mem>>) src(%arg6 : memref<128x128xf32, #tpu.memory_space<vmem>>) dst(%dma_wait3A_145 : memref<10112x128xf32, #tpu.memory_space<vmem_shared>>)
        tpu.yield
      }) : () -> ()
      %add3A_119 = arith.constant 1 : i32
      %add3A_120 = arith.addi %add3A_103, %add3A_119 : i32
      %mul3A_121 = arith.constant 128 : i32
      %mul3A_122 = arith.muli %add3A_120, %mul3A_121 : i32
      %add3A_123 = arith.addi %mul3A_18, %mul3A_122 : i32
      %dma_wait3A_124 = arith.constant 0 : i32
      %dma_wait3A_125 = tpu.memref_slice %arg2[%add3A_123, %dma_wait3A_124] : memref<327680x128xf32, #tpu.memory_space<hbm>> -> memref<128x128xf32, #tpu.memory_space<hbm>>
      %dma_wait3A_126 = arith.constant 0 : i32
      %dma_wait3A_127 = tpu.memref_slice %arg2[%add3A_123, %dma_wait3A_126] : memref<327680x128xf32, #tpu.memory_space<hbm>> -> memref<128x128xf32, #tpu.memory_space<hbm>>
      tpu.wait_dma2 semaphore(%arg10 : memref<!tpu.dma_semaphore, #tpu.memory_space<semaphore_mem>>) src(%dma_wait3A_127 : memref<128x128xf32, #tpu.memory_space<hbm>>) dst(%arg7 : memref<128x128xf32, #tpu.memory_space<vmem>>)
      %add3A_128 = arith.constant 2 : i32
      %add3A_129 = arith.addi %add3A_101, %add3A_128 : i32
      %lt3A = arith.constant 16 : i32
      %lt3A_130 = arith.cmpi slt, %add3A_129, %lt3A : i32
      %convert_element_type3A = arith.extui %lt3A_130 : i1 to i32
      %cond3A = arith.constant 0 : i32
      %cond3A_131 = arith.cmpi ne, %convert_element_type3A, %cond3A : i32
      scf.if %cond3A_131 {
        %add3A_134 = arith.constant 2 : i32
        %add3A_135 = arith.addi %add3A_103, %add3A_134 : i32
        %mul3A_136 = arith.constant 128 : i32
        %mul3A_137 = arith.muli %add3A_135, %mul3A_136 : i32
        %add3A_138 = arith.addi %mul3A_18, %mul3A_137 : i32
        %dma_start3A_139 = arith.constant 0 : i32
        %dma_start3A_140 = tpu.memref_slice %arg2[%add3A_138, %dma_start3A_139] : memref<327680x128xf32, #tpu.memory_space<hbm>> -> memref<128x128xf32, #tpu.memory_space<hbm>>
        %dma_start3A_141 = arith.constant 0 : i32
        %dma_start3A_142 = tpu.memref_slice %arg2[%add3A_138, %dma_start3A_141] : memref<327680x128xf32, #tpu.memory_space<hbm>> -> memref<128x128xf32, #tpu.memory_space<hbm>>
        tpu.enqueue_dma source(%dma_start3A_142 : memref<128x128xf32, #tpu.memory_space<hbm>>) target(%arg6 : memref<128x128xf32, #tpu.memory_space<vmem>>) target_semaphore(%arg9 : memref<!tpu.dma_semaphore, #tpu.memory_space<semaphore_mem>>)
      } else {
      }
      %add3A_132 = arith.constant 1 : i32
      %add3A_133 = arith.addi %add3A_101, %add3A_132 : i32
      "tpu.region"() ({
        %run_scoped3A = tpu.sem_alloc : memref<!tpu.dma_semaphore, #tpu.memory_space<semaphore_mem>>
        %dma_start3A_134 = arith.constant 0 : i32
        %dma_start3A_135 = tpu.memref_slice %arg5[%add3A_133, %dma_start3A_134] : memref<16x128xi32, #tpu.memory_space<vmem>> -> memref<1x128xi32, #tpu.memory_space<vmem>>
        %dma_start3A_136 = tpu.memref_squeeze %dma_start3A_135 : memref<1x128xi32, #tpu.memory_space<vmem>> -> memref<128xi32, #tpu.memory_space<vmem>>
        %dma_start3A_137 = arith.constant 0 : i32
        %dma_start3A_138 = arith.constant 0 : i32
        %dma_start3A_139 = tpu.memref_slice %arg8[%dma_start3A_137, %dma_start3A_138] : memref<10112x128xf32, #tpu.memory_space<vmem_shared>> -> memref<10112x128xf32, #tpu.memory_space<vmem_shared>>
        tpu.enqueue_indirect_dma source(%arg7 : memref<128x128xf32, #tpu.memory_space<vmem>>) target(%dma_start3A_139 : memref<10112x128xf32, #tpu.memory_space<vmem_shared>>) offsets(%dma_start3A_136 : memref<128xi32, #tpu.memory_space<vmem>>) semaphore(%run_scoped3A : memref<!tpu.dma_semaphore, #tpu.memory_space<semaphore_mem>>) {add = true}
        %dma_wait3A_140 = arith.constant 0 : i32
        %dma_wait3A_141 = tpu.memref_slice %arg5[%add3A_133, %dma_wait3A_140] : memref<16x128xi32, #tpu.memory_space<vmem>> -> memref<1x128xi32, #tpu.memory_space<vmem>>
        %dma_wait3A_142 = tpu.memref_squeeze %dma_wait3A_141 : memref<1x128xi32, #tpu.memory_space<vmem>> -> memref<128xi32, #tpu.memory_space<vmem>>
        %dma_wait3A_143 = arith.constant 0 : i32
        %dma_wait3A_144 = arith.constant 0 : i32
        %dma_wait3A_145 = tpu.memref_slice %arg8[%dma_wait3A_143, %dma_wait3A_144] : memref<10112x128xf32, #tpu.memory_space<vmem_shared>> -> memref<10112x128xf32, #tpu.memory_space<vmem_shared>>
        tpu.wait_indirect_dma semaphore(%run_scoped3A : memref<!tpu.dma_semaphore, #tpu.memory_space<semaphore_mem>>) src(%arg7 : memref<128x128xf32, #tpu.memory_space<vmem>>) dst(%dma_wait3A_145 : memref<10112x128xf32, #tpu.memory_space<vmem_shared>>)
        tpu.yield
      }) : () -> ()
    }
    %scan3A_61 = arith.constant 8 : i32
    "tpu.region"() ({
      %run_scoped3A = tpu.sem_alloc : memref<!tpu.dma_semaphore, #tpu.memory_space<semaphore_mem>>
      %dma_start3A_97 = arith.constant 64 : i32
      %dma_start3A_98 = arith.constant 0 : i32
      %dma_start3A_99 = tpu.memref_slice %arg3[%add3A, %dma_start3A_97, %dma_start3A_98] : memref<32x80x128xi32, #tpu.memory_space<hbm>> -> memref<1x16x128xi32, #tpu.memory_space<hbm>>
      %dma_start3A_100 = tpu.memref_squeeze %dma_start3A_99 : memref<1x16x128xi32, #tpu.memory_space<hbm>> -> memref<16x128xi32, #tpu.memory_space<hbm>>
      %dma_start3A_101 = arith.constant 64 : i32
      %dma_start3A_102 = arith.constant 0 : i32
      %dma_start3A_103 = tpu.memref_slice %arg3[%add3A, %dma_start3A_101, %dma_start3A_102] : memref<32x80x128xi32, #tpu.memory_space<hbm>> -> memref<1x16x128xi32, #tpu.memory_space<hbm>>
      %dma_start3A_104 = tpu.memref_squeeze %dma_start3A_103 : memref<1x16x128xi32, #tpu.memory_space<hbm>> -> memref<16x128xi32, #tpu.memory_space<hbm>>
      tpu.enqueue_dma source(%dma_start3A_104 : memref<16x128xi32, #tpu.memory_space<hbm>>) target(%arg5 : memref<16x128xi32, #tpu.memory_space<vmem>>) target_semaphore(%run_scoped3A : memref<!tpu.dma_semaphore, #tpu.memory_space<semaphore_mem>>)
      %dma_wait3A = arith.constant 64 : i32
      %dma_wait3A_105 = arith.constant 0 : i32
      %dma_wait3A_106 = tpu.memref_slice %arg3[%add3A, %dma_wait3A, %dma_wait3A_105] : memref<32x80x128xi32, #tpu.memory_space<hbm>> -> memref<1x16x128xi32, #tpu.memory_space<hbm>>
      %dma_wait3A_107 = tpu.memref_squeeze %dma_wait3A_106 : memref<1x16x128xi32, #tpu.memory_space<hbm>> -> memref<16x128xi32, #tpu.memory_space<hbm>>
      %dma_wait3A_108 = arith.constant 64 : i32
      %dma_wait3A_109 = arith.constant 0 : i32
      %dma_wait3A_110 = tpu.memref_slice %arg3[%add3A, %dma_wait3A_108, %dma_wait3A_109] : memref<32x80x128xi32, #tpu.memory_space<hbm>> -> memref<1x16x128xi32, #tpu.memory_space<hbm>>
      %dma_wait3A_111 = tpu.memref_squeeze %dma_wait3A_110 : memref<1x16x128xi32, #tpu.memory_space<hbm>> -> memref<16x128xi32, #tpu.memory_space<hbm>>
      tpu.wait_dma2 semaphore(%run_scoped3A : memref<!tpu.dma_semaphore, #tpu.memory_space<semaphore_mem>>) src(%dma_wait3A_111 : memref<16x128xi32, #tpu.memory_space<hbm>>) dst(%arg5 : memref<16x128xi32, #tpu.memory_space<vmem>>)
      tpu.yield
    }) : () -> ()
    %add3A_62 = arith.constant 8192 : i32
    %add3A_63 = arith.addi %mul3A_18, %add3A_62 : i32
    %dma_start3A_64 = arith.constant 0 : i32
    %dma_start3A_65 = tpu.memref_slice %arg2[%add3A_63, %dma_start3A_64] : memref<327680x128xf32, #tpu.memory_space<hbm>> -> memref<128x128xf32, #tpu.memory_space<hbm>>
    %dma_start3A_66 = arith.constant 0 : i32
    %dma_start3A_67 = tpu.memref_slice %arg2[%add3A_63, %dma_start3A_66] : memref<327680x128xf32, #tpu.memory_space<hbm>> -> memref<128x128xf32, #tpu.memory_space<hbm>>
    tpu.enqueue_dma source(%dma_start3A_67 : memref<128x128xf32, #tpu.memory_space<hbm>>) target(%arg6 : memref<128x128xf32, #tpu.memory_space<vmem>>) target_semaphore(%arg9 : memref<!tpu.dma_semaphore, #tpu.memory_space<semaphore_mem>>)
    %scan3A_68 = arith.constant 0 : i32
    %scan3A_69 = arith.constant 8 : i32
    %scan3A_70 = arith.addi %scan3A_68, %scan3A_69 : i32
    %scan3A_71 = arith.constant 1 : i32
    scf.for %scan3A_97 = %scan3A_68 to %scan3A_70 step %scan3A_71  : i32 {
      %mul3A_98 = arith.constant 2 : i32
      %mul3A_99 = arith.muli %scan3A_97, %mul3A_98 : i32
      %add3A_100 = arith.constant 0 : i32
      %add3A_101 = arith.addi %add3A_100, %mul3A_99 : i32
      %add3A_102 = arith.constant 64 : i32
      %add3A_103 = arith.addi %add3A_102, %add3A_101 : i32
      %mul3A_104 = arith.constant 128 : i32
      %mul3A_105 = arith.muli %add3A_103, %mul3A_104 : i32
      %add3A_106 = arith.addi %mul3A_18, %mul3A_105 : i32
      %dma_wait3A = arith.constant 0 : i32
      %dma_wait3A_107 = tpu.memref_slice %arg2[%add3A_106, %dma_wait3A] : memref<327680x128xf32, #tpu.memory_space<hbm>> -> memref<128x128xf32, #tpu.memory_space<hbm>>
      %dma_wait3A_108 = arith.constant 0 : i32
      %dma_wait3A_109 = tpu.memref_slice %arg2[%add3A_106, %dma_wait3A_108] : memref<327680x128xf32, #tpu.memory_space<hbm>> -> memref<128x128xf32, #tpu.memory_space<hbm>>
      tpu.wait_dma2 semaphore(%arg9 : memref<!tpu.dma_semaphore, #tpu.memory_space<semaphore_mem>>) src(%dma_wait3A_109 : memref<128x128xf32, #tpu.memory_space<hbm>>) dst(%arg6 : memref<128x128xf32, #tpu.memory_space<vmem>>)
      %add3A_110 = arith.constant 1 : i32
      %add3A_111 = arith.addi %add3A_103, %add3A_110 : i32
      %mul3A_112 = arith.constant 128 : i32
      %mul3A_113 = arith.muli %add3A_111, %mul3A_112 : i32
      %add3A_114 = arith.addi %mul3A_18, %mul3A_113 : i32
      %dma_start3A_115 = arith.constant 0 : i32
      %dma_start3A_116 = tpu.memref_slice %arg2[%add3A_114, %dma_start3A_115] : memref<327680x128xf32, #tpu.memory_space<hbm>> -> memref<128x128xf32, #tpu.memory_space<hbm>>
      %dma_start3A_117 = arith.constant 0 : i32
      %dma_start3A_118 = tpu.memref_slice %arg2[%add3A_114, %dma_start3A_117] : memref<327680x128xf32, #tpu.memory_space<hbm>> -> memref<128x128xf32, #tpu.memory_space<hbm>>
      tpu.enqueue_dma source(%dma_start3A_118 : memref<128x128xf32, #tpu.memory_space<hbm>>) target(%arg7 : memref<128x128xf32, #tpu.memory_space<vmem>>) target_semaphore(%arg10 : memref<!tpu.dma_semaphore, #tpu.memory_space<semaphore_mem>>)
      "tpu.region"() ({
        %run_scoped3A = tpu.sem_alloc : memref<!tpu.dma_semaphore, #tpu.memory_space<semaphore_mem>>
        %dma_start3A_134 = arith.constant 0 : i32
        %dma_start3A_135 = tpu.memref_slice %arg5[%add3A_101, %dma_start3A_134] : memref<16x128xi32, #tpu.memory_space<vmem>> -> memref<1x128xi32, #tpu.memory_space<vmem>>
        %dma_start3A_136 = tpu.memref_squeeze %dma_start3A_135 : memref<1x128xi32, #tpu.memory_space<vmem>> -> memref<128xi32, #tpu.memory_space<vmem>>
        %dma_start3A_137 = arith.constant 0 : i32
        %dma_start3A_138 = arith.constant 0 : i32
        %dma_start3A_139 = tpu.memref_slice %arg8[%dma_start3A_137, %dma_start3A_138] : memref<10112x128xf32, #tpu.memory_space<vmem_shared>> -> memref<10112x128xf32, #tpu.memory_space<vmem_shared>>
        tpu.enqueue_indirect_dma source(%arg6 : memref<128x128xf32, #tpu.memory_space<vmem>>) target(%dma_start3A_139 : memref<10112x128xf32, #tpu.memory_space<vmem_shared>>) offsets(%dma_start3A_136 : memref<128xi32, #tpu.memory_space<vmem>>) semaphore(%run_scoped3A : memref<!tpu.dma_semaphore, #tpu.memory_space<semaphore_mem>>) {add = true}
        %dma_wait3A_140 = arith.constant 0 : i32
        %dma_wait3A_141 = tpu.memref_slice %arg5[%add3A_101, %dma_wait3A_140] : memref<16x128xi32, #tpu.memory_space<vmem>> -> memref<1x128xi32, #tpu.memory_space<vmem>>
        %dma_wait3A_142 = tpu.memref_squeeze %dma_wait3A_141 : memref<1x128xi32, #tpu.memory_space<vmem>> -> memref<128xi32, #tpu.memory_space<vmem>>
        %dma_wait3A_143 = arith.constant 0 : i32
        %dma_wait3A_144 = arith.constant 0 : i32
        %dma_wait3A_145 = tpu.memref_slice %arg8[%dma_wait3A_143, %dma_wait3A_144] : memref<10112x128xf32, #tpu.memory_space<vmem_shared>> -> memref<10112x128xf32, #tpu.memory_space<vmem_shared>>
        tpu.wait_indirect_dma semaphore(%run_scoped3A : memref<!tpu.dma_semaphore, #tpu.memory_space<semaphore_mem>>) src(%arg6 : memref<128x128xf32, #tpu.memory_space<vmem>>) dst(%dma_wait3A_145 : memref<10112x128xf32, #tpu.memory_space<vmem_shared>>)
        tpu.yield
      }) : () -> ()
      %add3A_119 = arith.constant 1 : i32
      %add3A_120 = arith.addi %add3A_103, %add3A_119 : i32
      %mul3A_121 = arith.constant 128 : i32
      %mul3A_122 = arith.muli %add3A_120, %mul3A_121 : i32
      %add3A_123 = arith.addi %mul3A_18, %mul3A_122 : i32
      %dma_wait3A_124 = arith.constant 0 : i32
      %dma_wait3A_125 = tpu.memref_slice %arg2[%add3A_123, %dma_wait3A_124] : memref<327680x128xf32, #tpu.memory_space<hbm>> -> memref<128x128xf32, #tpu.memory_space<hbm>>
      %dma_wait3A_126 = arith.constant 0 : i32
      %dma_wait3A_127 = tpu.memref_slice %arg2[%add3A_123, %dma_wait3A_126] : memref<327680x128xf32, #tpu.memory_space<hbm>> -> memref<128x128xf32, #tpu.memory_space<hbm>>
      tpu.wait_dma2 semaphore(%arg10 : memref<!tpu.dma_semaphore, #tpu.memory_space<semaphore_mem>>) src(%dma_wait3A_127 : memref<128x128xf32, #tpu.memory_space<hbm>>) dst(%arg7 : memref<128x128xf32, #tpu.memory_space<vmem>>)
      %add3A_128 = arith.constant 2 : i32
      %add3A_129 = arith.addi %add3A_101, %add3A_128 : i32
      %lt3A = arith.constant 16 : i32
      %lt3A_130 = arith.cmpi slt, %add3A_129, %lt3A : i32
      %convert_element_type3A = arith.extui %lt3A_130 : i1 to i32
      %cond3A = arith.constant 0 : i32
      %cond3A_131 = arith.cmpi ne, %convert_element_type3A, %cond3A : i32
      scf.if %cond3A_131 {
        %add3A_134 = arith.constant 2 : i32
        %add3A_135 = arith.addi %add3A_103, %add3A_134 : i32
        %mul3A_136 = arith.constant 128 : i32
        %mul3A_137 = arith.muli %add3A_135, %mul3A_136 : i32
        %add3A_138 = arith.addi %mul3A_18, %mul3A_137 : i32
        %dma_start3A_139 = arith.constant 0 : i32
        %dma_start3A_140 = tpu.memref_slice %arg2[%add3A_138, %dma_start3A_139] : memref<327680x128xf32, #tpu.memory_space<hbm>> -> memref<128x128xf32, #tpu.memory_space<hbm>>
        %dma_start3A_141 = arith.constant 0 : i32
        %dma_start3A_142 = tpu.memref_slice %arg2[%add3A_138, %dma_start3A_141] : memref<327680x128xf32, #tpu.memory_space<hbm>> -> memref<128x128xf32, #tpu.memory_space<hbm>>
        tpu.enqueue_dma source(%dma_start3A_142 : memref<128x128xf32, #tpu.memory_space<hbm>>) target(%arg6 : memref<128x128xf32, #tpu.memory_space<vmem>>) target_semaphore(%arg9 : memref<!tpu.dma_semaphore, #tpu.memory_space<semaphore_mem>>)
      } else {
      }
      %add3A_132 = arith.constant 1 : i32
      %add3A_133 = arith.addi %add3A_101, %add3A_132 : i32
      "tpu.region"() ({
        %run_scoped3A = tpu.sem_alloc : memref<!tpu.dma_semaphore, #tpu.memory_space<semaphore_mem>>
        %dma_start3A_134 = arith.constant 0 : i32
        %dma_start3A_135 = tpu.memref_slice %arg5[%add3A_133, %dma_start3A_134] : memref<16x128xi32, #tpu.memory_space<vmem>> -> memref<1x128xi32, #tpu.memory_space<vmem>>
        %dma_start3A_136 = tpu.memref_squeeze %dma_start3A_135 : memref<1x128xi32, #tpu.memory_space<vmem>> -> memref<128xi32, #tpu.memory_space<vmem>>
        %dma_start3A_137 = arith.constant 0 : i32
        %dma_start3A_138 = arith.constant 0 : i32
        %dma_start3A_139 = tpu.memref_slice %arg8[%dma_start3A_137, %dma_start3A_138] : memref<10112x128xf32, #tpu.memory_space<vmem_shared>> -> memref<10112x128xf32, #tpu.memory_space<vmem_shared>>
        tpu.enqueue_indirect_dma source(%arg7 : memref<128x128xf32, #tpu.memory_space<vmem>>) target(%dma_start3A_139 : memref<10112x128xf32, #tpu.memory_space<vmem_shared>>) offsets(%dma_start3A_136 : memref<128xi32, #tpu.memory_space<vmem>>) semaphore(%run_scoped3A : memref<!tpu.dma_semaphore, #tpu.memory_space<semaphore_mem>>) {add = true}
        %dma_wait3A_140 = arith.constant 0 : i32
        %dma_wait3A_141 = tpu.memref_slice %arg5[%add3A_133, %dma_wait3A_140] : memref<16x128xi32, #tpu.memory_space<vmem>> -> memref<1x128xi32, #tpu.memory_space<vmem>>
        %dma_wait3A_142 = tpu.memref_squeeze %dma_wait3A_141 : memref<1x128xi32, #tpu.memory_space<vmem>> -> memref<128xi32, #tpu.memory_space<vmem>>
        %dma_wait3A_143 = arith.constant 0 : i32
        %dma_wait3A_144 = arith.constant 0 : i32
        %dma_wait3A_145 = tpu.memref_slice %arg8[%dma_wait3A_143, %dma_wait3A_144] : memref<10112x128xf32, #tpu.memory_space<vmem_shared>> -> memref<10112x128xf32, #tpu.memory_space<vmem_shared>>
        tpu.wait_indirect_dma semaphore(%run_scoped3A : memref<!tpu.dma_semaphore, #tpu.memory_space<semaphore_mem>>) src(%arg7 : memref<128x128xf32, #tpu.memory_space<vmem>>) dst(%dma_wait3A_145 : memref<10112x128xf32, #tpu.memory_space<vmem_shared>>)
        tpu.yield
      }) : () -> ()
    }
    %scan3A_72 = arith.constant 8 : i32
    %barrier3A_73 = arith.constant 0 : index
    tpu.barrier barrier_id(%barrier3A_73)
    %mul3A_74 = arith.constant 10112 : i32
    %mul3A_75 = arith.muli %arg0, %mul3A_74 : i32
    %add3A_76 = arith.addi %mul3A_75, %mul3A_2 : i32
    %add3A_77 = arith.constant 0 : i32
    %add3A_78 = arith.addi %mul3A_2, %add3A_77 : i32
    "tpu.region"() ({
      %run_scoped3A = tpu.sem_alloc : memref<!tpu.dma_semaphore, #tpu.memory_space<semaphore_mem>>
      %dma_start3A_97 = arith.constant 0 : i32
      %dma_start3A_98 = tpu.memref_slice %arg8[%add3A_78, %dma_start3A_97] : memref<10112x128xf32, #tpu.memory_space<vmem_shared>> -> memref<128x128xf32, #tpu.memory_space<vmem_shared>>
      %dma_start3A_99 = arith.constant 0 : i32
      %dma_start3A_100 = tpu.memref_slice %arg8[%add3A_78, %dma_start3A_99] : memref<10112x128xf32, #tpu.memory_space<vmem_shared>> -> memref<128x128xf32, #tpu.memory_space<vmem_shared>>
      tpu.enqueue_dma source(%dma_start3A_100 : memref<128x128xf32, #tpu.memory_space<vmem_shared>>) target(%arg7 : memref<128x128xf32, #tpu.memory_space<vmem>>) target_semaphore(%run_scoped3A : memref<!tpu.dma_semaphore, #tpu.memory_space<semaphore_mem>>)
      %dma_wait3A = arith.constant 0 : i32
      %dma_wait3A_101 = tpu.memref_slice %arg8[%add3A_78, %dma_wait3A] : memref<10112x128xf32, #tpu.memory_space<vmem_shared>> -> memref<128x128xf32, #tpu.memory_space<vmem_shared>>
      %dma_wait3A_102 = arith.constant 0 : i32
      %dma_wait3A_103 = tpu.memref_slice %arg8[%add3A_78, %dma_wait3A_102] : memref<10112x128xf32, #tpu.memory_space<vmem_shared>> -> memref<128x128xf32, #tpu.memory_space<vmem_shared>>
      tpu.wait_dma2 semaphore(%run_scoped3A : memref<!tpu.dma_semaphore, #tpu.memory_space<semaphore_mem>>) src(%dma_wait3A_103 : memref<128x128xf32, #tpu.memory_space<vmem_shared>>) dst(%arg7 : memref<128x128xf32, #tpu.memory_space<vmem>>)
      tpu.yield
    }) : () -> ()
    %add3A_79 = arith.constant 0 : i32
    %add3A_80 = arith.addi %add3A_76, %add3A_79 : i32
    "tpu.region"() ({
      %run_scoped3A = tpu.sem_alloc : memref<!tpu.dma_semaphore, #tpu.memory_space<semaphore_mem>>
      %dma_start3A_97 = arith.constant 0 : i32
      %dma_start3A_98 = tpu.memref_slice %arg4[%add3A_80, %dma_start3A_97] : memref<20224x128xf32, #tpu.memory_space<hbm>> -> memref<128x128xf32, #tpu.memory_space<hbm>>
      %dma_start3A_99 = arith.constant 0 : i32
      %dma_start3A_100 = tpu.memref_slice %arg4[%add3A_80, %dma_start3A_99] : memref<20224x128xf32, #tpu.memory_space<hbm>> -> memref<128x128xf32, #tpu.memory_space<hbm>>
      tpu.enqueue_dma source(%arg7 : memref<128x128xf32, #tpu.memory_space<vmem>>) target(%dma_start3A_100 : memref<128x128xf32, #tpu.memory_space<hbm>>) target_semaphore(%run_scoped3A : memref<!tpu.dma_semaphore, #tpu.memory_space<semaphore_mem>>)
      %dma_wait3A = arith.constant 0 : i32
      %dma_wait3A_101 = tpu.memref_slice %arg4[%add3A_80, %dma_wait3A] : memref<20224x128xf32, #tpu.memory_space<hbm>> -> memref<128x128xf32, #tpu.memory_space<hbm>>
      %dma_wait3A_102 = arith.constant 0 : i32
      %dma_wait3A_103 = tpu.memref_slice %arg4[%add3A_80, %dma_wait3A_102] : memref<20224x128xf32, #tpu.memory_space<hbm>> -> memref<128x128xf32, #tpu.memory_space<hbm>>
      tpu.wait_dma2 semaphore(%run_scoped3A : memref<!tpu.dma_semaphore, #tpu.memory_space<semaphore_mem>>) src(%arg7 : memref<128x128xf32, #tpu.memory_space<vmem>>) dst(%dma_wait3A_103 : memref<128x128xf32, #tpu.memory_space<hbm>>)
      tpu.yield
    }) : () -> ()
    %add3A_81 = arith.constant 128 : i32
    %add3A_82 = arith.addi %mul3A_2, %add3A_81 : i32
    "tpu.region"() ({
      %run_scoped3A = tpu.sem_alloc : memref<!tpu.dma_semaphore, #tpu.memory_space<semaphore_mem>>
      %dma_start3A_97 = arith.constant 0 : i32
      %dma_start3A_98 = tpu.memref_slice %arg8[%add3A_82, %dma_start3A_97] : memref<10112x128xf32, #tpu.memory_space<vmem_shared>> -> memref<128x128xf32, #tpu.memory_space<vmem_shared>>
      %dma_start3A_99 = arith.constant 0 : i32
      %dma_start3A_100 = tpu.memref_slice %arg8[%add3A_82, %dma_start3A_99] : memref<10112x128xf32, #tpu.memory_space<vmem_shared>> -> memref<128x128xf32, #tpu.memory_space<vmem_shared>>
      tpu.enqueue_dma source(%dma_start3A_100 : memref<128x128xf32, #tpu.memory_space<vmem_shared>>) target(%arg7 : memref<128x128xf32, #tpu.memory_space<vmem>>) target_semaphore(%run_scoped3A : memref<!tpu.dma_semaphore, #tpu.memory_space<semaphore_mem>>)
      %dma_wait3A = arith.constant 0 : i32
      %dma_wait3A_101 = tpu.memref_slice %arg8[%add3A_82, %dma_wait3A] : memref<10112x128xf32, #tpu.memory_space<vmem_shared>> -> memref<128x128xf32, #tpu.memory_space<vmem_shared>>
      %dma_wait3A_102 = arith.constant 0 : i32
      %dma_wait3A_103 = tpu.memref_slice %arg8[%add3A_82, %dma_wait3A_102] : memref<10112x128xf32, #tpu.memory_space<vmem_shared>> -> memref<128x128xf32, #tpu.memory_space<vmem_shared>>
      tpu.wait_dma2 semaphore(%run_scoped3A : memref<!tpu.dma_semaphore, #tpu.memory_space<semaphore_mem>>) src(%dma_wait3A_103 : memref<128x128xf32, #tpu.memory_space<vmem_shared>>) dst(%arg7 : memref<128x128xf32, #tpu.memory_space<vmem>>)
      tpu.yield
    }) : () -> ()
    %add3A_83 = arith.constant 128 : i32
    %add3A_84 = arith.addi %add3A_76, %add3A_83 : i32
    "tpu.region"() ({
      %run_scoped3A = tpu.sem_alloc : memref<!tpu.dma_semaphore, #tpu.memory_space<semaphore_mem>>
      %dma_start3A_97 = arith.constant 0 : i32
      %dma_start3A_98 = tpu.memref_slice %arg4[%add3A_84, %dma_start3A_97] : memref<20224x128xf32, #tpu.memory_space<hbm>> -> memref<128x128xf32, #tpu.memory_space<hbm>>
      %dma_start3A_99 = arith.constant 0 : i32
      %dma_start3A_100 = tpu.memref_slice %arg4[%add3A_84, %dma_start3A_99] : memref<20224x128xf32, #tpu.memory_space<hbm>> -> memref<128x128xf32, #tpu.memory_space<hbm>>
      tpu.enqueue_dma source(%arg7 : memref<128x128xf32, #tpu.memory_space<vmem>>) target(%dma_start3A_100 : memref<128x128xf32, #tpu.memory_space<hbm>>) target_semaphore(%run_scoped3A : memref<!tpu.dma_semaphore, #tpu.memory_space<semaphore_mem>>)
      %dma_wait3A = arith.constant 0 : i32
      %dma_wait3A_101 = tpu.memref_slice %arg4[%add3A_84, %dma_wait3A] : memref<20224x128xf32, #tpu.memory_space<hbm>> -> memref<128x128xf32, #tpu.memory_space<hbm>>
      %dma_wait3A_102 = arith.constant 0 : i32
      %dma_wait3A_103 = tpu.memref_slice %arg4[%add3A_84, %dma_wait3A_102] : memref<20224x128xf32, #tpu.memory_space<hbm>> -> memref<128x128xf32, #tpu.memory_space<hbm>>
      tpu.wait_dma2 semaphore(%run_scoped3A : memref<!tpu.dma_semaphore, #tpu.memory_space<semaphore_mem>>) src(%arg7 : memref<128x128xf32, #tpu.memory_space<vmem>>) dst(%dma_wait3A_103 : memref<128x128xf32, #tpu.memory_space<hbm>>)
      tpu.yield
    }) : () -> ()
    %add3A_85 = arith.constant 256 : i32
    %add3A_86 = arith.addi %mul3A_2, %add3A_85 : i32
    "tpu.region"() ({
      %run_scoped3A = tpu.sem_alloc : memref<!tpu.dma_semaphore, #tpu.memory_space<semaphore_mem>>
      %dma_start3A_97 = arith.constant 0 : i32
      %dma_start3A_98 = tpu.memref_slice %arg8[%add3A_86, %dma_start3A_97] : memref<10112x128xf32, #tpu.memory_space<vmem_shared>> -> memref<128x128xf32, #tpu.memory_space<vmem_shared>>
      %dma_start3A_99 = arith.constant 0 : i32
      %dma_start3A_100 = tpu.memref_slice %arg8[%add3A_86, %dma_start3A_99] : memref<10112x128xf32, #tpu.memory_space<vmem_shared>> -> memref<128x128xf32, #tpu.memory_space<vmem_shared>>
      tpu.enqueue_dma source(%dma_start3A_100 : memref<128x128xf32, #tpu.memory_space<vmem_shared>>) target(%arg7 : memref<128x128xf32, #tpu.memory_space<vmem>>) target_semaphore(%run_scoped3A : memref<!tpu.dma_semaphore, #tpu.memory_space<semaphore_mem>>)
      %dma_wait3A = arith.constant 0 : i32
      %dma_wait3A_101 = tpu.memref_slice %arg8[%add3A_86, %dma_wait3A] : memref<10112x128xf32, #tpu.memory_space<vmem_shared>> -> memref<128x128xf32, #tpu.memory_space<vmem_shared>>
      %dma_wait3A_102 = arith.constant 0 : i32
      %dma_wait3A_103 = tpu.memref_slice %arg8[%add3A_86, %dma_wait3A_102] : memref<10112x128xf32, #tpu.memory_space<vmem_shared>> -> memref<128x128xf32, #tpu.memory_space<vmem_shared>>
      tpu.wait_dma2 semaphore(%run_scoped3A : memref<!tpu.dma_semaphore, #tpu.memory_space<semaphore_mem>>) src(%dma_wait3A_103 : memref<128x128xf32, #tpu.memory_space<vmem_shared>>) dst(%arg7 : memref<128x128xf32, #tpu.memory_space<vmem>>)
      tpu.yield
    }) : () -> ()
    %add3A_87 = arith.constant 256 : i32
    %add3A_88 = arith.addi %add3A_76, %add3A_87 : i32
    "tpu.region"() ({
      %run_scoped3A = tpu.sem_alloc : memref<!tpu.dma_semaphore, #tpu.memory_space<semaphore_mem>>
      %dma_start3A_97 = arith.constant 0 : i32
      %dma_start3A_98 = tpu.memref_slice %arg4[%add3A_88, %dma_start3A_97] : memref<20224x128xf32, #tpu.memory_space<hbm>> -> memref<128x128xf32, #tpu.memory_space<hbm>>
      %dma_start3A_99 = arith.constant 0 : i32
      %dma_start3A_100 = tpu.memref_slice %arg4[%add3A_88, %dma_start3A_99] : memref<20224x128xf32, #tpu.memory_space<hbm>> -> memref<128x128xf32, #tpu.memory_space<hbm>>
      tpu.enqueue_dma source(%arg7 : memref<128x128xf32, #tpu.memory_space<vmem>>) target(%dma_start3A_100 : memref<128x128xf32, #tpu.memory_space<hbm>>) target_semaphore(%run_scoped3A : memref<!tpu.dma_semaphore, #tpu.memory_space<semaphore_mem>>)
      %dma_wait3A = arith.constant 0 : i32
      %dma_wait3A_101 = tpu.memref_slice %arg4[%add3A_88, %dma_wait3A] : memref<20224x128xf32, #tpu.memory_space<hbm>> -> memref<128x128xf32, #tpu.memory_space<hbm>>
      %dma_wait3A_102 = arith.constant 0 : i32
      %dma_wait3A_103 = tpu.memref_slice %arg4[%add3A_88, %dma_wait3A_102] : memref<20224x128xf32, #tpu.memory_space<hbm>> -> memref<128x128xf32, #tpu.memory_space<hbm>>
      tpu.wait_dma2 semaphore(%run_scoped3A : memref<!tpu.dma_semaphore, #tpu.memory_space<semaphore_mem>>) src(%arg7 : memref<128x128xf32, #tpu.memory_space<vmem>>) dst(%dma_wait3A_103 : memref<128x128xf32, #tpu.memory_space<hbm>>)
      tpu.yield
    }) : () -> ()
    %add3A_89 = arith.constant 384 : i32
    %add3A_90 = arith.addi %mul3A_2, %add3A_89 : i32
    "tpu.region"() ({
      %run_scoped3A = tpu.sem_alloc : memref<!tpu.dma_semaphore, #tpu.memory_space<semaphore_mem>>
      %dma_start3A_97 = arith.constant 0 : i32
      %dma_start3A_98 = tpu.memref_slice %arg8[%add3A_90, %dma_start3A_97] : memref<10112x128xf32, #tpu.memory_space<vmem_shared>> -> memref<128x128xf32, #tpu.memory_space<vmem_shared>>
      %dma_start3A_99 = arith.constant 0 : i32
      %dma_start3A_100 = tpu.memref_slice %arg8[%add3A_90, %dma_start3A_99] : memref<10112x128xf32, #tpu.memory_space<vmem_shared>> -> memref<128x128xf32, #tpu.memory_space<vmem_shared>>
      tpu.enqueue_dma source(%dma_start3A_100 : memref<128x128xf32, #tpu.memory_space<vmem_shared>>) target(%arg7 : memref<128x128xf32, #tpu.memory_space<vmem>>) target_semaphore(%run_scoped3A : memref<!tpu.dma_semaphore, #tpu.memory_space<semaphore_mem>>)
      %dma_wait3A = arith.constant 0 : i32
      %dma_wait3A_101 = tpu.memref_slice %arg8[%add3A_90, %dma_wait3A] : memref<10112x128xf32, #tpu.memory_space<vmem_shared>> -> memref<128x128xf32, #tpu.memory_space<vmem_shared>>
      %dma_wait3A_102 = arith.constant 0 : i32
      %dma_wait3A_103 = tpu.memref_slice %arg8[%add3A_90, %dma_wait3A_102] : memref<10112x128xf32, #tpu.memory_space<vmem_shared>> -> memref<128x128xf32, #tpu.memory_space<vmem_shared>>
      tpu.wait_dma2 semaphore(%run_scoped3A : memref<!tpu.dma_semaphore, #tpu.memory_space<semaphore_mem>>) src(%dma_wait3A_103 : memref<128x128xf32, #tpu.memory_space<vmem_shared>>) dst(%arg7 : memref<128x128xf32, #tpu.memory_space<vmem>>)
      tpu.yield
    }) : () -> ()
    %add3A_91 = arith.constant 384 : i32
    %add3A_92 = arith.addi %add3A_76, %add3A_91 : i32
    "tpu.region"() ({
      %run_scoped3A = tpu.sem_alloc : memref<!tpu.dma_semaphore, #tpu.memory_space<semaphore_mem>>
      %dma_start3A_97 = arith.constant 0 : i32
      %dma_start3A_98 = tpu.memref_slice %arg4[%add3A_92, %dma_start3A_97] : memref<20224x128xf32, #tpu.memory_space<hbm>> -> memref<128x128xf32, #tpu.memory_space<hbm>>
      %dma_start3A_99 = arith.constant 0 : i32
      %dma_start3A_100 = tpu.memref_slice %arg4[%add3A_92, %dma_start3A_99] : memref<20224x128xf32, #tpu.memory_space<hbm>> -> memref<128x128xf32, #tpu.memory_space<hbm>>
      tpu.enqueue_dma source(%arg7 : memref<128x128xf32, #tpu.memory_space<vmem>>) target(%dma_start3A_100 : memref<128x128xf32, #tpu.memory_space<hbm>>) target_semaphore(%run_scoped3A : memref<!tpu.dma_semaphore, #tpu.memory_space<semaphore_mem>>)
      %dma_wait3A = arith.constant 0 : i32
      %dma_wait3A_101 = tpu.memref_slice %arg4[%add3A_92, %dma_wait3A] : memref<20224x128xf32, #tpu.memory_space<hbm>> -> memref<128x128xf32, #tpu.memory_space<hbm>>
      %dma_wait3A_102 = arith.constant 0 : i32
      %dma_wait3A_103 = tpu.memref_slice %arg4[%add3A_92, %dma_wait3A_102] : memref<20224x128xf32, #tpu.memory_space<hbm>> -> memref<128x128xf32, #tpu.memory_space<hbm>>
      tpu.wait_dma2 semaphore(%run_scoped3A : memref<!tpu.dma_semaphore, #tpu.memory_space<semaphore_mem>>) src(%arg7 : memref<128x128xf32, #tpu.memory_space<vmem>>) dst(%dma_wait3A_103 : memref<128x128xf32, #tpu.memory_space<hbm>>)
      tpu.yield
    }) : () -> ()
    %add3A_93 = arith.constant 512 : i32
    %add3A_94 = arith.addi %mul3A_2, %add3A_93 : i32
    "tpu.region"() ({
      %run_scoped3A = tpu.sem_alloc : memref<!tpu.dma_semaphore, #tpu.memory_space<semaphore_mem>>
      %dma_start3A_97 = arith.constant 0 : i32
      %dma_start3A_98 = arith.constant 0 : i32
      %dma_start3A_99 = tpu.memref_slice %arg7[%dma_start3A_97, %dma_start3A_98] : memref<128x128xf32, #tpu.memory_space<vmem>> -> memref<120x128xf32, #tpu.memory_space<vmem>>
      %dma_start3A_100 = arith.constant 0 : i32
      %dma_start3A_101 = tpu.memref_slice %arg8[%add3A_94, %dma_start3A_100] : memref<10112x128xf32, #tpu.memory_space<vmem_shared>> -> memref<120x128xf32, #tpu.memory_space<vmem_shared>>
      %dma_start3A_102 = arith.constant 0 : i32
      %dma_start3A_103 = arith.constant 0 : i32
      %dma_start3A_104 = tpu.memref_slice %arg7[%dma_start3A_102, %dma_start3A_103] : memref<128x128xf32, #tpu.memory_space<vmem>> -> memref<120x128xf32, #tpu.memory_space<vmem>>
      %dma_start3A_105 = arith.constant 0 : i32
      %dma_start3A_106 = tpu.memref_slice %arg8[%add3A_94, %dma_start3A_105] : memref<10112x128xf32, #tpu.memory_space<vmem_shared>> -> memref<120x128xf32, #tpu.memory_space<vmem_shared>>
      tpu.enqueue_dma source(%dma_start3A_106 : memref<120x128xf32, #tpu.memory_space<vmem_shared>>) target(%dma_start3A_104 : memref<120x128xf32, #tpu.memory_space<vmem>>) target_semaphore(%run_scoped3A : memref<!tpu.dma_semaphore, #tpu.memory_space<semaphore_mem>>)
      %dma_wait3A = arith.constant 0 : i32
      %dma_wait3A_107 = arith.constant 0 : i32
      %dma_wait3A_108 = tpu.memref_slice %arg7[%dma_wait3A, %dma_wait3A_107] : memref<128x128xf32, #tpu.memory_space<vmem>> -> memref<120x128xf32, #tpu.memory_space<vmem>>
      %dma_wait3A_109 = arith.constant 0 : i32
      %dma_wait3A_110 = tpu.memref_slice %arg8[%add3A_94, %dma_wait3A_109] : memref<10112x128xf32, #tpu.memory_space<vmem_shared>> -> memref<120x128xf32, #tpu.memory_space<vmem_shared>>
      %dma_wait3A_111 = arith.constant 0 : i32
      %dma_wait3A_112 = arith.constant 0 : i32
      %dma_wait3A_113 = tpu.memref_slice %arg7[%dma_wait3A_111, %dma_wait3A_112] : memref<128x128xf32, #tpu.memory_space<vmem>> -> memref<120x128xf32, #tpu.memory_space<vmem>>
      %dma_wait3A_114 = arith.constant 0 : i32
      %dma_wait3A_115 = tpu.memref_slice %arg8[%add3A_94, %dma_wait3A_114] : memref<10112x128xf32, #tpu.memory_space<vmem_shared>> -> memref<120x128xf32, #tpu.memory_space<vmem_shared>>
      tpu.wait_dma2 semaphore(%run_scoped3A : memref<!tpu.dma_semaphore, #tpu.memory_space<semaphore_mem>>) src(%dma_wait3A_115 : memref<120x128xf32, #tpu.memory_space<vmem_shared>>) dst(%dma_wait3A_113 : memref<120x128xf32, #tpu.memory_space<vmem>>)
      tpu.yield
    }) : () -> ()
    %add3A_95 = arith.constant 512 : i32
    %add3A_96 = arith.addi %add3A_76, %add3A_95 : i32
    "tpu.region"() ({
      %run_scoped3A = tpu.sem_alloc : memref<!tpu.dma_semaphore, #tpu.memory_space<semaphore_mem>>
      %dma_start3A_97 = arith.constant 0 : i32
      %dma_start3A_98 = arith.constant 0 : i32
      %dma_start3A_99 = tpu.memref_slice %arg7[%dma_start3A_97, %dma_start3A_98] : memref<128x128xf32, #tpu.memory_space<vmem>> -> memref<120x128xf32, #tpu.memory_space<vmem>>
      %dma_start3A_100 = arith.constant 0 : i32
      %dma_start3A_101 = tpu.memref_slice %arg4[%add3A_96, %dma_start3A_100] : memref<20224x128xf32, #tpu.memory_space<hbm>> -> memref<120x128xf32, #tpu.memory_space<hbm>>
      %dma_start3A_102 = arith.constant 0 : i32
      %dma_start3A_103 = tpu.memref_slice %arg4[%add3A_96, %dma_start3A_102] : memref<20224x128xf32, #tpu.memory_space<hbm>> -> memref<120x128xf32, #tpu.memory_space<hbm>>
      %dma_start3A_104 = arith.constant 0 : i32
      %dma_start3A_105 = arith.constant 0 : i32
      %dma_start3A_106 = tpu.memref_slice %arg7[%dma_start3A_104, %dma_start3A_105] : memref<128x128xf32, #tpu.memory_space<vmem>> -> memref<120x128xf32, #tpu.memory_space<vmem>>
      tpu.enqueue_dma source(%dma_start3A_106 : memref<120x128xf32, #tpu.memory_space<vmem>>) target(%dma_start3A_103 : memref<120x128xf32, #tpu.memory_space<hbm>>) target_semaphore(%run_scoped3A : memref<!tpu.dma_semaphore, #tpu.memory_space<semaphore_mem>>)
      %dma_wait3A = arith.constant 0 : i32
      %dma_wait3A_107 = arith.constant 0 : i32
      %dma_wait3A_108 = tpu.memref_slice %arg7[%dma_wait3A, %dma_wait3A_107] : memref<128x128xf32, #tpu.memory_space<vmem>> -> memref<120x128xf32, #tpu.memory_space<vmem>>
      %dma_wait3A_109 = arith.constant 0 : i32
      %dma_wait3A_110 = tpu.memref_slice %arg4[%add3A_96, %dma_wait3A_109] : memref<20224x128xf32, #tpu.memory_space<hbm>> -> memref<120x128xf32, #tpu.memory_space<hbm>>
      %dma_wait3A_111 = arith.constant 0 : i32
      %dma_wait3A_112 = tpu.memref_slice %arg4[%add3A_96, %dma_wait3A_111] : memref<20224x128xf32, #tpu.memory_space<hbm>> -> memref<120x128xf32, #tpu.memory_space<hbm>>
      %dma_wait3A_113 = arith.constant 0 : i32
      %dma_wait3A_114 = arith.constant 0 : i32
      %dma_wait3A_115 = tpu.memref_slice %arg7[%dma_wait3A_113, %dma_wait3A_114] : memref<128x128xf32, #tpu.memory_space<vmem>> -> memref<120x128xf32, #tpu.memory_space<vmem>>
      tpu.wait_dma2 semaphore(%run_scoped3A : memref<!tpu.dma_semaphore, #tpu.memory_space<semaphore_mem>>) src(%dma_wait3A_115 : memref<120x128xf32, #tpu.memory_space<vmem>>) dst(%dma_wait3A_112 : memref<120x128xf32, #tpu.memory_space<hbm>>)
      tpu.yield
    }) : () -> ()
    return
  }
}

#map = affine_map<(d0, d1) -> (0, 0)>
#map1 = affine_map<(d0, d1) -> (0, 0, 0)>
module attributes {stable_mosaic.version = 14 : i64} {
  func.func @_scatter_body(%arg0: i32, %arg1: i32, %arg2: memref<327680x128xf32, #tpu.memory_space<hbm>>, %arg3: memref<32x80x128xi32, #tpu.memory_space<hbm>>, %arg4: memref<20224x128xf32, #tpu.memory_space<hbm>>, %arg5: memref<16x128xi32, #tpu.memory_space<vmem>>, %arg6: memref<128x128xf32, #tpu.memory_space<vmem>>, %arg7: memref<128x128xf32, #tpu.memory_space<vmem>>, %arg8: memref<10112x128xf32, #tpu.memory_space<vmem_shared>>, %arg9: memref<!tpu.dma_semaphore, #tpu.memory_space<semaphore_mem>>, %arg10: memref<!tpu.dma_semaphore, #tpu.memory_space<semaphore_mem>>) attributes {dimension_semantics = [#tpu.dimension_semantics<core_parallel>, #tpu.dimension_semantics<subcore_parallel>], iteration_bounds = array<i64: 2, 16>, scalar_prefetch = 0 : i64, scratch_operands = 6 : i64, tpu.core_type = #tpu.core_type<sc_vector_subcore>, window_params = [{transform_indices = #map}, {transform_indices = #map1}, {transform_indices = #map}]} {
    %mul3A = arith.constant 2 : i32
    %mul3A_0 = arith.muli %arg1, %mul3A : i32
    %add3A = arith.addi %mul3A_0, %arg0 : i32
    %mul3A_1 = arith.constant 632 : i32
    %mul3A_2 = arith.muli %arg1, %mul3A_1 : i32
    %scan3A = arith.constant 0 : i32
    %scan3A_3 = arith.constant 128 : i32
    %scan3A_4 = arith.addi %scan3A, %scan3A_3 : i32
    %scan3A_5 = arith.constant 1 : i32
    scf.for %scan3A_97 = %scan3A to %scan3A_4 step %scan3A_5  : i32 {
      %mul3A_98 = arith.constant 1 : i32
      %mul3A_99 = arith.muli %scan3A_97, %mul3A_98 : i32
      %add3A_100 = arith.constant 0 : i32
      %add3A_101 = arith.addi %add3A_100, %mul3A_99 : i32
      %scan3A_102 = arith.constant 0 : i32
      %scan3A_103 = arith.constant 8 : i32
      %scan3A_104 = arith.addi %scan3A_102, %scan3A_103 : i32
      %scan3A_105 = arith.constant 1 : i32
      scf.for %scan3A_107 = %scan3A_102 to %scan3A_104 step %scan3A_105  : i32 {
        %mul3A_108 = arith.constant 1 : i32
        %mul3A_109 = arith.muli %scan3A_107, %mul3A_108 : i32
        %add3A_110 = arith.constant 0 : i32
        %add3A_111 = arith.addi %add3A_110, %mul3A_109 : i32
        %broadcast_in_dim3A = arith.constant 0.000000e+00 : f32
        %broadcast_in_dim3A_112 = vector.broadcast %broadcast_in_dim3A : f32 to vector<16xf32>
        %mul3A_113 = arith.constant 16 : i32
        %mul3A_114 = arith.muli %add3A_111, %mul3A_113 : i32
        %swap3A = arith.index_cast %add3A_101 : i32 to index
        %swap3A_115 = arith.index_cast %mul3A_114 : i32 to index
        %swap3A_116 = tpu.vector_load %arg6[%swap3A, %swap3A_115] {strides = array<i32>} : memref<128x128xf32, #tpu.memory_space<vmem>>, vector<1x16xf32>,
        %swap3A_117 = vector.shape_cast %swap3A_116 : vector<1x16xf32> to vector<16xf32>
        %swap3A_118 = vector.shape_cast %broadcast_in_dim3A_112 : vector<16xf32> to vector<1x16xf32>
        tpu.vector_store %arg6[%swap3A, %swap3A_115], %swap3A_118 {strides = array<i32>} : memref<128x128xf32, #tpu.memory_space<vmem>>, vector<1x16xf32>,
      }
      %scan3A_106 = arith.constant 8 : i32
    }
    %scan3A_6 = arith.constant 128 : i32
    %add3A_7 = arith.constant 0 : i32
    %add3A_8 = arith.addi %mul3A_2, %add3A_7 : i32
    "tpu.region"() ({
      %run_scoped3A = tpu.sem_alloc : memref<!tpu.dma_semaphore, #tpu.memory_space<semaphore_mem>>
      %dma_start3A_97 = arith.constant 0 : i32
      %dma_start3A_98 = tpu.memref_slice %arg8[%add3A_8, %dma_start3A_97] : memref<10112x128xf32, #tpu.memory_space<vmem_shared>> -> memref<128x128xf32, #tpu.memory_space<vmem_shared>>
      %dma_start3A_99 = arith.constant 0 : i32
      %dma_start3A_100 = tpu.memref_slice %arg8[%add3A_8, %dma_start3A_99] : memref<10112x128xf32, #tpu.memory_space<vmem_shared>> -> memref<128x128xf32, #tpu.memory_space<vmem_shared>>
      tpu.enqueue_dma source(%arg6 : memref<128x128xf32, #tpu.memory_space<vmem>>) target(%dma_start3A_100 : memref<128x128xf32, #tpu.memory_space<vmem_shared>>) target_semaphore(%run_scoped3A : memref<!tpu.dma_semaphore, #tpu.memory_space<semaphore_mem>>)
      %dma_wait3A = arith.constant 0 : i32
      %dma_wait3A_101 = tpu.memref_slice %arg8[%add3A_8, %dma_wait3A] : memref<10112x128xf32, #tpu.memory_space<vmem_shared>> -> memref<128x128xf32, #tpu.memory_space<vmem_shared>>
      %dma_wait3A_102 = arith.constant 0 : i32
      %dma_wait3A_103 = tpu.memref_slice %arg8[%add3A_8, %dma_wait3A_102] : memref<10112x128xf32, #tpu.memory_space<vmem_shared>> -> memref<128x128xf32, #tpu.memory_space<vmem_shared>>
      tpu.wait_dma2 semaphore(%run_scoped3A : memref<!tpu.dma_semaphore, #tpu.memory_space<semaphore_mem>>) src(%arg6 : memref<128x128xf32, #tpu.memory_space<vmem>>) dst(%dma_wait3A_103 : memref<128x128xf32, #tpu.memory_space<vmem_shared>>)
      tpu.yield
    }) : () -> ()
    %add3A_9 = arith.constant 128 : i32
    %add3A_10 = arith.addi %mul3A_2, %add3A_9 : i32
    "tpu.region"() ({
      %run_scoped3A = tpu.sem_alloc : memref<!tpu.dma_semaphore, #tpu.memory_space<semaphore_mem>>
      %dma_start3A_97 = arith.constant 0 : i32
      %dma_start3A_98 = tpu.memref_slice %arg8[%add3A_10, %dma_start3A_97] : memref<10112x128xf32, #tpu.memory_space<vmem_shared>> -> memref<128x128xf32, #tpu.memory_space<vmem_shared>>
      %dma_start3A_99 = arith.constant 0 : i32
      %dma_start3A_100 = tpu.memref_slice %arg8[%add3A_10, %dma_start3A_99] : memref<10112x128xf32, #tpu.memory_space<vmem_shared>> -> memref<128x128xf32, #tpu.memory_space<vmem_shared>>
      tpu.enqueue_dma source(%arg6 : memref<128x128xf32, #tpu.memory_space<vmem>>) target(%dma_start3A_100 : memref<128x128xf32, #tpu.memory_space<vmem_shared>>) target_semaphore(%run_scoped3A : memref<!tpu.dma_semaphore, #tpu.memory_space<semaphore_mem>>)
      %dma_wait3A = arith.constant 0 : i32
      %dma_wait3A_101 = tpu.memref_slice %arg8[%add3A_10, %dma_wait3A] : memref<10112x128xf32, #tpu.memory_space<vmem_shared>> -> memref<128x128xf32, #tpu.memory_space<vmem_shared>>
      %dma_wait3A_102 = arith.constant 0 : i32
      %dma_wait3A_103 = tpu.memref_slice %arg8[%add3A_10, %dma_wait3A_102] : memref<10112x128xf32, #tpu.memory_space<vmem_shared>> -> memref<128x128xf32, #tpu.memory_space<vmem_shared>>
      tpu.wait_dma2 semaphore(%run_scoped3A : memref<!tpu.dma_semaphore, #tpu.memory_space<semaphore_mem>>) src(%arg6 : memref<128x128xf32, #tpu.memory_space<vmem>>) dst(%dma_wait3A_103 : memref<128x128xf32, #tpu.memory_space<vmem_shared>>)
      tpu.yield
    }) : () -> ()
    %add3A_11 = arith.constant 256 : i32
    %add3A_12 = arith.addi %mul3A_2, %add3A_11 : i32
    "tpu.region"() ({
      %run_scoped3A = tpu.sem_alloc : memref<!tpu.dma_semaphore, #tpu.memory_space<semaphore_mem>>
      %dma_start3A_97 = arith.constant 0 : i32
      %dma_start3A_98 = tpu.memref_slice %arg8[%add3A_12, %dma_start3A_97] : memref<10112x128xf32, #tpu.memory_space<vmem_shared>> -> memref<128x128xf32, #tpu.memory_space<vmem_shared>>
      %dma_start3A_99 = arith.constant 0 : i32
      %dma_start3A_100 = tpu.memref_slice %arg8[%add3A_12, %dma_start3A_99] : memref<10112x128xf32, #tpu.memory_space<vmem_shared>> -> memref<128x128xf32, #tpu.memory_space<vmem_shared>>
      tpu.enqueue_dma source(%arg6 : memref<128x128xf32, #tpu.memory_space<vmem>>) target(%dma_start3A_100 : memref<128x128xf32, #tpu.memory_space<vmem_shared>>) target_semaphore(%run_scoped3A : memref<!tpu.dma_semaphore, #tpu.memory_space<semaphore_mem>>)
      %dma_wait3A = arith.constant 0 : i32
      %dma_wait3A_101 = tpu.memref_slice %arg8[%add3A_12, %dma_wait3A] : memref<10112x128xf32, #tpu.memory_space<vmem_shared>> -> memref<128x128xf32, #tpu.memory_space<vmem_shared>>
      %dma_wait3A_102 = arith.constant 0 : i32
      %dma_wait3A_103 = tpu.memref_slice %arg8[%add3A_12, %dma_wait3A_102] : memref<10112x128xf32, #tpu.memory_space<vmem_shared>> -> memref<128x128xf32, #tpu.memory_space<vmem_shared>>
      tpu.wait_dma2 semaphore(%run_scoped3A : memref<!tpu.dma_semaphore, #tpu.memory_space<semaphore_mem>>) src(%arg6 : memref<128x128xf32, #tpu.memory_space<vmem>>) dst(%dma_wait3A_103 : memref<128x128xf32, #tpu.memory_space<vmem_shared>>)
      tpu.yield
    }) : () -> ()
    %add3A_13 = arith.constant 384 : i32
    %add3A_14 = arith.addi %mul3A_2, %add3A_13 : i32
    "tpu.region"() ({
      %run_scoped3A = tpu.sem_alloc : memref<!tpu.dma_semaphore, #tpu.memory_space<semaphore_mem>>
      %dma_start3A_97 = arith.constant 0 : i32
      %dma_start3A_98 = tpu.memref_slice %arg8[%add3A_14, %dma_start3A_97] : memref<10112x128xf32, #tpu.memory_space<vmem_shared>> -> memref<128x128xf32, #tpu.memory_space<vmem_shared>>
      %dma_start3A_99 = arith.constant 0 : i32
      %dma_start3A_100 = tpu.memref_slice %arg8[%add3A_14, %dma_start3A_99] : memref<10112x128xf32, #tpu.memory_space<vmem_shared>> -> memref<128x128xf32, #tpu.memory_space<vmem_shared>>
      tpu.enqueue_dma source(%arg6 : memref<128x128xf32, #tpu.memory_space<vmem>>) target(%dma_start3A_100 : memref<128x128xf32, #tpu.memory_space<vmem_shared>>) target_semaphore(%run_scoped3A : memref<!tpu.dma_semaphore, #tpu.memory_space<semaphore_mem>>)
      %dma_wait3A = arith.constant 0 : i32
      %dma_wait3A_101 = tpu.memref_slice %arg8[%add3A_14, %dma_wait3A] : memref<10112x128xf32, #tpu.memory_space<vmem_shared>> -> memref<128x128xf32, #tpu.memory_space<vmem_shared>>
      %dma_wait3A_102 = arith.constant 0 : i32
      %dma_wait3A_103 = tpu.memref_slice %arg8[%add3A_14, %dma_wait3A_102] : memref<10112x128xf32, #tpu.memory_space<vmem_shared>> -> memref<128x128xf32, #tpu.memory_space<vmem_shared>>
      tpu.wait_dma2 semaphore(%run_scoped3A : memref<!tpu.dma_semaphore, #tpu.memory_space<semaphore_mem>>) src(%arg6 : memref<128x128xf32, #tpu.memory_space<vmem>>) dst(%dma_wait3A_103 : memref<128x128xf32, #tpu.memory_space<vmem_shared>>)
      tpu.yield
    }) : () -> ()
    %add3A_15 = arith.constant 512 : i32
    %add3A_16 = arith.addi %mul3A_2, %add3A_15 : i32
    "tpu.region"() ({
      %run_scoped3A = tpu.sem_alloc : memref<!tpu.dma_semaphore, #tpu.memory_space<semaphore_mem>>
      %dma_start3A_97 = arith.constant 0 : i32
      %dma_start3A_98 = arith.constant 0 : i32
      %dma_start3A_99 = tpu.memref_slice %arg6[%dma_start3A_97, %dma_start3A_98] : memref<128x128xf32, #tpu.memory_space<vmem>> -> memref<120x128xf32, #tpu.memory_space<vmem>>
      %dma_start3A_100 = arith.constant 0 : i32
      %dma_start3A_101 = tpu.memref_slice %arg8[%add3A_16, %dma_start3A_100] : memref<10112x128xf32, #tpu.memory_space<vmem_shared>> -> memref<120x128xf32, #tpu.memory_space<vmem_shared>>
      %dma_start3A_102 = arith.constant 0 : i32
      %dma_start3A_103 = tpu.memref_slice %arg8[%add3A_16, %dma_start3A_102] : memref<10112x128xf32, #tpu.memory_space<vmem_shared>> -> memref<120x128xf32, #tpu.memory_space<vmem_shared>>
      %dma_start3A_104 = arith.constant 0 : i32
      %dma_start3A_105 = arith.constant 0 : i32
      %dma_start3A_106 = tpu.memref_slice %arg6[%dma_start3A_104, %dma_start3A_105] : memref<128x128xf32, #tpu.memory_space<vmem>> -> memref<120x128xf32, #tpu.memory_space<vmem>>
      tpu.enqueue_dma source(%dma_start3A_106 : memref<120x128xf32, #tpu.memory_space<vmem>>) target(%dma_start3A_103 : memref<120x128xf32, #tpu.memory_space<vmem_shared>>) target_semaphore(%run_scoped3A : memref<!tpu.dma_semaphore, #tpu.memory_space<semaphore_mem>>)
      %dma_wait3A = arith.constant 0 : i32
      %dma_wait3A_107 = arith.constant 0 : i32
      %dma_wait3A_108 = tpu.memref_slice %arg6[%dma_wait3A, %dma_wait3A_107] : memref<128x128xf32, #tpu.memory_space<vmem>> -> memref<120x128xf32, #tpu.memory_space<vmem>>
      %dma_wait3A_109 = arith.constant 0 : i32
      %dma_wait3A_110 = tpu.memref_slice %arg8[%add3A_16, %dma_wait3A_109] : memref<10112x128xf32, #tpu.memory_space<vmem_shared>> -> memref<120x128xf32, #tpu.memory_space<vmem_shared>>
      %dma_wait3A_111 = arith.constant 0 : i32
      %dma_wait3A_112 = tpu.memref_slice %arg8[%add3A_16, %dma_wait3A_111] : memref<10112x128xf32, #tpu.memory_space<vmem_shared>> -> memref<120x128xf32, #tpu.memory_space<vmem_shared>>
      %dma_wait3A_113 = arith.constant 0 : i32
      %dma_wait3A_114 = arith.constant 0 : i32
      %dma_wait3A_115 = tpu.memref_slice %arg6[%dma_wait3A_113, %dma_wait3A_114] : memref<128x128xf32, #tpu.memory_space<vmem>> -> memref<120x128xf32, #tpu.memory_space<vmem>>
      tpu.wait_dma2 semaphore(%run_scoped3A : memref<!tpu.dma_semaphore, #tpu.memory_space<semaphore_mem>>) src(%dma_wait3A_115 : memref<120x128xf32, #tpu.memory_space<vmem>>) dst(%dma_wait3A_112 : memref<120x128xf32, #tpu.memory_space<vmem_shared>>)
      tpu.yield
    }) : () -> ()
    %barrier3A = arith.constant 0 : index
    tpu.barrier barrier_id(%barrier3A)
    %mul3A_17 = arith.constant 10240 : i32
    %mul3A_18 = arith.muli %add3A, %mul3A_17 : i32
    "tpu.region"() ({
      %run_scoped3A = tpu.sem_alloc : memref<!tpu.dma_semaphore, #tpu.memory_space<semaphore_mem>>
      %dma_start3A_97 = arith.constant 0 : i32
      %dma_start3A_98 = arith.constant 0 : i32
      %dma_start3A_99 = tpu.memref_slice %arg3[%add3A, %dma_start3A_97, %dma_start3A_98] : memref<32x80x128xi32, #tpu.memory_space<hbm>> -> memref<1x16x128xi32, #tpu.memory_space<hbm>>
      %dma_start3A_100 = tpu.memref_squeeze %dma_start3A_99 : memref<1x16x128xi32, #tpu.memory_space<hbm>> -> memref<16x128xi32, #tpu.memory_space<hbm>>
      %dma_start3A_101 = arith.constant 0 : i32
      %dma_start3A_102 = arith.constant 0 : i32
      %dma_start3A_103 = tpu.memref_slice %arg3[%add3A, %dma_start3A_101, %dma_start3A_102] : memref<32x80x128xi32, #tpu.memory_space<hbm>> -> memref<1x16x128xi32, #tpu.memory_space<hbm>>
      %dma_start3A_104 = tpu.memref_squeeze %dma_start3A_103 : memref<1x16x128xi32, #tpu.memory_space<hbm>> -> memref<16x128xi32, #tpu.memory_space<hbm>>
      tpu.enqueue_dma source(%dma_start3A_104 : memref<16x128xi32, #tpu.memory_space<hbm>>) target(%arg5 : memref<16x128xi32, #tpu.memory_space<vmem>>) target_semaphore(%run_scoped3A : memref<!tpu.dma_semaphore, #tpu.memory_space<semaphore_mem>>)
      %dma_wait3A = arith.constant 0 : i32
      %dma_wait3A_105 = arith.constant 0 : i32
      %dma_wait3A_106 = tpu.memref_slice %arg3[%add3A, %dma_wait3A, %dma_wait3A_105] : memref<32x80x128xi32, #tpu.memory_space<hbm>> -> memref<1x16x128xi32, #tpu.memory_space<hbm>>
      %dma_wait3A_107 = tpu.memref_squeeze %dma_wait3A_106 : memref<1x16x128xi32, #tpu.memory_space<hbm>> -> memref<16x128xi32, #tpu.memory_space<hbm>>
      %dma_wait3A_108 = arith.constant 0 : i32
      %dma_wait3A_109 = arith.constant 0 : i32
      %dma_wait3A_110 = tpu.memref_slice %arg3[%add3A, %dma_wait3A_108, %dma_wait3A_109] : memref<32x80x128xi32, #tpu.memory_space<hbm>> -> memref<1x16x128xi32, #tpu.memory_space<hbm>>
      %dma_wait3A_111 = tpu.memref_squeeze %dma_wait3A_110 : memref<1x16x128xi32, #tpu.memory_space<hbm>> -> memref<16x128xi32, #tpu.memory_space<hbm>>
      tpu.wait_dma2 semaphore(%run_scoped3A : memref<!tpu.dma_semaphore, #tpu.memory_space<semaphore_mem>>) src(%dma_wait3A_111 : memref<16x128xi32, #tpu.memory_space<hbm>>) dst(%arg5 : memref<16x128xi32, #tpu.memory_space<vmem>>)
      tpu.yield
    }) : () -> ()
    %add3A_19 = arith.constant 0 : i32
    %add3A_20 = arith.addi %mul3A_18, %add3A_19 : i32
    %dma_start3A = arith.constant 0 : i32
    %dma_start3A_21 = tpu.memref_slice %arg2[%add3A_20, %dma_start3A] : memref<327680x128xf32, #tpu.memory_space<hbm>> -> memref<128x128xf32, #tpu.memory_space<hbm>>
    %dma_start3A_22 = arith.constant 0 : i32
    %dma_start3A_23 = tpu.memref_slice %arg2[%add3A_20, %dma_start3A_22] : memref<327680x128xf32, #tpu.memory_space<hbm>> -> memref<128x128xf32, #tpu.memory_space<hbm>>
    tpu.enqueue_dma source(%dma_start3A_23 : memref<128x128xf32, #tpu.memory_space<hbm>>) target(%arg6 : memref<128x128xf32, #tpu.memory_space<vmem>>) target_semaphore(%arg9 : memref<!tpu.dma_semaphore, #tpu.memory_space<semaphore_mem>>)
    %scan3A_24 = arith.constant 0 : i32
    %scan3A_25 = arith.constant 8 : i32
    %scan3A_26 = arith.addi %scan3A_24, %scan3A_25 : i32
    %scan3A_27 = arith.constant 1 : i32
    scf.for %scan3A_97 = %scan3A_24 to %scan3A_26 step %scan3A_27  : i32 {
      %mul3A_98 = arith.constant 2 : i32
      %mul3A_99 = arith.muli %scan3A_97, %mul3A_98 : i32
      %add3A_100 = arith.constant 0 : i32
      %add3A_101 = arith.addi %add3A_100, %mul3A_99 : i32
      %add3A_102 = arith.constant 0 : i32
      %add3A_103 = arith.addi %add3A_102, %add3A_101 : i32
      %mul3A_104 = arith.constant 128 : i32
      %mul3A_105 = arith.muli %add3A_103, %mul3A_104 : i32
      %add3A_106 = arith.addi %mul3A_18, %mul3A_105 : i32
      %dma_wait3A = arith.constant 0 : i32
      %dma_wait3A_107 = tpu.memref_slice %arg2[%add3A_106, %dma_wait3A] : memref<327680x128xf32, #tpu.memory_space<hbm>> -> memref<128x128xf32, #tpu.memory_space<hbm>>
      %dma_wait3A_108 = arith.constant 0 : i32
      %dma_wait3A_109 = tpu.memref_slice %arg2[%add3A_106, %dma_wait3A_108] : memref<327680x128xf32, #tpu.memory_space<hbm>> -> memref<128x128xf32, #tpu.memory_space<hbm>>
      tpu.wait_dma2 semaphore(%arg9 : memref<!tpu.dma_semaphore, #tpu.memory_space<semaphore_mem>>) src(%dma_wait3A_109 : memref<128x128xf32, #tpu.memory_space<hbm>>) dst(%arg6 : memref<128x128xf32, #tpu.memory_space<vmem>>)
      %add3A_110 = arith.constant 1 : i32
      %add3A_111 = arith.addi %add3A_103, %add3A_110 : i32
      %mul3A_112 = arith.constant 128 : i32
      %mul3A_113 = arith.muli %add3A_111, %mul3A_112 : i32
      %add3A_114 = arith.addi %mul3A_18, %mul3A_113 : i32
      %dma_start3A_115 = arith.constant 0 : i32
      %dma_start3A_116 = tpu.memref_slice %arg2[%add3A_114, %dma_start3A_115] : memref<327680x128xf32, #tpu.memory_space<hbm>> -> memref<128x128xf32, #tpu.memory_space<hbm>>
      %dma_start3A_117 = arith.constant 0 : i32
      %dma_start3A_118 = tpu.memref_slice %arg2[%add3A_114, %dma_start3A_117] : memref<327680x128xf32, #tpu.memory_space<hbm>> -> memref<128x128xf32, #tpu.memory_space<hbm>>
      tpu.enqueue_dma source(%dma_start3A_118 : memref<128x128xf32, #tpu.memory_space<hbm>>) target(%arg7 : memref<128x128xf32, #tpu.memory_space<vmem>>) target_semaphore(%arg10 : memref<!tpu.dma_semaphore, #tpu.memory_space<semaphore_mem>>)
      "tpu.region"() ({
        %run_scoped3A = tpu.sem_alloc : memref<!tpu.dma_semaphore, #tpu.memory_space<semaphore_mem>>
        %dma_start3A_134 = arith.constant 0 : i32
        %dma_start3A_135 = tpu.memref_slice %arg5[%add3A_101, %dma_start3A_134] : memref<16x128xi32, #tpu.memory_space<vmem>> -> memref<1x128xi32, #tpu.memory_space<vmem>>
        %dma_start3A_136 = tpu.memref_squeeze %dma_start3A_135 : memref<1x128xi32, #tpu.memory_space<vmem>> -> memref<128xi32, #tpu.memory_space<vmem>>
        %dma_start3A_137 = arith.constant 0 : i32
        %dma_start3A_138 = arith.constant 0 : i32
        %dma_start3A_139 = tpu.memref_slice %arg8[%dma_start3A_137, %dma_start3A_138] : memref<10112x128xf32, #tpu.memory_space<vmem_shared>> -> memref<10112x128xf32, #tpu.memory_space<vmem_shared>>
        tpu.enqueue_indirect_dma source(%arg6 : memref<128x128xf32, #tpu.memory_space<vmem>>) target(%dma_start3A_139 : memref<10112x128xf32, #tpu.memory_space<vmem_shared>>) offsets(%dma_start3A_136 : memref<128xi32, #tpu.memory_space<vmem>>) semaphore(%run_scoped3A : memref<!tpu.dma_semaphore, #tpu.memory_space<semaphore_mem>>) {add = true}
        %dma_wait3A_140 = arith.constant 0 : i32
        %dma_wait3A_141 = tpu.memref_slice %arg5[%add3A_101, %dma_wait3A_140] : memref<16x128xi32, #tpu.memory_space<vmem>> -> memref<1x128xi32, #tpu.memory_space<vmem>>
        %dma_wait3A_142 = tpu.memref_squeeze %dma_wait3A_141 : memref<1x128xi32, #tpu.memory_space<vmem>> -> memref<128xi32, #tpu.memory_space<vmem>>
        %dma_wait3A_143 = arith.constant 0 : i32
        %dma_wait3A_144 = arith.constant 0 : i32
        %dma_wait3A_145 = tpu.memref_slice %arg8[%dma_wait3A_143, %dma_wait3A_144] : memref<10112x128xf32, #tpu.memory_space<vmem_shared>> -> memref<10112x128xf32, #tpu.memory_space<vmem_shared>>
        tpu.wait_indirect_dma semaphore(%run_scoped3A : memref<!tpu.dma_semaphore, #tpu.memory_space<semaphore_mem>>) src(%arg6 : memref<128x128xf32, #tpu.memory_space<vmem>>) dst(%dma_wait3A_145 : memref<10112x128xf32, #tpu.memory_space<vmem_shared>>)
        tpu.yield
      }) : () -> ()
      %add3A_119 = arith.constant 1 : i32
      %add3A_120 = arith.addi %add3A_103, %add3A_119 : i32
      %mul3A_121 = arith.constant 128 : i32
      %mul3A_122 = arith.muli %add3A_120, %mul3A_121 : i32
      %add3A_123 = arith.addi %mul3A_18, %mul3A_122 : i32
      %dma_wait3A_124 = arith.constant 0 : i32
      %dma_wait3A_125 = tpu.memref_slice %arg2[%add3A_123, %dma_wait3A_124] : memref<327680x128xf32, #tpu.memory_space<hbm>> -> memref<128x128xf32, #tpu.memory_space<hbm>>
      %dma_wait3A_126 = arith.constant 0 : i32
      %dma_wait3A_127 = tpu.memref_slice %arg2[%add3A_123, %dma_wait3A_126] : memref<327680x128xf32, #tpu.memory_space<hbm>> -> memref<128x128xf32, #tpu.memory_space<hbm>>
      tpu.wait_dma2 semaphore(%arg10 : memref<!tpu.dma_semaphore, #tpu.memory_space<semaphore_mem>>) src(%dma_wait3A_127 : memref<128x128xf32, #tpu.memory_space<hbm>>) dst(%arg7 : memref<128x128xf32, #tpu.memory_space<vmem>>)
      %add3A_128 = arith.constant 2 : i32
      %add3A_129 = arith.addi %add3A_101, %add3A_128 : i32
      %lt3A = arith.constant 16 : i32
      %lt3A_130 = arith.cmpi slt, %add3A_129, %lt3A : i32
      %convert_element_type3A = arith.extui %lt3A_130 : i1 to i32
      %cond3A = arith.constant 0 : i32
      %cond3A_131 = arith.cmpi ne, %convert_element_type3A, %cond3A : i32
      scf.if %cond3A_131 {
        %add3A_134 = arith.constant 2 : i32
        %add3A_135 = arith.addi %add3A_103, %add3A_134 : i32
        %mul3A_136 = arith.constant 128 : i32
        %mul3A_137 = arith.muli %add3A_135, %mul3A_136 : i32
        %add3A_138 = arith.addi %mul3A_18, %mul3A_137 : i32
        %dma_start3A_139 = arith.constant 0 : i32
        %dma_start3A_140 = tpu.memref_slice %arg2[%add3A_138, %dma_start3A_139] : memref<327680x128xf32, #tpu.memory_space<hbm>> -> memref<128x128xf32, #tpu.memory_space<hbm>>
        %dma_start3A_141 = arith.constant 0 : i32
        %dma_start3A_142 = tpu.memref_slice %arg2[%add3A_138, %dma_start3A_141] : memref<327680x128xf32, #tpu.memory_space<hbm>> -> memref<128x128xf32, #tpu.memory_space<hbm>>
        tpu.enqueue_dma source(%dma_start3A_142 : memref<128x128xf32, #tpu.memory_space<hbm>>) target(%arg6 : memref<128x128xf32, #tpu.memory_space<vmem>>) target_semaphore(%arg9 : memref<!tpu.dma_semaphore, #tpu.memory_space<semaphore_mem>>)
      } else {
      }
      %add3A_132 = arith.constant 1 : i32
      %add3A_133 = arith.addi %add3A_101, %add3A_132 : i32
      "tpu.region"() ({
        %run_scoped3A = tpu.sem_alloc : memref<!tpu.dma_semaphore, #tpu.memory_space<semaphore_mem>>
        %dma_start3A_134 = arith.constant 0 : i32
        %dma_start3A_135 = tpu.memref_slice %arg5[%add3A_133, %dma_start3A_134] : memref<16x128xi32, #tpu.memory_space<vmem>> -> memref<1x128xi32, #tpu.memory_space<vmem>>
        %dma_start3A_136 = tpu.memref_squeeze %dma_start3A_135 : memref<1x128xi32, #tpu.memory_space<vmem>> -> memref<128xi32, #tpu.memory_space<vmem>>
        %dma_start3A_137 = arith.constant 0 : i32
        %dma_start3A_138 = arith.constant 0 : i32
        %dma_start3A_139 = tpu.memref_slice %arg8[%dma_start3A_137, %dma_start3A_138] : memref<10112x128xf32, #tpu.memory_space<vmem_shared>> -> memref<10112x128xf32, #tpu.memory_space<vmem_shared>>
        tpu.enqueue_indirect_dma source(%arg7 : memref<128x128xf32, #tpu.memory_space<vmem>>) target(%dma_start3A_139 : memref<10112x128xf32, #tpu.memory_space<vmem_shared>>) offsets(%dma_start3A_136 : memref<128xi32, #tpu.memory_space<vmem>>) semaphore(%run_scoped3A : memref<!tpu.dma_semaphore, #tpu.memory_space<semaphore_mem>>) {add = true}
        %dma_wait3A_140 = arith.constant 0 : i32
        %dma_wait3A_141 = tpu.memref_slice %arg5[%add3A_133, %dma_wait3A_140] : memref<16x128xi32, #tpu.memory_space<vmem>> -> memref<1x128xi32, #tpu.memory_space<vmem>>
        %dma_wait3A_142 = tpu.memref_squeeze %dma_wait3A_141 : memref<1x128xi32, #tpu.memory_space<vmem>> -> memref<128xi32, #tpu.memory_space<vmem>>
        %dma_wait3A_143 = arith.constant 0 : i32
        %dma_wait3A_144 = arith.constant 0 : i32
        %dma_wait3A_145 = tpu.memref_slice %arg8[%dma_wait3A_143, %dma_wait3A_144] : memref<10112x128xf32, #tpu.memory_space<vmem_shared>> -> memref<10112x128xf32, #tpu.memory_space<vmem_shared>>
        tpu.wait_indirect_dma semaphore(%run_scoped3A : memref<!tpu.dma_semaphore, #tpu.memory_space<semaphore_mem>>) src(%arg7 : memref<128x128xf32, #tpu.memory_space<vmem>>) dst(%dma_wait3A_145 : memref<10112x128xf32, #tpu.memory_space<vmem_shared>>)
        tpu.yield
      }) : () -> ()
    }
    %scan3A_28 = arith.constant 8 : i32
    "tpu.region"() ({
      %run_scoped3A = tpu.sem_alloc : memref<!tpu.dma_semaphore, #tpu.memory_space<semaphore_mem>>
      %dma_start3A_97 = arith.constant 16 : i32
      %dma_start3A_98 = arith.constant 0 : i32
      %dma_start3A_99 = tpu.memref_slice %arg3[%add3A, %dma_start3A_97, %dma_start3A_98] : memref<32x80x128xi32, #tpu.memory_space<hbm>> -> memref<1x16x128xi32, #tpu.memory_space<hbm>>
      %dma_start3A_100 = tpu.memref_squeeze %dma_start3A_99 : memref<1x16x128xi32, #tpu.memory_space<hbm>> -> memref<16x128xi32, #tpu.memory_space<hbm>>
      %dma_start3A_101 = arith.constant 16 : i32
      %dma_start3A_102 = arith.constant 0 : i32
      %dma_start3A_103 = tpu.memref_slice %arg3[%add3A, %dma_start3A_101, %dma_start3A_102] : memref<32x80x128xi32, #tpu.memory_space<hbm>> -> memref<1x16x128xi32, #tpu.memory_space<hbm>>
      %dma_start3A_104 = tpu.memref_squeeze %dma_start3A_103 : memref<1x16x128xi32, #tpu.memory_space<hbm>> -> memref<16x128xi32, #tpu.memory_space<hbm>>
      tpu.enqueue_dma source(%dma_start3A_104 : memref<16x128xi32, #tpu.memory_space<hbm>>) target(%arg5 : memref<16x128xi32, #tpu.memory_space<vmem>>) target_semaphore(%run_scoped3A : memref<!tpu.dma_semaphore, #tpu.memory_space<semaphore_mem>>)
      %dma_wait3A = arith.constant 16 : i32
      %dma_wait3A_105 = arith.constant 0 : i32
      %dma_wait3A_106 = tpu.memref_slice %arg3[%add3A, %dma_wait3A, %dma_wait3A_105] : memref<32x80x128xi32, #tpu.memory_space<hbm>> -> memref<1x16x128xi32, #tpu.memory_space<hbm>>
      %dma_wait3A_107 = tpu.memref_squeeze %dma_wait3A_106 : memref<1x16x128xi32, #tpu.memory_space<hbm>> -> memref<16x128xi32, #tpu.memory_space<hbm>>
      %dma_wait3A_108 = arith.constant 16 : i32
      %dma_wait3A_109 = arith.constant 0 : i32
      %dma_wait3A_110 = tpu.memref_slice %arg3[%add3A, %dma_wait3A_108, %dma_wait3A_109] : memref<32x80x128xi32, #tpu.memory_space<hbm>> -> memref<1x16x128xi32, #tpu.memory_space<hbm>>
      %dma_wait3A_111 = tpu.memref_squeeze %dma_wait3A_110 : memref<1x16x128xi32, #tpu.memory_space<hbm>> -> memref<16x128xi32, #tpu.memory_space<hbm>>
      tpu.wait_dma2 semaphore(%run_scoped3A : memref<!tpu.dma_semaphore, #tpu.memory_space<semaphore_mem>>) src(%dma_wait3A_111 : memref<16x128xi32, #tpu.memory_space<hbm>>) dst(%arg5 : memref<16x128xi32, #tpu.memory_space<vmem>>)
      tpu.yield
    }) : () -> ()
    %add3A_29 = arith.constant 2048 : i32
    %add3A_30 = arith.addi %mul3A_18, %add3A_29 : i32
    %dma_start3A_31 = arith.constant 0 : i32
    %dma_start3A_32 = tpu.memref_slice %arg2[%add3A_30, %dma_start3A_31] : memref<327680x128xf32, #tpu.memory_space<hbm>> -> memref<128x128xf32, #tpu.memory_space<hbm>>
    %dma_start3A_33 = arith.constant 0 : i32
    %dma_start3A_34 = tpu.memref_slice %arg2[%add3A_30, %dma_start3A_33] : memref<327680x128xf32, #tpu.memory_space<hbm>> -> memref<128x128xf32, #tpu.memory_space<hbm>>
    tpu.enqueue_dma source(%dma_start3A_34 : memref<128x128xf32, #tpu.memory_space<hbm>>) target(%arg6 : memref<128x128xf32, #tpu.memory_space<vmem>>) target_semaphore(%arg9 : memref<!tpu.dma_semaphore, #tpu.memory_space<semaphore_mem>>)
    %scan3A_35 = arith.constant 0 : i32
    %scan3A_36 = arith.constant 8 : i32
    %scan3A_37 = arith.addi %scan3A_35, %scan3A_36 : i32
    %scan3A_38 = arith.constant 1 : i32
    scf.for %scan3A_97 = %scan3A_35 to %scan3A_37 step %scan3A_38  : i32 {
      %mul3A_98 = arith.constant 2 : i32
      %mul3A_99 = arith.muli %scan3A_97, %mul3A_98 : i32
      %add3A_100 = arith.constant 0 : i32
      %add3A_101 = arith.addi %add3A_100, %mul3A_99 : i32
      %add3A_102 = arith.constant 16 : i32
      %add3A_103 = arith.addi %add3A_102, %add3A_101 : i32
      %mul3A_104 = arith.constant 128 : i32
      %mul3A_105 = arith.muli %add3A_103, %mul3A_104 : i32
      %add3A_106 = arith.addi %mul3A_18, %mul3A_105 : i32
      %dma_wait3A = arith.constant 0 : i32
      %dma_wait3A_107 = tpu.memref_slice %arg2[%add3A_106, %dma_wait3A] : memref<327680x128xf32, #tpu.memory_space<hbm>> -> memref<128x128xf32, #tpu.memory_space<hbm>>
      %dma_wait3A_108 = arith.constant 0 : i32
      %dma_wait3A_109 = tpu.memref_slice %arg2[%add3A_106, %dma_wait3A_108] : memref<327680x128xf32, #tpu.memory_space<hbm>> -> memref<128x128xf32, #tpu.memory_space<hbm>>
      tpu.wait_dma2 semaphore(%arg9 : memref<!tpu.dma_semaphore, #tpu.memory_space<semaphore_mem>>) src(%dma_wait3A_109 : memref<128x128xf32, #tpu.memory_space<hbm>>) dst(%arg6 : memref<128x128xf32, #tpu.memory_space<vmem>>)
      %add3A_110 = arith.constant 1 : i32
      %add3A_111 = arith.addi %add3A_103, %add3A_110 : i32
      %mul3A_112 = arith.constant 128 : i32
      %mul3A_113 = arith.muli %add3A_111, %mul3A_112 : i32
      %add3A_114 = arith.addi %mul3A_18, %mul3A_113 : i32
      %dma_start3A_115 = arith.constant 0 : i32
      %dma_start3A_116 = tpu.memref_slice %arg2[%add3A_114, %dma_start3A_115] : memref<327680x128xf32, #tpu.memory_space<hbm>> -> memref<128x128xf32, #tpu.memory_space<hbm>>
      %dma_start3A_117 = arith.constant 0 : i32
      %dma_start3A_118 = tpu.memref_slice %arg2[%add3A_114, %dma_start3A_117] : memref<327680x128xf32, #tpu.memory_space<hbm>> -> memref<128x128xf32, #tpu.memory_space<hbm>>
      tpu.enqueue_dma source(%dma_start3A_118 : memref<128x128xf32, #tpu.memory_space<hbm>>) target(%arg7 : memref<128x128xf32, #tpu.memory_space<vmem>>) target_semaphore(%arg10 : memref<!tpu.dma_semaphore, #tpu.memory_space<semaphore_mem>>)
      "tpu.region"() ({
        %run_scoped3A = tpu.sem_alloc : memref<!tpu.dma_semaphore, #tpu.memory_space<semaphore_mem>>
        %dma_start3A_134 = arith.constant 0 : i32
        %dma_start3A_135 = tpu.memref_slice %arg5[%add3A_101, %dma_start3A_134] : memref<16x128xi32, #tpu.memory_space<vmem>> -> memref<1x128xi32, #tpu.memory_space<vmem>>
        %dma_start3A_136 = tpu.memref_squeeze %dma_start3A_135 : memref<1x128xi32, #tpu.memory_space<vmem>> -> memref<128xi32, #tpu.memory_space<vmem>>
        %dma_start3A_137 = arith.constant 0 : i32
        %dma_start3A_138 = arith.constant 0 : i32
        %dma_start3A_139 = tpu.memref_slice %arg8[%dma_start3A_137, %dma_start3A_138] : memref<10112x128xf32, #tpu.memory_space<vmem_shared>> -> memref<10112x128xf32, #tpu.memory_space<vmem_shared>>
        tpu.enqueue_indirect_dma source(%arg6 : memref<128x128xf32, #tpu.memory_space<vmem>>) target(%dma_start3A_139 : memref<10112x128xf32, #tpu.memory_space<vmem_shared>>) offsets(%dma_start3A_136 : memref<128xi32, #tpu.memory_space<vmem>>) semaphore(%run_scoped3A : memref<!tpu.dma_semaphore, #tpu.memory_space<semaphore_mem>>) {add = true}
        %dma_wait3A_140 = arith.constant 0 : i32
        %dma_wait3A_141 = tpu.memref_slice %arg5[%add3A_101, %dma_wait3A_140] : memref<16x128xi32, #tpu.memory_space<vmem>> -> memref<1x128xi32, #tpu.memory_space<vmem>>
        %dma_wait3A_142 = tpu.memref_squeeze %dma_wait3A_141 : memref<1x128xi32, #tpu.memory_space<vmem>> -> memref<128xi32, #tpu.memory_space<vmem>>
        %dma_wait3A_143 = arith.constant 0 : i32
        %dma_wait3A_144 = arith.constant 0 : i32
        %dma_wait3A_145 = tpu.memref_slice %arg8[%dma_wait3A_143, %dma_wait3A_144] : memref<10112x128xf32, #tpu.memory_space<vmem_shared>> -> memref<10112x128xf32, #tpu.memory_space<vmem_shared>>
        tpu.wait_indirect_dma semaphore(%run_scoped3A : memref<!tpu.dma_semaphore, #tpu.memory_space<semaphore_mem>>) src(%arg6 : memref<128x128xf32, #tpu.memory_space<vmem>>) dst(%dma_wait3A_145 : memref<10112x128xf32, #tpu.memory_space<vmem_shared>>)
        tpu.yield
      }) : () -> ()
      %add3A_119 = arith.constant 1 : i32
      %add3A_120 = arith.addi %add3A_103, %add3A_119 : i32
      %mul3A_121 = arith.constant 128 : i32
      %mul3A_122 = arith.muli %add3A_120, %mul3A_121 : i32
      %add3A_123 = arith.addi %mul3A_18, %mul3A_122 : i32
      %dma_wait3A_124 = arith.constant 0 : i32
      %dma_wait3A_125 = tpu.memref_slice %arg2[%add3A_123, %dma_wait3A_124] : memref<327680x128xf32, #tpu.memory_space<hbm>> -> memref<128x128xf32, #tpu.memory_space<hbm>>
      %dma_wait3A_126 = arith.constant 0 : i32
      %dma_wait3A_127 = tpu.memref_slice %arg2[%add3A_123, %dma_wait3A_126] : memref<327680x128xf32, #tpu.memory_space<hbm>> -> memref<128x128xf32, #tpu.memory_space<hbm>>
      tpu.wait_dma2 semaphore(%arg10 : memref<!tpu.dma_semaphore, #tpu.memory_space<semaphore_mem>>) src(%dma_wait3A_127 : memref<128x128xf32, #tpu.memory_space<hbm>>) dst(%arg7 : memref<128x128xf32, #tpu.memory_space<vmem>>)
      %add3A_128 = arith.constant 2 : i32
      %add3A_129 = arith.addi %add3A_101, %add3A_128 : i32
      %lt3A = arith.constant 16 : i32
      %lt3A_130 = arith.cmpi slt, %add3A_129, %lt3A : i32
      %convert_element_type3A = arith.extui %lt3A_130 : i1 to i32
      %cond3A = arith.constant 0 : i32
      %cond3A_131 = arith.cmpi ne, %convert_element_type3A, %cond3A : i32
      scf.if %cond3A_131 {
        %add3A_134 = arith.constant 2 : i32
        %add3A_135 = arith.addi %add3A_103, %add3A_134 : i32
        %mul3A_136 = arith.constant 128 : i32
        %mul3A_137 = arith.muli %add3A_135, %mul3A_136 : i32
        %add3A_138 = arith.addi %mul3A_18, %mul3A_137 : i32
        %dma_start3A_139 = arith.constant 0 : i32
        %dma_start3A_140 = tpu.memref_slice %arg2[%add3A_138, %dma_start3A_139] : memref<327680x128xf32, #tpu.memory_space<hbm>> -> memref<128x128xf32, #tpu.memory_space<hbm>>
        %dma_start3A_141 = arith.constant 0 : i32
        %dma_start3A_142 = tpu.memref_slice %arg2[%add3A_138, %dma_start3A_141] : memref<327680x128xf32, #tpu.memory_space<hbm>> -> memref<128x128xf32, #tpu.memory_space<hbm>>
        tpu.enqueue_dma source(%dma_start3A_142 : memref<128x128xf32, #tpu.memory_space<hbm>>) target(%arg6 : memref<128x128xf32, #tpu.memory_space<vmem>>) target_semaphore(%arg9 : memref<!tpu.dma_semaphore, #tpu.memory_space<semaphore_mem>>)
      } else {
      }
      %add3A_132 = arith.constant 1 : i32
      %add3A_133 = arith.addi %add3A_101, %add3A_132 : i32
      "tpu.region"() ({
        %run_scoped3A = tpu.sem_alloc : memref<!tpu.dma_semaphore, #tpu.memory_space<semaphore_mem>>
        %dma_start3A_134 = arith.constant 0 : i32
        %dma_start3A_135 = tpu.memref_slice %arg5[%add3A_133, %dma_start3A_134] : memref<16x128xi32, #tpu.memory_space<vmem>> -> memref<1x128xi32, #tpu.memory_space<vmem>>
        %dma_start3A_136 = tpu.memref_squeeze %dma_start3A_135 : memref<1x128xi32, #tpu.memory_space<vmem>> -> memref<128xi32, #tpu.memory_space<vmem>>
        %dma_start3A_137 = arith.constant 0 : i32
        %dma_start3A_138 = arith.constant 0 : i32
        %dma_start3A_139 = tpu.memref_slice %arg8[%dma_start3A_137, %dma_start3A_138] : memref<10112x128xf32, #tpu.memory_space<vmem_shared>> -> memref<10112x128xf32, #tpu.memory_space<vmem_shared>>
        tpu.enqueue_indirect_dma source(%arg7 : memref<128x128xf32, #tpu.memory_space<vmem>>) target(%dma_start3A_139 : memref<10112x128xf32, #tpu.memory_space<vmem_shared>>) offsets(%dma_start3A_136 : memref<128xi32, #tpu.memory_space<vmem>>) semaphore(%run_scoped3A : memref<!tpu.dma_semaphore, #tpu.memory_space<semaphore_mem>>) {add = true}
        %dma_wait3A_140 = arith.constant 0 : i32
        %dma_wait3A_141 = tpu.memref_slice %arg5[%add3A_133, %dma_wait3A_140] : memref<16x128xi32, #tpu.memory_space<vmem>> -> memref<1x128xi32, #tpu.memory_space<vmem>>
        %dma_wait3A_142 = tpu.memref_squeeze %dma_wait3A_141 : memref<1x128xi32, #tpu.memory_space<vmem>> -> memref<128xi32, #tpu.memory_space<vmem>>
        %dma_wait3A_143 = arith.constant 0 : i32
        %dma_wait3A_144 = arith.constant 0 : i32
        %dma_wait3A_145 = tpu.memref_slice %arg8[%dma_wait3A_143, %dma_wait3A_144] : memref<10112x128xf32, #tpu.memory_space<vmem_shared>> -> memref<10112x128xf32, #tpu.memory_space<vmem_shared>>
        tpu.wait_indirect_dma semaphore(%run_scoped3A : memref<!tpu.dma_semaphore, #tpu.memory_space<semaphore_mem>>) src(%arg7 : memref<128x128xf32, #tpu.memory_space<vmem>>) dst(%dma_wait3A_145 : memref<10112x128xf32, #tpu.memory_space<vmem_shared>>)
        tpu.yield
      }) : () -> ()
    }
    %scan3A_39 = arith.constant 8 : i32
    "tpu.region"() ({
      %run_scoped3A = tpu.sem_alloc : memref<!tpu.dma_semaphore, #tpu.memory_space<semaphore_mem>>
      %dma_start3A_97 = arith.constant 32 : i32
      %dma_start3A_98 = arith.constant 0 : i32
      %dma_start3A_99 = tpu.memref_slice %arg3[%add3A, %dma_start3A_97, %dma_start3A_98] : memref<32x80x128xi32, #tpu.memory_space<hbm>> -> memref<1x16x128xi32, #tpu.memory_space<hbm>>
      %dma_start3A_100 = tpu.memref_squeeze %dma_start3A_99 : memref<1x16x128xi32, #tpu.memory_space<hbm>> -> memref<16x128xi32, #tpu.memory_space<hbm>>
      %dma_start3A_101 = arith.constant 32 : i32
      %dma_start3A_102 = arith.constant 0 : i32
      %dma_start3A_103 = tpu.memref_slice %arg3[%add3A, %dma_start3A_101, %dma_start3A_102] : memref<32x80x128xi32, #tpu.memory_space<hbm>> -> memref<1x16x128xi32, #tpu.memory_space<hbm>>
      %dma_start3A_104 = tpu.memref_squeeze %dma_start3A_103 : memref<1x16x128xi32, #tpu.memory_space<hbm>> -> memref<16x128xi32, #tpu.memory_space<hbm>>
      tpu.enqueue_dma source(%dma_start3A_104 : memref<16x128xi32, #tpu.memory_space<hbm>>) target(%arg5 : memref<16x128xi32, #tpu.memory_space<vmem>>) target_semaphore(%run_scoped3A : memref<!tpu.dma_semaphore, #tpu.memory_space<semaphore_mem>>)
      %dma_wait3A = arith.constant 32 : i32
      %dma_wait3A_105 = arith.constant 0 : i32
      %dma_wait3A_106 = tpu.memref_slice %arg3[%add3A, %dma_wait3A, %dma_wait3A_105] : memref<32x80x128xi32, #tpu.memory_space<hbm>> -> memref<1x16x128xi32, #tpu.memory_space<hbm>>
      %dma_wait3A_107 = tpu.memref_squeeze %dma_wait3A_106 : memref<1x16x128xi32, #tpu.memory_space<hbm>> -> memref<16x128xi32, #tpu.memory_space<hbm>>
      %dma_wait3A_108 = arith.constant 32 : i32
      %dma_wait3A_109 = arith.constant 0 : i32
      %dma_wait3A_110 = tpu.memref_slice %arg3[%add3A, %dma_wait3A_108, %dma_wait3A_109] : memref<32x80x128xi32, #tpu.memory_space<hbm>> -> memref<1x16x128xi32, #tpu.memory_space<hbm>>
      %dma_wait3A_111 = tpu.memref_squeeze %dma_wait3A_110 : memref<1x16x128xi32, #tpu.memory_space<hbm>> -> memref<16x128xi32, #tpu.memory_space<hbm>>
      tpu.wait_dma2 semaphore(%run_scoped3A : memref<!tpu.dma_semaphore, #tpu.memory_space<semaphore_mem>>) src(%dma_wait3A_111 : memref<16x128xi32, #tpu.memory_space<hbm>>) dst(%arg5 : memref<16x128xi32, #tpu.memory_space<vmem>>)
      tpu.yield
    }) : () -> ()
    %add3A_40 = arith.constant 4096 : i32
    %add3A_41 = arith.addi %mul3A_18, %add3A_40 : i32
    %dma_start3A_42 = arith.constant 0 : i32
    %dma_start3A_43 = tpu.memref_slice %arg2[%add3A_41, %dma_start3A_42] : memref<327680x128xf32, #tpu.memory_space<hbm>> -> memref<128x128xf32, #tpu.memory_space<hbm>>
    %dma_start3A_44 = arith.constant 0 : i32
    %dma_start3A_45 = tpu.memref_slice %arg2[%add3A_41, %dma_start3A_44] : memref<327680x128xf32, #tpu.memory_space<hbm>> -> memref<128x128xf32, #tpu.memory_space<hbm>>
    tpu.enqueue_dma source(%dma_start3A_45 : memref<128x128xf32, #tpu.memory_space<hbm>>) target(%arg6 : memref<128x128xf32, #tpu.memory_space<vmem>>) target_semaphore(%arg9 : memref<!tpu.dma_semaphore, #tpu.memory_space<semaphore_mem>>)
    %scan3A_46 = arith.constant 0 : i32
    %scan3A_47 = arith.constant 8 : i32
    %scan3A_48 = arith.addi %scan3A_46, %scan3A_47 : i32
    %scan3A_49 = arith.constant 1 : i32
    scf.for %scan3A_97 = %scan3A_46 to %scan3A_48 step %scan3A_49  : i32 {
      %mul3A_98 = arith.constant 2 : i32
      %mul3A_99 = arith.muli %scan3A_97, %mul3A_98 : i32
      %add3A_100 = arith.constant 0 : i32
      %add3A_101 = arith.addi %add3A_100, %mul3A_99 : i32
      %add3A_102 = arith.constant 32 : i32
      %add3A_103 = arith.addi %add3A_102, %add3A_101 : i32
      %mul3A_104 = arith.constant 128 : i32
      %mul3A_105 = arith.muli %add3A_103, %mul3A_104 : i32
      %add3A_106 = arith.addi %mul3A_18, %mul3A_105 : i32
      %dma_wait3A = arith.constant 0 : i32
      %dma_wait3A_107 = tpu.memref_slice %arg2[%add3A_106, %dma_wait3A] : memref<327680x128xf32, #tpu.memory_space<hbm>> -> memref<128x128xf32, #tpu.memory_space<hbm>>
      %dma_wait3A_108 = arith.constant 0 : i32
      %dma_wait3A_109 = tpu.memref_slice %arg2[%add3A_106, %dma_wait3A_108] : memref<327680x128xf32, #tpu.memory_space<hbm>> -> memref<128x128xf32, #tpu.memory_space<hbm>>
      tpu.wait_dma2 semaphore(%arg9 : memref<!tpu.dma_semaphore, #tpu.memory_space<semaphore_mem>>) src(%dma_wait3A_109 : memref<128x128xf32, #tpu.memory_space<hbm>>) dst(%arg6 : memref<128x128xf32, #tpu.memory_space<vmem>>)
      %add3A_110 = arith.constant 1 : i32
      %add3A_111 = arith.addi %add3A_103, %add3A_110 : i32
      %mul3A_112 = arith.constant 128 : i32
      %mul3A_113 = arith.muli %add3A_111, %mul3A_112 : i32
      %add3A_114 = arith.addi %mul3A_18, %mul3A_113 : i32
      %dma_start3A_115 = arith.constant 0 : i32
      %dma_start3A_116 = tpu.memref_slice %arg2[%add3A_114, %dma_start3A_115] : memref<327680x128xf32, #tpu.memory_space<hbm>> -> memref<128x128xf32, #tpu.memory_space<hbm>>
      %dma_start3A_117 = arith.constant 0 : i32
      %dma_start3A_118 = tpu.memref_slice %arg2[%add3A_114, %dma_start3A_117] : memref<327680x128xf32, #tpu.memory_space<hbm>> -> memref<128x128xf32, #tpu.memory_space<hbm>>
      tpu.enqueue_dma source(%dma_start3A_118 : memref<128x128xf32, #tpu.memory_space<hbm>>) target(%arg7 : memref<128x128xf32, #tpu.memory_space<vmem>>) target_semaphore(%arg10 : memref<!tpu.dma_semaphore, #tpu.memory_space<semaphore_mem>>)
      "tpu.region"() ({
        %run_scoped3A = tpu.sem_alloc : memref<!tpu.dma_semaphore, #tpu.memory_space<semaphore_mem>>
        %dma_start3A_134 = arith.constant 0 : i32
        %dma_start3A_135 = tpu.memref_slice %arg5[%add3A_101, %dma_start3A_134] : memref<16x128xi32, #tpu.memory_space<vmem>> -> memref<1x128xi32, #tpu.memory_space<vmem>>
        %dma_start3A_136 = tpu.memref_squeeze %dma_start3A_135 : memref<1x128xi32, #tpu.memory_space<vmem>> -> memref<128xi32, #tpu.memory_space<vmem>>
        %dma_start3A_137 = arith.constant 0 : i32
        %dma_start3A_138 = arith.constant 0 : i32
        %dma_start3A_139 = tpu.memref_slice %arg8[%dma_start3A_137, %dma_start3A_138] : memref<10112x128xf32, #tpu.memory_space<vmem_shared>> -> memref<10112x128xf32, #tpu.memory_space<vmem_shared>>
        tpu.enqueue_indirect_dma source(%arg6 : memref<128x128xf32, #tpu.memory_space<vmem>>) target(%dma_start3A_139 : memref<10112x128xf32, #tpu.memory_space<vmem_shared>>) offsets(%dma_start3A_136 : memref<128xi32, #tpu.memory_space<vmem>>) semaphore(%run_scoped3A : memref<!tpu.dma_semaphore, #tpu.memory_space<semaphore_mem>>) {add = true}
        %dma_wait3A_140 = arith.constant 0 : i32
        %dma_wait3A_141 = tpu.memref_slice %arg5[%add3A_101, %dma_wait3A_140] : memref<16x128xi32, #tpu.memory_space<vmem>> -> memref<1x128xi32, #tpu.memory_space<vmem>>
        %dma_wait3A_142 = tpu.memref_squeeze %dma_wait3A_141 : memref<1x128xi32, #tpu.memory_space<vmem>> -> memref<128xi32, #tpu.memory_space<vmem>>
        %dma_wait3A_143 = arith.constant 0 : i32
        %dma_wait3A_144 = arith.constant 0 : i32
        %dma_wait3A_145 = tpu.memref_slice %arg8[%dma_wait3A_143, %dma_wait3A_144] : memref<10112x128xf32, #tpu.memory_space<vmem_shared>> -> memref<10112x128xf32, #tpu.memory_space<vmem_shared>>
        tpu.wait_indirect_dma semaphore(%run_scoped3A : memref<!tpu.dma_semaphore, #tpu.memory_space<semaphore_mem>>) src(%arg6 : memref<128x128xf32, #tpu.memory_space<vmem>>) dst(%dma_wait3A_145 : memref<10112x128xf32, #tpu.memory_space<vmem_shared>>)
        tpu.yield
      }) : () -> ()
      %add3A_119 = arith.constant 1 : i32
      %add3A_120 = arith.addi %add3A_103, %add3A_119 : i32
      %mul3A_121 = arith.constant 128 : i32
      %mul3A_122 = arith.muli %add3A_120, %mul3A_121 : i32
      %add3A_123 = arith.addi %mul3A_18, %mul3A_122 : i32
      %dma_wait3A_124 = arith.constant 0 : i32
      %dma_wait3A_125 = tpu.memref_slice %arg2[%add3A_123, %dma_wait3A_124] : memref<327680x128xf32, #tpu.memory_space<hbm>> -> memref<128x128xf32, #tpu.memory_space<hbm>>
      %dma_wait3A_126 = arith.constant 0 : i32
      %dma_wait3A_127 = tpu.memref_slice %arg2[%add3A_123, %dma_wait3A_126] : memref<327680x128xf32, #tpu.memory_space<hbm>> -> memref<128x128xf32, #tpu.memory_space<hbm>>
      tpu.wait_dma2 semaphore(%arg10 : memref<!tpu.dma_semaphore, #tpu.memory_space<semaphore_mem>>) src(%dma_wait3A_127 : memref<128x128xf32, #tpu.memory_space<hbm>>) dst(%arg7 : memref<128x128xf32, #tpu.memory_space<vmem>>)
      %add3A_128 = arith.constant 2 : i32
      %add3A_129 = arith.addi %add3A_101, %add3A_128 : i32
      %lt3A = arith.constant 16 : i32
      %lt3A_130 = arith.cmpi slt, %add3A_129, %lt3A : i32
      %convert_element_type3A = arith.extui %lt3A_130 : i1 to i32
      %cond3A = arith.constant 0 : i32
      %cond3A_131 = arith.cmpi ne, %convert_element_type3A, %cond3A : i32
      scf.if %cond3A_131 {
        %add3A_134 = arith.constant 2 : i32
        %add3A_135 = arith.addi %add3A_103, %add3A_134 : i32
        %mul3A_136 = arith.constant 128 : i32
        %mul3A_137 = arith.muli %add3A_135, %mul3A_136 : i32
        %add3A_138 = arith.addi %mul3A_18, %mul3A_137 : i32
        %dma_start3A_139 = arith.constant 0 : i32
        %dma_start3A_140 = tpu.memref_slice %arg2[%add3A_138, %dma_start3A_139] : memref<327680x128xf32, #tpu.memory_space<hbm>> -> memref<128x128xf32, #tpu.memory_space<hbm>>
        %dma_start3A_141 = arith.constant 0 : i32
        %dma_start3A_142 = tpu.memref_slice %arg2[%add3A_138, %dma_start3A_141] : memref<327680x128xf32, #tpu.memory_space<hbm>> -> memref<128x128xf32, #tpu.memory_space<hbm>>
        tpu.enqueue_dma source(%dma_start3A_142 : memref<128x128xf32, #tpu.memory_space<hbm>>) target(%arg6 : memref<128x128xf32, #tpu.memory_space<vmem>>) target_semaphore(%arg9 : memref<!tpu.dma_semaphore, #tpu.memory_space<semaphore_mem>>)
      } else {
      }
      %add3A_132 = arith.constant 1 : i32
      %add3A_133 = arith.addi %add3A_101, %add3A_132 : i32
      "tpu.region"() ({
        %run_scoped3A = tpu.sem_alloc : memref<!tpu.dma_semaphore, #tpu.memory_space<semaphore_mem>>
        %dma_start3A_134 = arith.constant 0 : i32
        %dma_start3A_135 = tpu.memref_slice %arg5[%add3A_133, %dma_start3A_134] : memref<16x128xi32, #tpu.memory_space<vmem>> -> memref<1x128xi32, #tpu.memory_space<vmem>>
        %dma_start3A_136 = tpu.memref_squeeze %dma_start3A_135 : memref<1x128xi32, #tpu.memory_space<vmem>> -> memref<128xi32, #tpu.memory_space<vmem>>
        %dma_start3A_137 = arith.constant 0 : i32
        %dma_start3A_138 = arith.constant 0 : i32
        %dma_start3A_139 = tpu.memref_slice %arg8[%dma_start3A_137, %dma_start3A_138] : memref<10112x128xf32, #tpu.memory_space<vmem_shared>> -> memref<10112x128xf32, #tpu.memory_space<vmem_shared>>
        tpu.enqueue_indirect_dma source(%arg7 : memref<128x128xf32, #tpu.memory_space<vmem>>) target(%dma_start3A_139 : memref<10112x128xf32, #tpu.memory_space<vmem_shared>>) offsets(%dma_start3A_136 : memref<128xi32, #tpu.memory_space<vmem>>) semaphore(%run_scoped3A : memref<!tpu.dma_semaphore, #tpu.memory_space<semaphore_mem>>) {add = true}
        %dma_wait3A_140 = arith.constant 0 : i32
        %dma_wait3A_141 = tpu.memref_slice %arg5[%add3A_133, %dma_wait3A_140] : memref<16x128xi32, #tpu.memory_space<vmem>> -> memref<1x128xi32, #tpu.memory_space<vmem>>
        %dma_wait3A_142 = tpu.memref_squeeze %dma_wait3A_141 : memref<1x128xi32, #tpu.memory_space<vmem>> -> memref<128xi32, #tpu.memory_space<vmem>>
        %dma_wait3A_143 = arith.constant 0 : i32
        %dma_wait3A_144 = arith.constant 0 : i32
        %dma_wait3A_145 = tpu.memref_slice %arg8[%dma_wait3A_143, %dma_wait3A_144] : memref<10112x128xf32, #tpu.memory_space<vmem_shared>> -> memref<10112x128xf32, #tpu.memory_space<vmem_shared>>
        tpu.wait_indirect_dma semaphore(%run_scoped3A : memref<!tpu.dma_semaphore, #tpu.memory_space<semaphore_mem>>) src(%arg7 : memref<128x128xf32, #tpu.memory_space<vmem>>) dst(%dma_wait3A_145 : memref<10112x128xf32, #tpu.memory_space<vmem_shared>>)
        tpu.yield
      }) : () -> ()
    }
    %scan3A_50 = arith.constant 8 : i32
    "tpu.region"() ({
      %run_scoped3A = tpu.sem_alloc : memref<!tpu.dma_semaphore, #tpu.memory_space<semaphore_mem>>
      %dma_start3A_97 = arith.constant 48 : i32
      %dma_start3A_98 = arith.constant 0 : i32
      %dma_start3A_99 = tpu.memref_slice %arg3[%add3A, %dma_start3A_97, %dma_start3A_98] : memref<32x80x128xi32, #tpu.memory_space<hbm>> -> memref<1x16x128xi32, #tpu.memory_space<hbm>>
      %dma_start3A_100 = tpu.memref_squeeze %dma_start3A_99 : memref<1x16x128xi32, #tpu.memory_space<hbm>> -> memref<16x128xi32, #tpu.memory_space<hbm>>
      %dma_start3A_101 = arith.constant 48 : i32
      %dma_start3A_102 = arith.constant 0 : i32
      %dma_start3A_103 = tpu.memref_slice %arg3[%add3A, %dma_start3A_101, %dma_start3A_102] : memref<32x80x128xi32, #tpu.memory_space<hbm>> -> memref<1x16x128xi32, #tpu.memory_space<hbm>>
      %dma_start3A_104 = tpu.memref_squeeze %dma_start3A_103 : memref<1x16x128xi32, #tpu.memory_space<hbm>> -> memref<16x128xi32, #tpu.memory_space<hbm>>
      tpu.enqueue_dma source(%dma_start3A_104 : memref<16x128xi32, #tpu.memory_space<hbm>>) target(%arg5 : memref<16x128xi32, #tpu.memory_space<vmem>>) target_semaphore(%run_scoped3A : memref<!tpu.dma_semaphore, #tpu.memory_space<semaphore_mem>>)
      %dma_wait3A = arith.constant 48 : i32
      %dma_wait3A_105 = arith.constant 0 : i32
      %dma_wait3A_106 = tpu.memref_slice %arg3[%add3A, %dma_wait3A, %dma_wait3A_105] : memref<32x80x128xi32, #tpu.memory_space<hbm>> -> memref<1x16x128xi32, #tpu.memory_space<hbm>>
      %dma_wait3A_107 = tpu.memref_squeeze %dma_wait3A_106 : memref<1x16x128xi32, #tpu.memory_space<hbm>> -> memref<16x128xi32, #tpu.memory_space<hbm>>
      %dma_wait3A_108 = arith.constant 48 : i32
      %dma_wait3A_109 = arith.constant 0 : i32
      %dma_wait3A_110 = tpu.memref_slice %arg3[%add3A, %dma_wait3A_108, %dma_wait3A_109] : memref<32x80x128xi32, #tpu.memory_space<hbm>> -> memref<1x16x128xi32, #tpu.memory_space<hbm>>
      %dma_wait3A_111 = tpu.memref_squeeze %dma_wait3A_110 : memref<1x16x128xi32, #tpu.memory_space<hbm>> -> memref<16x128xi32, #tpu.memory_space<hbm>>
      tpu.wait_dma2 semaphore(%run_scoped3A : memref<!tpu.dma_semaphore, #tpu.memory_space<semaphore_mem>>) src(%dma_wait3A_111 : memref<16x128xi32, #tpu.memory_space<hbm>>) dst(%arg5 : memref<16x128xi32, #tpu.memory_space<vmem>>)
      tpu.yield
    }) : () -> ()
    %add3A_51 = arith.constant 6144 : i32
    %add3A_52 = arith.addi %mul3A_18, %add3A_51 : i32
    %dma_start3A_53 = arith.constant 0 : i32
    %dma_start3A_54 = tpu.memref_slice %arg2[%add3A_52, %dma_start3A_53] : memref<327680x128xf32, #tpu.memory_space<hbm>> -> memref<128x128xf32, #tpu.memory_space<hbm>>
    %dma_start3A_55 = arith.constant 0 : i32
    %dma_start3A_56 = tpu.memref_slice %arg2[%add3A_52, %dma_start3A_55] : memref<327680x128xf32, #tpu.memory_space<hbm>> -> memref<128x128xf32, #tpu.memory_space<hbm>>
    tpu.enqueue_dma source(%dma_start3A_56 : memref<128x128xf32, #tpu.memory_space<hbm>>) target(%arg6 : memref<128x128xf32, #tpu.memory_space<vmem>>) target_semaphore(%arg9 : memref<!tpu.dma_semaphore, #tpu.memory_space<semaphore_mem>>)
    %scan3A_57 = arith.constant 0 : i32
    %scan3A_58 = arith.constant 8 : i32
    %scan3A_59 = arith.addi %scan3A_57, %scan3A_58 : i32
    %scan3A_60 = arith.constant 1 : i32
    scf.for %scan3A_97 = %scan3A_57 to %scan3A_59 step %scan3A_60  : i32 {
      %mul3A_98 = arith.constant 2 : i32
      %mul3A_99 = arith.muli %scan3A_97, %mul3A_98 : i32
      %add3A_100 = arith.constant 0 : i32
      %add3A_101 = arith.addi %add3A_100, %mul3A_99 : i32
      %add3A_102 = arith.constant 48 : i32
      %add3A_103 = arith.addi %add3A_102, %add3A_101 : i32
      %mul3A_104 = arith.constant 128 : i32
      %mul3A_105 = arith.muli %add3A_103, %mul3A_104 : i32
      %add3A_106 = arith.addi %mul3A_18, %mul3A_105 : i32
      %dma_wait3A = arith.constant 0 : i32
      %dma_wait3A_107 = tpu.memref_slice %arg2[%add3A_106, %dma_wait3A] : memref<327680x128xf32, #tpu.memory_space<hbm>> -> memref<128x128xf32, #tpu.memory_space<hbm>>
      %dma_wait3A_108 = arith.constant 0 : i32
      %dma_wait3A_109 = tpu.memref_slice %arg2[%add3A_106, %dma_wait3A_108] : memref<327680x128xf32, #tpu.memory_space<hbm>> -> memref<128x128xf32, #tpu.memory_space<hbm>>
      tpu.wait_dma2 semaphore(%arg9 : memref<!tpu.dma_semaphore, #tpu.memory_space<semaphore_mem>>) src(%dma_wait3A_109 : memref<128x128xf32, #tpu.memory_space<hbm>>) dst(%arg6 : memref<128x128xf32, #tpu.memory_space<vmem>>)
      %add3A_110 = arith.constant 1 : i32
      %add3A_111 = arith.addi %add3A_103, %add3A_110 : i32
      %mul3A_112 = arith.constant 128 : i32
      %mul3A_113 = arith.muli %add3A_111, %mul3A_112 : i32
      %add3A_114 = arith.addi %mul3A_18, %mul3A_113 : i32
      %dma_start3A_115 = arith.constant 0 : i32
      %dma_start3A_116 = tpu.memref_slice %arg2[%add3A_114, %dma_start3A_115] : memref<327680x128xf32, #tpu.memory_space<hbm>> -> memref<128x128xf32, #tpu.memory_space<hbm>>
      %dma_start3A_117 = arith.constant 0 : i32
      %dma_start3A_118 = tpu.memref_slice %arg2[%add3A_114, %dma_start3A_117] : memref<327680x128xf32, #tpu.memory_space<hbm>> -> memref<128x128xf32, #tpu.memory_space<hbm>>
      tpu.enqueue_dma source(%dma_start3A_118 : memref<128x128xf32, #tpu.memory_space<hbm>>) target(%arg7 : memref<128x128xf32, #tpu.memory_space<vmem>>) target_semaphore(%arg10 : memref<!tpu.dma_semaphore, #tpu.memory_space<semaphore_mem>>)
      "tpu.region"() ({
        %run_scoped3A = tpu.sem_alloc : memref<!tpu.dma_semaphore, #tpu.memory_space<semaphore_mem>>
        %dma_start3A_134 = arith.constant 0 : i32
        %dma_start3A_135 = tpu.memref_slice %arg5[%add3A_101, %dma_start3A_134] : memref<16x128xi32, #tpu.memory_space<vmem>> -> memref<1x128xi32, #tpu.memory_space<vmem>>
        %dma_start3A_136 = tpu.memref_squeeze %dma_start3A_135 : memref<1x128xi32, #tpu.memory_space<vmem>> -> memref<128xi32, #tpu.memory_space<vmem>>
        %dma_start3A_137 = arith.constant 0 : i32
        %dma_start3A_138 = arith.constant 0 : i32
        %dma_start3A_139 = tpu.memref_slice %arg8[%dma_start3A_137, %dma_start3A_138] : memref<10112x128xf32, #tpu.memory_space<vmem_shared>> -> memref<10112x128xf32, #tpu.memory_space<vmem_shared>>
        tpu.enqueue_indirect_dma source(%arg6 : memref<128x128xf32, #tpu.memory_space<vmem>>) target(%dma_start3A_139 : memref<10112x128xf32, #tpu.memory_space<vmem_shared>>) offsets(%dma_start3A_136 : memref<128xi32, #tpu.memory_space<vmem>>) semaphore(%run_scoped3A : memref<!tpu.dma_semaphore, #tpu.memory_space<semaphore_mem>>) {add = true}
        %dma_wait3A_140 = arith.constant 0 : i32
        %dma_wait3A_141 = tpu.memref_slice %arg5[%add3A_101, %dma_wait3A_140] : memref<16x128xi32, #tpu.memory_space<vmem>> -> memref<1x128xi32, #tpu.memory_space<vmem>>
        %dma_wait3A_142 = tpu.memref_squeeze %dma_wait3A_141 : memref<1x128xi32, #tpu.memory_space<vmem>> -> memref<128xi32, #tpu.memory_space<vmem>>
        %dma_wait3A_143 = arith.constant 0 : i32
        %dma_wait3A_144 = arith.constant 0 : i32
        %dma_wait3A_145 = tpu.memref_slice %arg8[%dma_wait3A_143, %dma_wait3A_144] : memref<10112x128xf32, #tpu.memory_space<vmem_shared>> -> memref<10112x128xf32, #tpu.memory_space<vmem_shared>>
        tpu.wait_indirect_dma semaphore(%run_scoped3A : memref<!tpu.dma_semaphore, #tpu.memory_space<semaphore_mem>>) src(%arg6 : memref<128x128xf32, #tpu.memory_space<vmem>>) dst(%dma_wait3A_145 : memref<10112x128xf32, #tpu.memory_space<vmem_shared>>)
        tpu.yield
      }) : () -> ()
      %add3A_119 = arith.constant 1 : i32
      %add3A_120 = arith.addi %add3A_103, %add3A_119 : i32
      %mul3A_121 = arith.constant 128 : i32
      %mul3A_122 = arith.muli %add3A_120, %mul3A_121 : i32
      %add3A_123 = arith.addi %mul3A_18, %mul3A_122 : i32
      %dma_wait3A_124 = arith.constant 0 : i32
      %dma_wait3A_125 = tpu.memref_slice %arg2[%add3A_123, %dma_wait3A_124] : memref<327680x128xf32, #tpu.memory_space<hbm>> -> memref<128x128xf32, #tpu.memory_space<hbm>>
      %dma_wait3A_126 = arith.constant 0 : i32
      %dma_wait3A_127 = tpu.memref_slice %arg2[%add3A_123, %dma_wait3A_126] : memref<327680x128xf32, #tpu.memory_space<hbm>> -> memref<128x128xf32, #tpu.memory_space<hbm>>
      tpu.wait_dma2 semaphore(%arg10 : memref<!tpu.dma_semaphore, #tpu.memory_space<semaphore_mem>>) src(%dma_wait3A_127 : memref<128x128xf32, #tpu.memory_space<hbm>>) dst(%arg7 : memref<128x128xf32, #tpu.memory_space<vmem>>)
      %add3A_128 = arith.constant 2 : i32
      %add3A_129 = arith.addi %add3A_101, %add3A_128 : i32
      %lt3A = arith.constant 16 : i32
      %lt3A_130 = arith.cmpi slt, %add3A_129, %lt3A : i32
      %convert_element_type3A = arith.extui %lt3A_130 : i1 to i32
      %cond3A = arith.constant 0 : i32
      %cond3A_131 = arith.cmpi ne, %convert_element_type3A, %cond3A : i32
      scf.if %cond3A_131 {
        %add3A_134 = arith.constant 2 : i32
        %add3A_135 = arith.addi %add3A_103, %add3A_134 : i32
        %mul3A_136 = arith.constant 128 : i32
        %mul3A_137 = arith.muli %add3A_135, %mul3A_136 : i32
        %add3A_138 = arith.addi %mul3A_18, %mul3A_137 : i32
        %dma_start3A_139 = arith.constant 0 : i32
        %dma_start3A_140 = tpu.memref_slice %arg2[%add3A_138, %dma_start3A_139] : memref<327680x128xf32, #tpu.memory_space<hbm>> -> memref<128x128xf32, #tpu.memory_space<hbm>>
        %dma_start3A_141 = arith.constant 0 : i32
        %dma_start3A_142 = tpu.memref_slice %arg2[%add3A_138, %dma_start3A_141] : memref<327680x128xf32, #tpu.memory_space<hbm>> -> memref<128x128xf32, #tpu.memory_space<hbm>>
        tpu.enqueue_dma source(%dma_start3A_142 : memref<128x128xf32, #tpu.memory_space<hbm>>) target(%arg6 : memref<128x128xf32, #tpu.memory_space<vmem>>) target_semaphore(%arg9 : memref<!tpu.dma_semaphore, #tpu.memory_space<semaphore_mem>>)
      } else {
      }
      %add3A_132 = arith.constant 1 : i32
      %add3A_133 = arith.addi %add3A_101, %add3A_132 : i32
      "tpu.region"() ({
        %run_scoped3A = tpu.sem_alloc : memref<!tpu.dma_semaphore, #tpu.memory_space<semaphore_mem>>
        %dma_start3A_134 = arith.constant 0 : i32
        %dma_start3A_135 = tpu.memref_slice %arg5[%add3A_133, %dma_start3A_134] : memref<16x128xi32, #tpu.memory_space<vmem>> -> memref<1x128xi32, #tpu.memory_space<vmem>>
        %dma_start3A_136 = tpu.memref_squeeze %dma_start3A_135 : memref<1x128xi32, #tpu.memory_space<vmem>> -> memref<128xi32, #tpu.memory_space<vmem>>
        %dma_start3A_137 = arith.constant 0 : i32
        %dma_start3A_138 = arith.constant 0 : i32
        %dma_start3A_139 = tpu.memref_slice %arg8[%dma_start3A_137, %dma_start3A_138] : memref<10112x128xf32, #tpu.memory_space<vmem_shared>> -> memref<10112x128xf32, #tpu.memory_space<vmem_shared>>
        tpu.enqueue_indirect_dma source(%arg7 : memref<128x128xf32, #tpu.memory_space<vmem>>) target(%dma_start3A_139 : memref<10112x128xf32, #tpu.memory_space<vmem_shared>>) offsets(%dma_start3A_136 : memref<128xi32, #tpu.memory_space<vmem>>) semaphore(%run_scoped3A : memref<!tpu.dma_semaphore, #tpu.memory_space<semaphore_mem>>) {add = true}
        %dma_wait3A_140 = arith.constant 0 : i32
        %dma_wait3A_141 = tpu.memref_slice %arg5[%add3A_133, %dma_wait3A_140] : memref<16x128xi32, #tpu.memory_space<vmem>> -> memref<1x128xi32, #tpu.memory_space<vmem>>
        %dma_wait3A_142 = tpu.memref_squeeze %dma_wait3A_141 : memref<1x128xi32, #tpu.memory_space<vmem>> -> memref<128xi32, #tpu.memory_space<vmem>>
        %dma_wait3A_143 = arith.constant 0 : i32
        %dma_wait3A_144 = arith.constant 0 : i32
        %dma_wait3A_145 = tpu.memref_slice %arg8[%dma_wait3A_143, %dma_wait3A_144] : memref<10112x128xf32, #tpu.memory_space<vmem_shared>> -> memref<10112x128xf32, #tpu.memory_space<vmem_shared>>
        tpu.wait_indirect_dma semaphore(%run_scoped3A : memref<!tpu.dma_semaphore, #tpu.memory_space<semaphore_mem>>) src(%arg7 : memref<128x128xf32, #tpu.memory_space<vmem>>) dst(%dma_wait3A_145 : memref<10112x128xf32, #tpu.memory_space<vmem_shared>>)
        tpu.yield
      }) : () -> ()
    }
    %scan3A_61 = arith.constant 8 : i32
    "tpu.region"() ({
      %run_scoped3A = tpu.sem_alloc : memref<!tpu.dma_semaphore, #tpu.memory_space<semaphore_mem>>
      %dma_start3A_97 = arith.constant 64 : i32
      %dma_start3A_98 = arith.constant 0 : i32
      %dma_start3A_99 = tpu.memref_slice %arg3[%add3A, %dma_start3A_97, %dma_start3A_98] : memref<32x80x128xi32, #tpu.memory_space<hbm>> -> memref<1x16x128xi32, #tpu.memory_space<hbm>>
      %dma_start3A_100 = tpu.memref_squeeze %dma_start3A_99 : memref<1x16x128xi32, #tpu.memory_space<hbm>> -> memref<16x128xi32, #tpu.memory_space<hbm>>
      %dma_start3A_101 = arith.constant 64 : i32
      %dma_start3A_102 = arith.constant 0 : i32
      %dma_start3A_103 = tpu.memref_slice %arg3[%add3A, %dma_start3A_101, %dma_start3A_102] : memref<32x80x128xi32, #tpu.memory_space<hbm>> -> memref<1x16x128xi32, #tpu.memory_space<hbm>>
      %dma_start3A_104 = tpu.memref_squeeze %dma_start3A_103 : memref<1x16x128xi32, #tpu.memory_space<hbm>> -> memref<16x128xi32, #tpu.memory_space<hbm>>
      tpu.enqueue_dma source(%dma_start3A_104 : memref<16x128xi32, #tpu.memory_space<hbm>>) target(%arg5 : memref<16x128xi32, #tpu.memory_space<vmem>>) target_semaphore(%run_scoped3A : memref<!tpu.dma_semaphore, #tpu.memory_space<semaphore_mem>>)
      %dma_wait3A = arith.constant 64 : i32
      %dma_wait3A_105 = arith.constant 0 : i32
      %dma_wait3A_106 = tpu.memref_slice %arg3[%add3A, %dma_wait3A, %dma_wait3A_105] : memref<32x80x128xi32, #tpu.memory_space<hbm>> -> memref<1x16x128xi32, #tpu.memory_space<hbm>>
      %dma_wait3A_107 = tpu.memref_squeeze %dma_wait3A_106 : memref<1x16x128xi32, #tpu.memory_space<hbm>> -> memref<16x128xi32, #tpu.memory_space<hbm>>
      %dma_wait3A_108 = arith.constant 64 : i32
      %dma_wait3A_109 = arith.constant 0 : i32
      %dma_wait3A_110 = tpu.memref_slice %arg3[%add3A, %dma_wait3A_108, %dma_wait3A_109] : memref<32x80x128xi32, #tpu.memory_space<hbm>> -> memref<1x16x128xi32, #tpu.memory_space<hbm>>
      %dma_wait3A_111 = tpu.memref_squeeze %dma_wait3A_110 : memref<1x16x128xi32, #tpu.memory_space<hbm>> -> memref<16x128xi32, #tpu.memory_space<hbm>>
      tpu.wait_dma2 semaphore(%run_scoped3A : memref<!tpu.dma_semaphore, #tpu.memory_space<semaphore_mem>>) src(%dma_wait3A_111 : memref<16x128xi32, #tpu.memory_space<hbm>>) dst(%arg5 : memref<16x128xi32, #tpu.memory_space<vmem>>)
      tpu.yield
    }) : () -> ()
    %add3A_62 = arith.constant 8192 : i32
    %add3A_63 = arith.addi %mul3A_18, %add3A_62 : i32
    %dma_start3A_64 = arith.constant 0 : i32
    %dma_start3A_65 = tpu.memref_slice %arg2[%add3A_63, %dma_start3A_64] : memref<327680x128xf32, #tpu.memory_space<hbm>> -> memref<128x128xf32, #tpu.memory_space<hbm>>
    %dma_start3A_66 = arith.constant 0 : i32
    %dma_start3A_67 = tpu.memref_slice %arg2[%add3A_63, %dma_start3A_66] : memref<327680x128xf32, #tpu.memory_space<hbm>> -> memref<128x128xf32, #tpu.memory_space<hbm>>
    tpu.enqueue_dma source(%dma_start3A_67 : memref<128x128xf32, #tpu.memory_space<hbm>>) target(%arg6 : memref<128x128xf32, #tpu.memory_space<vmem>>) target_semaphore(%arg9 : memref<!tpu.dma_semaphore, #tpu.memory_space<semaphore_mem>>)
    %scan3A_68 = arith.constant 0 : i32
    %scan3A_69 = arith.constant 8 : i32
    %scan3A_70 = arith.addi %scan3A_68, %scan3A_69 : i32
    %scan3A_71 = arith.constant 1 : i32
    scf.for %scan3A_97 = %scan3A_68 to %scan3A_70 step %scan3A_71  : i32 {
      %mul3A_98 = arith.constant 2 : i32
      %mul3A_99 = arith.muli %scan3A_97, %mul3A_98 : i32
      %add3A_100 = arith.constant 0 : i32
      %add3A_101 = arith.addi %add3A_100, %mul3A_99 : i32
      %add3A_102 = arith.constant 64 : i32
      %add3A_103 = arith.addi %add3A_102, %add3A_101 : i32
      %mul3A_104 = arith.constant 128 : i32
      %mul3A_105 = arith.muli %add3A_103, %mul3A_104 : i32
      %add3A_106 = arith.addi %mul3A_18, %mul3A_105 : i32
      %dma_wait3A = arith.constant 0 : i32
      %dma_wait3A_107 = tpu.memref_slice %arg2[%add3A_106, %dma_wait3A] : memref<327680x128xf32, #tpu.memory_space<hbm>> -> memref<128x128xf32, #tpu.memory_space<hbm>>
      %dma_wait3A_108 = arith.constant 0 : i32
      %dma_wait3A_109 = tpu.memref_slice %arg2[%add3A_106, %dma_wait3A_108] : memref<327680x128xf32, #tpu.memory_space<hbm>> -> memref<128x128xf32, #tpu.memory_space<hbm>>
      tpu.wait_dma2 semaphore(%arg9 : memref<!tpu.dma_semaphore, #tpu.memory_space<semaphore_mem>>) src(%dma_wait3A_109 : memref<128x128xf32, #tpu.memory_space<hbm>>) dst(%arg6 : memref<128x128xf32, #tpu.memory_space<vmem>>)
      %add3A_110 = arith.constant 1 : i32
      %add3A_111 = arith.addi %add3A_103, %add3A_110 : i32
      %mul3A_112 = arith.constant 128 : i32
      %mul3A_113 = arith.muli %add3A_111, %mul3A_112 : i32
      %add3A_114 = arith.addi %mul3A_18, %mul3A_113 : i32
      %dma_start3A_115 = arith.constant 0 : i32
      %dma_start3A_116 = tpu.memref_slice %arg2[%add3A_114, %dma_start3A_115] : memref<327680x128xf32, #tpu.memory_space<hbm>> -> memref<128x128xf32, #tpu.memory_space<hbm>>
      %dma_start3A_117 = arith.constant 0 : i32
      %dma_start3A_118 = tpu.memref_slice %arg2[%add3A_114, %dma_start3A_117] : memref<327680x128xf32, #tpu.memory_space<hbm>> -> memref<128x128xf32, #tpu.memory_space<hbm>>
      tpu.enqueue_dma source(%dma_start3A_118 : memref<128x128xf32, #tpu.memory_space<hbm>>) target(%arg7 : memref<128x128xf32, #tpu.memory_space<vmem>>) target_semaphore(%arg10 : memref<!tpu.dma_semaphore, #tpu.memory_space<semaphore_mem>>)
      "tpu.region"() ({
        %run_scoped3A = tpu.sem_alloc : memref<!tpu.dma_semaphore, #tpu.memory_space<semaphore_mem>>
        %dma_start3A_134 = arith.constant 0 : i32
        %dma_start3A_135 = tpu.memref_slice %arg5[%add3A_101, %dma_start3A_134] : memref<16x128xi32, #tpu.memory_space<vmem>> -> memref<1x128xi32, #tpu.memory_space<vmem>>
        %dma_start3A_136 = tpu.memref_squeeze %dma_start3A_135 : memref<1x128xi32, #tpu.memory_space<vmem>> -> memref<128xi32, #tpu.memory_space<vmem>>
        %dma_start3A_137 = arith.constant 0 : i32
        %dma_start3A_138 = arith.constant 0 : i32
        %dma_start3A_139 = tpu.memref_slice %arg8[%dma_start3A_137, %dma_start3A_138] : memref<10112x128xf32, #tpu.memory_space<vmem_shared>> -> memref<10112x128xf32, #tpu.memory_space<vmem_shared>>
        tpu.enqueue_indirect_dma source(%arg6 : memref<128x128xf32, #tpu.memory_space<vmem>>) target(%dma_start3A_139 : memref<10112x128xf32, #tpu.memory_space<vmem_shared>>) offsets(%dma_start3A_136 : memref<128xi32, #tpu.memory_space<vmem>>) semaphore(%run_scoped3A : memref<!tpu.dma_semaphore, #tpu.memory_space<semaphore_mem>>) {add = true}
        %dma_wait3A_140 = arith.constant 0 : i32
        %dma_wait3A_141 = tpu.memref_slice %arg5[%add3A_101, %dma_wait3A_140] : memref<16x128xi32, #tpu.memory_space<vmem>> -> memref<1x128xi32, #tpu.memory_space<vmem>>
        %dma_wait3A_142 = tpu.memref_squeeze %dma_wait3A_141 : memref<1x128xi32, #tpu.memory_space<vmem>> -> memref<128xi32, #tpu.memory_space<vmem>>
        %dma_wait3A_143 = arith.constant 0 : i32
        %dma_wait3A_144 = arith.constant 0 : i32
        %dma_wait3A_145 = tpu.memref_slice %arg8[%dma_wait3A_143, %dma_wait3A_144] : memref<10112x128xf32, #tpu.memory_space<vmem_shared>> -> memref<10112x128xf32, #tpu.memory_space<vmem_shared>>
        tpu.wait_indirect_dma semaphore(%run_scoped3A : memref<!tpu.dma_semaphore, #tpu.memory_space<semaphore_mem>>) src(%arg6 : memref<128x128xf32, #tpu.memory_space<vmem>>) dst(%dma_wait3A_145 : memref<10112x128xf32, #tpu.memory_space<vmem_shared>>)
        tpu.yield
      }) : () -> ()
      %add3A_119 = arith.constant 1 : i32
      %add3A_120 = arith.addi %add3A_103, %add3A_119 : i32
      %mul3A_121 = arith.constant 128 : i32
      %mul3A_122 = arith.muli %add3A_120, %mul3A_121 : i32
      %add3A_123 = arith.addi %mul3A_18, %mul3A_122 : i32
      %dma_wait3A_124 = arith.constant 0 : i32
      %dma_wait3A_125 = tpu.memref_slice %arg2[%add3A_123, %dma_wait3A_124] : memref<327680x128xf32, #tpu.memory_space<hbm>> -> memref<128x128xf32, #tpu.memory_space<hbm>>
      %dma_wait3A_126 = arith.constant 0 : i32
      %dma_wait3A_127 = tpu.memref_slice %arg2[%add3A_123, %dma_wait3A_126] : memref<327680x128xf32, #tpu.memory_space<hbm>> -> memref<128x128xf32, #tpu.memory_space<hbm>>
      tpu.wait_dma2 semaphore(%arg10 : memref<!tpu.dma_semaphore, #tpu.memory_space<semaphore_mem>>) src(%dma_wait3A_127 : memref<128x128xf32, #tpu.memory_space<hbm>>) dst(%arg7 : memref<128x128xf32, #tpu.memory_space<vmem>>)
      %add3A_128 = arith.constant 2 : i32
      %add3A_129 = arith.addi %add3A_101, %add3A_128 : i32
      %lt3A = arith.constant 16 : i32
      %lt3A_130 = arith.cmpi slt, %add3A_129, %lt3A : i32
      %convert_element_type3A = arith.extui %lt3A_130 : i1 to i32
      %cond3A = arith.constant 0 : i32
      %cond3A_131 = arith.cmpi ne, %convert_element_type3A, %cond3A : i32
      scf.if %cond3A_131 {
        %add3A_134 = arith.constant 2 : i32
        %add3A_135 = arith.addi %add3A_103, %add3A_134 : i32
        %mul3A_136 = arith.constant 128 : i32
        %mul3A_137 = arith.muli %add3A_135, %mul3A_136 : i32
        %add3A_138 = arith.addi %mul3A_18, %mul3A_137 : i32
        %dma_start3A_139 = arith.constant 0 : i32
        %dma_start3A_140 = tpu.memref_slice %arg2[%add3A_138, %dma_start3A_139] : memref<327680x128xf32, #tpu.memory_space<hbm>> -> memref<128x128xf32, #tpu.memory_space<hbm>>
        %dma_start3A_141 = arith.constant 0 : i32
        %dma_start3A_142 = tpu.memref_slice %arg2[%add3A_138, %dma_start3A_141] : memref<327680x128xf32, #tpu.memory_space<hbm>> -> memref<128x128xf32, #tpu.memory_space<hbm>>
        tpu.enqueue_dma source(%dma_start3A_142 : memref<128x128xf32, #tpu.memory_space<hbm>>) target(%arg6 : memref<128x128xf32, #tpu.memory_space<vmem>>) target_semaphore(%arg9 : memref<!tpu.dma_semaphore, #tpu.memory_space<semaphore_mem>>)
      } else {
      }
      %add3A_132 = arith.constant 1 : i32
      %add3A_133 = arith.addi %add3A_101, %add3A_132 : i32
      "tpu.region"() ({
        %run_scoped3A = tpu.sem_alloc : memref<!tpu.dma_semaphore, #tpu.memory_space<semaphore_mem>>
        %dma_start3A_134 = arith.constant 0 : i32
        %dma_start3A_135 = tpu.memref_slice %arg5[%add3A_133, %dma_start3A_134] : memref<16x128xi32, #tpu.memory_space<vmem>> -> memref<1x128xi32, #tpu.memory_space<vmem>>
        %dma_start3A_136 = tpu.memref_squeeze %dma_start3A_135 : memref<1x128xi32, #tpu.memory_space<vmem>> -> memref<128xi32, #tpu.memory_space<vmem>>
        %dma_start3A_137 = arith.constant 0 : i32
        %dma_start3A_138 = arith.constant 0 : i32
        %dma_start3A_139 = tpu.memref_slice %arg8[%dma_start3A_137, %dma_start3A_138] : memref<10112x128xf32, #tpu.memory_space<vmem_shared>> -> memref<10112x128xf32, #tpu.memory_space<vmem_shared>>
        tpu.enqueue_indirect_dma source(%arg7 : memref<128x128xf32, #tpu.memory_space<vmem>>) target(%dma_start3A_139 : memref<10112x128xf32, #tpu.memory_space<vmem_shared>>) offsets(%dma_start3A_136 : memref<128xi32, #tpu.memory_space<vmem>>) semaphore(%run_scoped3A : memref<!tpu.dma_semaphore, #tpu.memory_space<semaphore_mem>>) {add = true}
        %dma_wait3A_140 = arith.constant 0 : i32
        %dma_wait3A_141 = tpu.memref_slice %arg5[%add3A_133, %dma_wait3A_140] : memref<16x128xi32, #tpu.memory_space<vmem>> -> memref<1x128xi32, #tpu.memory_space<vmem>>
        %dma_wait3A_142 = tpu.memref_squeeze %dma_wait3A_141 : memref<1x128xi32, #tpu.memory_space<vmem>> -> memref<128xi32, #tpu.memory_space<vmem>>
        %dma_wait3A_143 = arith.constant 0 : i32
        %dma_wait3A_144 = arith.constant 0 : i32
        %dma_wait3A_145 = tpu.memref_slice %arg8[%dma_wait3A_143, %dma_wait3A_144] : memref<10112x128xf32, #tpu.memory_space<vmem_shared>> -> memref<10112x128xf32, #tpu.memory_space<vmem_shared>>
        tpu.wait_indirect_dma semaphore(%run_scoped3A : memref<!tpu.dma_semaphore, #tpu.memory_space<semaphore_mem>>) src(%arg7 : memref<128x128xf32, #tpu.memory_space<vmem>>) dst(%dma_wait3A_145 : memref<10112x128xf32, #tpu.memory_space<vmem_shared>>)
        tpu.yield
      }) : () -> ()
    }
    %scan3A_72 = arith.constant 8 : i32
    %barrier3A_73 = arith.constant 0 : index
    tpu.barrier barrier_id(%barrier3A_73)
    %mul3A_74 = arith.constant 10112 : i32
    %mul3A_75 = arith.muli %arg0, %mul3A_74 : i32
    %add3A_76 = arith.addi %mul3A_75, %mul3A_2 : i32
    %add3A_77 = arith.constant 0 : i32
    %add3A_78 = arith.addi %mul3A_2, %add3A_77 : i32
    "tpu.region"() ({
      %run_scoped3A = tpu.sem_alloc : memref<!tpu.dma_semaphore, #tpu.memory_space<semaphore_mem>>
      %dma_start3A_97 = arith.constant 0 : i32
      %dma_start3A_98 = tpu.memref_slice %arg8[%add3A_78, %dma_start3A_97] : memref<10112x128xf32, #tpu.memory_space<vmem_shared>> -> memref<128x128xf32, #tpu.memory_space<vmem_shared>>
      %dma_start3A_99 = arith.constant 0 : i32
      %dma_start3A_100 = tpu.memref_slice %arg8[%add3A_78, %dma_start3A_99] : memref<10112x128xf32, #tpu.memory_space<vmem_shared>> -> memref<128x128xf32, #tpu.memory_space<vmem_shared>>
      tpu.enqueue_dma source(%dma_start3A_100 : memref<128x128xf32, #tpu.memory_space<vmem_shared>>) target(%arg7 : memref<128x128xf32, #tpu.memory_space<vmem>>) target_semaphore(%run_scoped3A : memref<!tpu.dma_semaphore, #tpu.memory_space<semaphore_mem>>)
      %dma_wait3A = arith.constant 0 : i32
      %dma_wait3A_101 = tpu.memref_slice %arg8[%add3A_78, %dma_wait3A] : memref<10112x128xf32, #tpu.memory_space<vmem_shared>> -> memref<128x128xf32, #tpu.memory_space<vmem_shared>>
      %dma_wait3A_102 = arith.constant 0 : i32
      %dma_wait3A_103 = tpu.memref_slice %arg8[%add3A_78, %dma_wait3A_102] : memref<10112x128xf32, #tpu.memory_space<vmem_shared>> -> memref<128x128xf32, #tpu.memory_space<vmem_shared>>
      tpu.wait_dma2 semaphore(%run_scoped3A : memref<!tpu.dma_semaphore, #tpu.memory_space<semaphore_mem>>) src(%dma_wait3A_103 : memref<128x128xf32, #tpu.memory_space<vmem_shared>>) dst(%arg7 : memref<128x128xf32, #tpu.memory_space<vmem>>)
      tpu.yield
    }) : () -> ()
    %add3A_79 = arith.constant 0 : i32
    %add3A_80 = arith.addi %add3A_76, %add3A_79 : i32
    "tpu.region"() ({
      %run_scoped3A = tpu.sem_alloc : memref<!tpu.dma_semaphore, #tpu.memory_space<semaphore_mem>>
      %dma_start3A_97 = arith.constant 0 : i32
      %dma_start3A_98 = tpu.memref_slice %arg4[%add3A_80, %dma_start3A_97] : memref<20224x128xf32, #tpu.memory_space<hbm>> -> memref<128x128xf32, #tpu.memory_space<hbm>>
      %dma_start3A_99 = arith.constant 0 : i32
      %dma_start3A_100 = tpu.memref_slice %arg4[%add3A_80, %dma_start3A_99] : memref<20224x128xf32, #tpu.memory_space<hbm>> -> memref<128x128xf32, #tpu.memory_space<hbm>>
      tpu.enqueue_dma source(%arg7 : memref<128x128xf32, #tpu.memory_space<vmem>>) target(%dma_start3A_100 : memref<128x128xf32, #tpu.memory_space<hbm>>) target_semaphore(%run_scoped3A : memref<!tpu.dma_semaphore, #tpu.memory_space<semaphore_mem>>)
      %dma_wait3A = arith.constant 0 : i32
      %dma_wait3A_101 = tpu.memref_slice %arg4[%add3A_80, %dma_wait3A] : memref<20224x128xf32, #tpu.memory_space<hbm>> -> memref<128x128xf32, #tpu.memory_space<hbm>>
      %dma_wait3A_102 = arith.constant 0 : i32
      %dma_wait3A_103 = tpu.memref_slice %arg4[%add3A_80, %dma_wait3A_102] : memref<20224x128xf32, #tpu.memory_space<hbm>> -> memref<128x128xf32, #tpu.memory_space<hbm>>
      tpu.wait_dma2 semaphore(%run_scoped3A : memref<!tpu.dma_semaphore, #tpu.memory_space<semaphore_mem>>) src(%arg7 : memref<128x128xf32, #tpu.memory_space<vmem>>) dst(%dma_wait3A_103 : memref<128x128xf32, #tpu.memory_space<hbm>>)
      tpu.yield
    }) : () -> ()
    %add3A_81 = arith.constant 128 : i32
    %add3A_82 = arith.addi %mul3A_2, %add3A_81 : i32
    "tpu.region"() ({
      %run_scoped3A = tpu.sem_alloc : memref<!tpu.dma_semaphore, #tpu.memory_space<semaphore_mem>>
      %dma_start3A_97 = arith.constant 0 : i32
      %dma_start3A_98 = tpu.memref_slice %arg8[%add3A_82, %dma_start3A_97] : memref<10112x128xf32, #tpu.memory_space<vmem_shared>> -> memref<128x128xf32, #tpu.memory_space<vmem_shared>>
      %dma_start3A_99 = arith.constant 0 : i32
      %dma_start3A_100 = tpu.memref_slice %arg8[%add3A_82, %dma_start3A_99] : memref<10112x128xf32, #tpu.memory_space<vmem_shared>> -> memref<128x128xf32, #tpu.memory_space<vmem_shared>>
      tpu.enqueue_dma source(%dma_start3A_100 : memref<128x128xf32, #tpu.memory_space<vmem_shared>>) target(%arg7 : memref<128x128xf32, #tpu.memory_space<vmem>>) target_semaphore(%run_scoped3A : memref<!tpu.dma_semaphore, #tpu.memory_space<semaphore_mem>>)
      %dma_wait3A = arith.constant 0 : i32
      %dma_wait3A_101 = tpu.memref_slice %arg8[%add3A_82, %dma_wait3A] : memref<10112x128xf32, #tpu.memory_space<vmem_shared>> -> memref<128x128xf32, #tpu.memory_space<vmem_shared>>
      %dma_wait3A_102 = arith.constant 0 : i32
      %dma_wait3A_103 = tpu.memref_slice %arg8[%add3A_82, %dma_wait3A_102] : memref<10112x128xf32, #tpu.memory_space<vmem_shared>> -> memref<128x128xf32, #tpu.memory_space<vmem_shared>>
      tpu.wait_dma2 semaphore(%run_scoped3A : memref<!tpu.dma_semaphore, #tpu.memory_space<semaphore_mem>>) src(%dma_wait3A_103 : memref<128x128xf32, #tpu.memory_space<vmem_shared>>) dst(%arg7 : memref<128x128xf32, #tpu.memory_space<vmem>>)
      tpu.yield
    }) : () -> ()
    %add3A_83 = arith.constant 128 : i32
    %add3A_84 = arith.addi %add3A_76, %add3A_83 : i32
    "tpu.region"() ({
      %run_scoped3A = tpu.sem_alloc : memref<!tpu.dma_semaphore, #tpu.memory_space<semaphore_mem>>
      %dma_start3A_97 = arith.constant 0 : i32
      %dma_start3A_98 = tpu.memref_slice %arg4[%add3A_84, %dma_start3A_97] : memref<20224x128xf32, #tpu.memory_space<hbm>> -> memref<128x128xf32, #tpu.memory_space<hbm>>
      %dma_start3A_99 = arith.constant 0 : i32
      %dma_start3A_100 = tpu.memref_slice %arg4[%add3A_84, %dma_start3A_99] : memref<20224x128xf32, #tpu.memory_space<hbm>> -> memref<128x128xf32, #tpu.memory_space<hbm>>
      tpu.enqueue_dma source(%arg7 : memref<128x128xf32, #tpu.memory_space<vmem>>) target(%dma_start3A_100 : memref<128x128xf32, #tpu.memory_space<hbm>>) target_semaphore(%run_scoped3A : memref<!tpu.dma_semaphore, #tpu.memory_space<semaphore_mem>>)
      %dma_wait3A = arith.constant 0 : i32
      %dma_wait3A_101 = tpu.memref_slice %arg4[%add3A_84, %dma_wait3A] : memref<20224x128xf32, #tpu.memory_space<hbm>> -> memref<128x128xf32, #tpu.memory_space<hbm>>
      %dma_wait3A_102 = arith.constant 0 : i32
      %dma_wait3A_103 = tpu.memref_slice %arg4[%add3A_84, %dma_wait3A_102] : memref<20224x128xf32, #tpu.memory_space<hbm>> -> memref<128x128xf32, #tpu.memory_space<hbm>>
      tpu.wait_dma2 semaphore(%run_scoped3A : memref<!tpu.dma_semaphore, #tpu.memory_space<semaphore_mem>>) src(%arg7 : memref<128x128xf32, #tpu.memory_space<vmem>>) dst(%dma_wait3A_103 : memref<128x128xf32, #tpu.memory_space<hbm>>)
      tpu.yield
    }) : () -> ()
    %add3A_85 = arith.constant 256 : i32
    %add3A_86 = arith.addi %mul3A_2, %add3A_85 : i32
    "tpu.region"() ({
      %run_scoped3A = tpu.sem_alloc : memref<!tpu.dma_semaphore, #tpu.memory_space<semaphore_mem>>
      %dma_start3A_97 = arith.constant 0 : i32
      %dma_start3A_98 = tpu.memref_slice %arg8[%add3A_86, %dma_start3A_97] : memref<10112x128xf32, #tpu.memory_space<vmem_shared>> -> memref<128x128xf32, #tpu.memory_space<vmem_shared>>
      %dma_start3A_99 = arith.constant 0 : i32
      %dma_start3A_100 = tpu.memref_slice %arg8[%add3A_86, %dma_start3A_99] : memref<10112x128xf32, #tpu.memory_space<vmem_shared>> -> memref<128x128xf32, #tpu.memory_space<vmem_shared>>
      tpu.enqueue_dma source(%dma_start3A_100 : memref<128x128xf32, #tpu.memory_space<vmem_shared>>) target(%arg7 : memref<128x128xf32, #tpu.memory_space<vmem>>) target_semaphore(%run_scoped3A : memref<!tpu.dma_semaphore, #tpu.memory_space<semaphore_mem>>)
      %dma_wait3A = arith.constant 0 : i32
      %dma_wait3A_101 = tpu.memref_slice %arg8[%add3A_86, %dma_wait3A] : memref<10112x128xf32, #tpu.memory_space<vmem_shared>> -> memref<128x128xf32, #tpu.memory_space<vmem_shared>>
      %dma_wait3A_102 = arith.constant 0 : i32
      %dma_wait3A_103 = tpu.memref_slice %arg8[%add3A_86, %dma_wait3A_102] : memref<10112x128xf32, #tpu.memory_space<vmem_shared>> -> memref<128x128xf32, #tpu.memory_space<vmem_shared>>
      tpu.wait_dma2 semaphore(%run_scoped3A : memref<!tpu.dma_semaphore, #tpu.memory_space<semaphore_mem>>) src(%dma_wait3A_103 : memref<128x128xf32, #tpu.memory_space<vmem_shared>>) dst(%arg7 : memref<128x128xf32, #tpu.memory_space<vmem>>)
      tpu.yield
    }) : () -> ()
    %add3A_87 = arith.constant 256 : i32
    %add3A_88 = arith.addi %add3A_76, %add3A_87 : i32
    "tpu.region"() ({
      %run_scoped3A = tpu.sem_alloc : memref<!tpu.dma_semaphore, #tpu.memory_space<semaphore_mem>>
      %dma_start3A_97 = arith.constant 0 : i32
      %dma_start3A_98 = tpu.memref_slice %arg4[%add3A_88, %dma_start3A_97] : memref<20224x128xf32, #tpu.memory_space<hbm>> -> memref<128x128xf32, #tpu.memory_space<hbm>>
      %dma_start3A_99 = arith.constant 0 : i32
      %dma_start3A_100 = tpu.memref_slice %arg4[%add3A_88, %dma_start3A_99] : memref<20224x128xf32, #tpu.memory_space<hbm>> -> memref<128x128xf32, #tpu.memory_space<hbm>>
      tpu.enqueue_dma source(%arg7 : memref<128x128xf32, #tpu.memory_space<vmem>>) target(%dma_start3A_100 : memref<128x128xf32, #tpu.memory_space<hbm>>) target_semaphore(%run_scoped3A : memref<!tpu.dma_semaphore, #tpu.memory_space<semaphore_mem>>)
      %dma_wait3A = arith.constant 0 : i32
      %dma_wait3A_101 = tpu.memref_slice %arg4[%add3A_88, %dma_wait3A] : memref<20224x128xf32, #tpu.memory_space<hbm>> -> memref<128x128xf32, #tpu.memory_space<hbm>>
      %dma_wait3A_102 = arith.constant 0 : i32
      %dma_wait3A_103 = tpu.memref_slice %arg4[%add3A_88, %dma_wait3A_102] : memref<20224x128xf32, #tpu.memory_space<hbm>> -> memref<128x128xf32, #tpu.memory_space<hbm>>
      tpu.wait_dma2 semaphore(%run_scoped3A : memref<!tpu.dma_semaphore, #tpu.memory_space<semaphore_mem>>) src(%arg7 : memref<128x128xf32, #tpu.memory_space<vmem>>) dst(%dma_wait3A_103 : memref<128x128xf32, #tpu.memory_space<hbm>>)
      tpu.yield
    }) : () -> ()
    %add3A_89 = arith.constant 384 : i32
    %add3A_90 = arith.addi %mul3A_2, %add3A_89 : i32
    "tpu.region"() ({
      %run_scoped3A = tpu.sem_alloc : memref<!tpu.dma_semaphore, #tpu.memory_space<semaphore_mem>>
      %dma_start3A_97 = arith.constant 0 : i32
      %dma_start3A_98 = tpu.memref_slice %arg8[%add3A_90, %dma_start3A_97] : memref<10112x128xf32, #tpu.memory_space<vmem_shared>> -> memref<128x128xf32, #tpu.memory_space<vmem_shared>>
      %dma_start3A_99 = arith.constant 0 : i32
      %dma_start3A_100 = tpu.memref_slice %arg8[%add3A_90, %dma_start3A_99] : memref<10112x128xf32, #tpu.memory_space<vmem_shared>> -> memref<128x128xf32, #tpu.memory_space<vmem_shared>>
      tpu.enqueue_dma source(%dma_start3A_100 : memref<128x128xf32, #tpu.memory_space<vmem_shared>>) target(%arg7 : memref<128x128xf32, #tpu.memory_space<vmem>>) target_semaphore(%run_scoped3A : memref<!tpu.dma_semaphore, #tpu.memory_space<semaphore_mem>>)
      %dma_wait3A = arith.constant 0 : i32
      %dma_wait3A_101 = tpu.memref_slice %arg8[%add3A_90, %dma_wait3A] : memref<10112x128xf32, #tpu.memory_space<vmem_shared>> -> memref<128x128xf32, #tpu.memory_space<vmem_shared>>
      %dma_wait3A_102 = arith.constant 0 : i32
      %dma_wait3A_103 = tpu.memref_slice %arg8[%add3A_90, %dma_wait3A_102] : memref<10112x128xf32, #tpu.memory_space<vmem_shared>> -> memref<128x128xf32, #tpu.memory_space<vmem_shared>>
      tpu.wait_dma2 semaphore(%run_scoped3A : memref<!tpu.dma_semaphore, #tpu.memory_space<semaphore_mem>>) src(%dma_wait3A_103 : memref<128x128xf32, #tpu.memory_space<vmem_shared>>) dst(%arg7 : memref<128x128xf32, #tpu.memory_space<vmem>>)
      tpu.yield
    }) : () -> ()
    %add3A_91 = arith.constant 384 : i32
    %add3A_92 = arith.addi %add3A_76, %add3A_91 : i32
    "tpu.region"() ({
      %run_scoped3A = tpu.sem_alloc : memref<!tpu.dma_semaphore, #tpu.memory_space<semaphore_mem>>
      %dma_start3A_97 = arith.constant 0 : i32
      %dma_start3A_98 = tpu.memref_slice %arg4[%add3A_92, %dma_start3A_97] : memref<20224x128xf32, #tpu.memory_space<hbm>> -> memref<128x128xf32, #tpu.memory_space<hbm>>
      %dma_start3A_99 = arith.constant 0 : i32
      %dma_start3A_100 = tpu.memref_slice %arg4[%add3A_92, %dma_start3A_99] : memref<20224x128xf32, #tpu.memory_space<hbm>> -> memref<128x128xf32, #tpu.memory_space<hbm>>
      tpu.enqueue_dma source(%arg7 : memref<128x128xf32, #tpu.memory_space<vmem>>) target(%dma_start3A_100 : memref<128x128xf32, #tpu.memory_space<hbm>>) target_semaphore(%run_scoped3A : memref<!tpu.dma_semaphore, #tpu.memory_space<semaphore_mem>>)
      %dma_wait3A = arith.constant 0 : i32
      %dma_wait3A_101 = tpu.memref_slice %arg4[%add3A_92, %dma_wait3A] : memref<20224x128xf32, #tpu.memory_space<hbm>> -> memref<128x128xf32, #tpu.memory_space<hbm>>
      %dma_wait3A_102 = arith.constant 0 : i32
      %dma_wait3A_103 = tpu.memref_slice %arg4[%add3A_92, %dma_wait3A_102] : memref<20224x128xf32, #tpu.memory_space<hbm>> -> memref<128x128xf32, #tpu.memory_space<hbm>>
      tpu.wait_dma2 semaphore(%run_scoped3A : memref<!tpu.dma_semaphore, #tpu.memory_space<semaphore_mem>>) src(%arg7 : memref<128x128xf32, #tpu.memory_space<vmem>>) dst(%dma_wait3A_103 : memref<128x128xf32, #tpu.memory_space<hbm>>)
      tpu.yield
    }) : () -> ()
    %add3A_93 = arith.constant 512 : i32
    %add3A_94 = arith.addi %mul3A_2, %add3A_93 : i32
    "tpu.region"() ({
      %run_scoped3A = tpu.sem_alloc : memref<!tpu.dma_semaphore, #tpu.memory_space<semaphore_mem>>
      %dma_start3A_97 = arith.constant 0 : i32
      %dma_start3A_98 = arith.constant 0 : i32
      %dma_start3A_99 = tpu.memref_slice %arg7[%dma_start3A_97, %dma_start3A_98] : memref<128x128xf32, #tpu.memory_space<vmem>> -> memref<120x128xf32, #tpu.memory_space<vmem>>
      %dma_start3A_100 = arith.constant 0 : i32
      %dma_start3A_101 = tpu.memref_slice %arg8[%add3A_94, %dma_start3A_100] : memref<10112x128xf32, #tpu.memory_space<vmem_shared>> -> memref<120x128xf32, #tpu.memory_space<vmem_shared>>
      %dma_start3A_102 = arith.constant 0 : i32
      %dma_start3A_103 = arith.constant 0 : i32
      %dma_start3A_104 = tpu.memref_slice %arg7[%dma_start3A_102, %dma_start3A_103] : memref<128x128xf32, #tpu.memory_space<vmem>> -> memref<120x128xf32, #tpu.memory_space<vmem>>
      %dma_start3A_105 = arith.constant 0 : i32
      %dma_start3A_106 = tpu.memref_slice %arg8[%add3A_94, %dma_start3A_105] : memref<10112x128xf32, #tpu.memory_space<vmem_shared>> -> memref<120x128xf32, #tpu.memory_space<vmem_shared>>
      tpu.enqueue_dma source(%dma_start3A_106 : memref<120x128xf32, #tpu.memory_space<vmem_shared>>) target(%dma_start3A_104 : memref<120x128xf32, #tpu.memory_space<vmem>>) target_semaphore(%run_scoped3A : memref<!tpu.dma_semaphore, #tpu.memory_space<semaphore_mem>>)
      %dma_wait3A = arith.constant 0 : i32
      %dma_wait3A_107 = arith.constant 0 : i32
      %dma_wait3A_108 = tpu.memref_slice %arg7[%dma_wait3A, %dma_wait3A_107] : memref<128x128xf32, #tpu.memory_space<vmem>> -> memref<120x128xf32, #tpu.memory_space<vmem>>
      %dma_wait3A_109 = arith.constant 0 : i32
      %dma_wait3A_110 = tpu.memref_slice %arg8[%add3A_94, %dma_wait3A_109] : memref<10112x128xf32, #tpu.memory_space<vmem_shared>> -> memref<120x128xf32, #tpu.memory_space<vmem_shared>>
      %dma_wait3A_111 = arith.constant 0 : i32
      %dma_wait3A_112 = arith.constant 0 : i32
      %dma_wait3A_113 = tpu.memref_slice %arg7[%dma_wait3A_111, %dma_wait3A_112] : memref<128x128xf32, #tpu.memory_space<vmem>> -> memref<120x128xf32, #tpu.memory_space<vmem>>
      %dma_wait3A_114 = arith.constant 0 : i32
      %dma_wait3A_115 = tpu.memref_slice %arg8[%add3A_94, %dma_wait3A_114] : memref<10112x128xf32, #tpu.memory_space<vmem_shared>> -> memref<120x128xf32, #tpu.memory_space<vmem_shared>>
      tpu.wait_dma2 semaphore(%run_scoped3A : memref<!tpu.dma_semaphore, #tpu.memory_space<semaphore_mem>>) src(%dma_wait3A_115 : memref<120x128xf32, #tpu.memory_space<vmem_shared>>) dst(%dma_wait3A_113 : memref<120x128xf32, #tpu.memory_space<vmem>>)
      tpu.yield
    }) : () -> ()
    %add3A_95 = arith.constant 512 : i32
    %add3A_96 = arith.addi %add3A_76, %add3A_95 : i32
    "tpu.region"() ({
      %run_scoped3A = tpu.sem_alloc : memref<!tpu.dma_semaphore, #tpu.memory_space<semaphore_mem>>
      %dma_start3A_97 = arith.constant 0 : i32
      %dma_start3A_98 = arith.constant 0 : i32
      %dma_start3A_99 = tpu.memref_slice %arg7[%dma_start3A_97, %dma_start3A_98] : memref<128x128xf32, #tpu.memory_space<vmem>> -> memref<120x128xf32, #tpu.memory_space<vmem>>
      %dma_start3A_100 = arith.constant 0 : i32
      %dma_start3A_101 = tpu.memref_slice %arg4[%add3A_96, %dma_start3A_100] : memref<20224x128xf32, #tpu.memory_space<hbm>> -> memref<120x128xf32, #tpu.memory_space<hbm>>
      %dma_start3A_102 = arith.constant 0 : i32
      %dma_start3A_103 = tpu.memref_slice %arg4[%add3A_96, %dma_start3A_102] : memref<20224x128xf32, #tpu.memory_space<hbm>> -> memref<120x128xf32, #tpu.memory_space<hbm>>
      %dma_start3A_104 = arith.constant 0 : i32
      %dma_start3A_105 = arith.constant 0 : i32
      %dma_start3A_106 = tpu.memref_slice %arg7[%dma_start3A_104, %dma_start3A_105] : memref<128x128xf32, #tpu.memory_space<vmem>> -> memref<120x128xf32, #tpu.memory_space<vmem>>
      tpu.enqueue_dma source(%dma_start3A_106 : memref<120x128xf32, #tpu.memory_space<vmem>>) target(%dma_start3A_103 : memref<120x128xf32, #tpu.memory_space<hbm>>) target_semaphore(%run_scoped3A : memref<!tpu.dma_semaphore, #tpu.memory_space<semaphore_mem>>)
      %dma_wait3A = arith.constant 0 : i32
      %dma_wait3A_107 = arith.constant 0 : i32
      %dma_wait3A_108 = tpu.memref_slice %arg7[%dma_wait3A, %dma_wait3A_107] : memref<128x128xf32, #tpu.memory_space<vmem>> -> memref<120x128xf32, #tpu.memory_space<vmem>>
      %dma_wait3A_109 = arith.constant 0 : i32
      %dma_wait3A_110 = tpu.memref_slice %arg4[%add3A_96, %dma_wait3A_109] : memref<20224x128xf32, #tpu.memory_space<hbm>> -> memref<120x128xf32, #tpu.memory_space<hbm>>
      %dma_wait3A_111 = arith.constant 0 : i32
      %dma_wait3A_112 = tpu.memref_slice %arg4[%add3A_96, %dma_wait3A_111] : memref<20224x128xf32, #tpu.memory_space<hbm>> -> memref<120x128xf32, #tpu.memory_space<hbm>>
      %dma_wait3A_113 = arith.constant 0 : i32
      %dma_wait3A_114 = arith.constant 0 : i32
      %dma_wait3A_115 = tpu.memref_slice %arg7[%dma_wait3A_113, %dma_wait3A_114] : memref<128x128xf32, #tpu.memory_space<vmem>> -> memref<120x128xf32, #tpu.memory_space<vmem>>
      tpu.wait_dma2 semaphore(%run_scoped3A : memref<!tpu.dma_semaphore, #tpu.memory_space<semaphore_mem>>) src(%dma_wait3A_115 : memref<120x128xf32, #tpu.memory_space<vmem>>) dst(%dma_wait3A_112 : memref<120x128xf32, #tpu.memory_space<hbm>>)
      tpu.yield
    }) : () -> ()
    return
  }
}

module attributes {stable_mosaic.version = 14 : i64} {
  func.func @_feat_body(%arg0: i32, %arg1: memref<8x2048xf32, #tpu.memory_space<vmem>>, %arg2: memref<2048x128xf32, #tpu.memory_space<vmem>>) attributes {dimension_semantics = [#tpu.dimension_semantics<arbitrary>], iteration_bounds = array<i64: 160>, scalar_prefetch = 0 : i64, scratch_operands = 0 : i64, tpu.core_type = #tpu.core_type<tc>, window_params = [{transform_indices = @transform_0, window_bounds = array<i64: 8, 2048>}, {transform_indices = @transform_1, window_bounds = array<i64: 2048, 128>}]} {
    %get3A = arith.constant 0 : index
    %get3A_0 = arith.constant 0 : index
    %get3A_1 = vector.load %arg1[%get3A, %get3A_0] : memref<8x2048xf32, #tpu.memory_space<vmem>>, vector<1x2048xf32>
    %get3A_2 = arith.constant 1 : index
    %get3A_3 = arith.constant 0 : index
    %get3A_4 = vector.load %arg1[%get3A_2, %get3A_3] : memref<8x2048xf32, #tpu.memory_space<vmem>>, vector<1x2048xf32>
    %get3A_5 = arith.constant 2 : index
    %get3A_6 = arith.constant 0 : index
    %get3A_7 = vector.load %arg1[%get3A_5, %get3A_6] : memref<8x2048xf32, #tpu.memory_space<vmem>>, vector<1x2048xf32>
    %mul3A = arith.mulf %get3A_1, %get3A_1 : vector<1x2048xf32>
    %mul3A_8 = arith.mulf %get3A_4, %get3A_4 : vector<1x2048xf32>
    %add3A = arith.addf %mul3A, %mul3A_8 : vector<1x2048xf32>
    %mul3A_9 = arith.mulf %get3A_7, %get3A_7 : vector<1x2048xf32>
    %add3A_10 = arith.addf %add3A, %mul3A_9 : vector<1x2048xf32>
    %mul3A_11 = arith.constant 0.166666672 : f32
    %mul3A_12 = vector.broadcast %mul3A_11 : f32 to vector<1x2048xf32>
    %mul3A_13 = arith.mulf %add3A_10, %mul3A_12 : vector<1x2048xf32>
    %sub3A = arith.constant 1.000000e+00 : f32
    %sub3A_14 = vector.broadcast %sub3A : f32 to vector<1x2048xf32>
    %sub3A_15 = arith.subf %sub3A_14, %mul3A_13 : vector<1x2048xf32>
    %max3A = arith.constant 0.000000e+00 : f32
    %max3A_16 = vector.broadcast %max3A : f32 to vector<1x2048xf32>
    %max3A_17 = arith.maximumf %sub3A_15, %max3A_16 : vector<1x2048xf32>
    %sqrt3A = math.sqrt %mul3A_13 : vector<1x2048xf32>
    %mul3A_18 = arith.constant 8.02777767 : f32
    %mul3A_19 = vector.broadcast %mul3A_18 : f32 to vector<1x2048xf32>
    %mul3A_20 = arith.mulf %add3A_10, %mul3A_19 : vector<1x2048xf32>
    %add3A_21 = arith.constant 9.99999996E-13 : f32
    %add3A_22 = vector.broadcast %add3A_21 : f32 to vector<1x2048xf32>
    %add3A_23 = arith.addf %mul3A_20, %add3A_22 : vector<1x2048xf32>
    %sqrt3A_24 = math.sqrt %add3A_23 : vector<1x2048xf32>
    %tanh3A = math.tanh %sqrt3A_24 : vector<1x2048xf32>
    %div3A = arith.divf %tanh3A, %sqrt3A_24 : vector<1x2048xf32>
    %mul3A_25 = arith.constant 2.83333325 : f32
    %mul3A_26 = vector.broadcast %mul3A_25 : f32 to vector<1x2048xf32>
    %mul3A_27 = arith.mulf %div3A, %mul3A_26 : vector<1x2048xf32>
    %mul3A_28 = arith.mulf %get3A_1, %mul3A_27 : vector<1x2048xf32>
    %mul3A_29 = arith.mulf %get3A_4, %mul3A_27 : vector<1x2048xf32>
    %mul3A_30 = arith.mulf %get3A_7, %mul3A_27 : vector<1x2048xf32>
    %mul3A_31 = arith.constant 3.14159274 : f32
    %mul3A_32 = vector.broadcast %mul3A_31 : f32 to vector<1x2048xf32>
    %mul3A_33 = arith.mulf %mul3A_32, %sqrt3A : vector<1x2048xf32>
    %cos3A = math.cos %mul3A_33 : vector<1x2048xf32>
    %broadcast_in_dim3A = arith.constant 1.000000e+00 : f32
    %broadcast_in_dim3A_34 = vector.broadcast %broadcast_in_dim3A : f32 to vector<1x2048xf32>
    %mul3A_35 = arith.constant 2.000000e+00 : f32
    %mul3A_36 = vector.broadcast %mul3A_35 : f32 to vector<1x2048xf32>
    %mul3A_37 = arith.mulf %mul3A_36, %cos3A : vector<1x2048xf32>
    %mul3A_38 = arith.mulf %mul3A_37, %cos3A : vector<1x2048xf32>
    %sub3A_39 = arith.subf %mul3A_38, %broadcast_in_dim3A_34 : vector<1x2048xf32>
    %mul3A_40 = arith.constant 2.000000e+00 : f32
    %mul3A_41 = vector.broadcast %mul3A_40 : f32 to vector<1x2048xf32>
    %mul3A_42 = arith.mulf %mul3A_41, %cos3A : vector<1x2048xf32>
    %mul3A_43 = arith.mulf %mul3A_42, %sub3A_39 : vector<1x2048xf32>
    %sub3A_44 = arith.subf %mul3A_43, %cos3A : vector<1x2048xf32>
    %mul3A_45 = arith.constant 2.000000e+00 : f32
    %mul3A_46 = vector.broadcast %mul3A_45 : f32 to vector<1x2048xf32>
    %mul3A_47 = arith.mulf %mul3A_46, %cos3A : vector<1x2048xf32>
    %mul3A_48 = arith.mulf %mul3A_47, %sub3A_44 : vector<1x2048xf32>
    %sub3A_49 = arith.subf %mul3A_48, %sub3A_39 : vector<1x2048xf32>
    %mul3A_50 = arith.constant 2.000000e+00 : f32
    %mul3A_51 = vector.broadcast %mul3A_50 : f32 to vector<1x2048xf32>
    %mul3A_52 = arith.mulf %mul3A_51, %cos3A : vector<1x2048xf32>
    %mul3A_53 = arith.mulf %mul3A_52, %sub3A_49 : vector<1x2048xf32>
    %sub3A_54 = arith.subf %mul3A_53, %sub3A_44 : vector<1x2048xf32>
    %mul3A_55 = arith.constant 2.000000e+00 : f32
    %mul3A_56 = vector.broadcast %mul3A_55 : f32 to vector<1x2048xf32>
    %mul3A_57 = arith.mulf %mul3A_56, %cos3A : vector<1x2048xf32>
    %mul3A_58 = arith.mulf %mul3A_57, %sub3A_54 : vector<1x2048xf32>
    %sub3A_59 = arith.subf %mul3A_58, %sub3A_49 : vector<1x2048xf32>
    %mul3A_60 = arith.constant 2.000000e+00 : f32
    %mul3A_61 = vector.broadcast %mul3A_60 : f32 to vector<1x2048xf32>
    %mul3A_62 = arith.mulf %mul3A_61, %cos3A : vector<1x2048xf32>
    %mul3A_63 = arith.mulf %mul3A_62, %sub3A_59 : vector<1x2048xf32>
    %sub3A_64 = arith.subf %mul3A_63, %sub3A_54 : vector<1x2048xf32>
    %mul3A_65 = arith.mulf %broadcast_in_dim3A_34, %max3A_17 : vector<1x2048xf32>
    %mul3A_66 = arith.mulf %cos3A, %max3A_17 : vector<1x2048xf32>
    %mul3A_67 = arith.mulf %sub3A_39, %max3A_17 : vector<1x2048xf32>
    %mul3A_68 = arith.mulf %sub3A_44, %max3A_17 : vector<1x2048xf32>
    %mul3A_69 = arith.mulf %sub3A_49, %max3A_17 : vector<1x2048xf32>
    %mul3A_70 = arith.mulf %sub3A_54, %max3A_17 : vector<1x2048xf32>
    %mul3A_71 = arith.mulf %sub3A_59, %max3A_17 : vector<1x2048xf32>
    %mul3A_72 = arith.mulf %sub3A_64, %max3A_17 : vector<1x2048xf32>
    %concatenate3A = tpu.concatenate %mul3A_65, %mul3A_66, %mul3A_67, %mul3A_68, %mul3A_69, %mul3A_70, %mul3A_71, %mul3A_72 in 0 : vector<1x2048xf32>, vector<1x2048xf32>, vector<1x2048xf32>, vector<1x2048xf32>, vector<1x2048xf32>, vector<1x2048xf32>, vector<1x2048xf32>, vector<1x2048xf32> -> vector<8x2048xf32>
    %broadcast_in_dim3A_73 = arith.constant 0.000000e+00 : f32
    %broadcast_in_dim3A_74 = vector.broadcast %broadcast_in_dim3A_73 : f32 to vector<1x2048xf32>
    %broadcast_in_dim3A_75 = arith.constant 1.000000e+00 : f32
    %broadcast_in_dim3A_76 = vector.broadcast %broadcast_in_dim3A_75 : f32 to vector<1x2048xf32>
    %mul3A_77 = arith.mulf %mul3A_28, %mul3A_28 : vector<1x2048xf32>
    %mul3A_78 = arith.mulf %mul3A_28, %mul3A_29 : vector<1x2048xf32>
    %mul3A_79 = arith.mulf %mul3A_28, %mul3A_30 : vector<1x2048xf32>
    %mul3A_80 = arith.mulf %mul3A_29, %mul3A_28 : vector<1x2048xf32>
    %mul3A_81 = arith.mulf %mul3A_29, %mul3A_29 : vector<1x2048xf32>
    %mul3A_82 = arith.mulf %mul3A_29, %mul3A_30 : vector<1x2048xf32>
    %mul3A_83 = arith.mulf %mul3A_30, %mul3A_28 : vector<1x2048xf32>
    %mul3A_84 = arith.mulf %mul3A_30, %mul3A_29 : vector<1x2048xf32>
    %mul3A_85 = arith.mulf %mul3A_30, %mul3A_30 : vector<1x2048xf32>
    %concatenate3A_86 = tpu.concatenate %broadcast_in_dim3A_76, %mul3A_28, %mul3A_29, %mul3A_30, %mul3A_77, %mul3A_78, %mul3A_79, %mul3A_80, %mul3A_81, %mul3A_82, %mul3A_83, %mul3A_84, %mul3A_85, %broadcast_in_dim3A_74, %broadcast_in_dim3A_74, %broadcast_in_dim3A_74 in 0 : vector<1x2048xf32>, vector<1x2048xf32>, vector<1x2048xf32>, vector<1x2048xf32>, vector<1x2048xf32>, vector<1x2048xf32>, vector<1x2048xf32>, vector<1x2048xf32>, vector<1x2048xf32>, vector<1x2048xf32>, vector<1x2048xf32>, vector<1x2048xf32>, vector<1x2048xf32>, vector<1x2048xf32>, vector<1x2048xf32>, vector<1x2048xf32> -> vector<16x2048xf32>
    %iota3A = tpu.iota {dimensions = array<i32: 1>} : vector<1x128xi32>
    %iota3A_87 = tpu.iota {dimensions = array<i32: 0>} : vector<8x128xi32>
    %and3A = arith.constant 7 : i32
    %and3A_88 = vector.broadcast %and3A : i32 to vector<1x128xi32>
    %and3A_89 = arith.andi %iota3A, %and3A_88 : vector<1x128xi32>
    %eq3A = vector.broadcast %and3A_89 : vector<1x128xi32> to vector<8x128xi32>
    %eq3A_90 = arith.cmpi eq, %iota3A_87, %eq3A : vector<8x128xi32>
    %convert_element_type3A = arith.extui %eq3A_90 : vector<8x128xi1> to vector<8x128xi32>
    %convert_element_type3A_91 = arith.sitofp %convert_element_type3A : vector<8x128xi32> to vector<8x128xf32>
    %iota3A_92 = tpu.iota {dimensions = array<i32: 0>} : vector<16x128xi32>
    %shift_right_arithmetic3A = arith.constant 3 : i32
    %shift_right_arithmetic3A_93 = vector.broadcast %shift_right_arithmetic3A : i32 to vector<1x128xi32>
    %shift_right_arithmetic3A_94 = arith.shrsi %iota3A, %shift_right_arithmetic3A_93 : vector<1x128xi32>
    %eq3A_95 = vector.broadcast %shift_right_arithmetic3A_94 : vector<1x128xi32> to vector<16x128xi32>
    %eq3A_96 = arith.cmpi eq, %iota3A_92, %eq3A_95 : vector<16x128xi32>
    %convert_element_type3A_97 = arith.extui %eq3A_96 : vector<16x128xi1> to vector<16x128xi32>
    %convert_element_type3A_98 = arith.sitofp %convert_element_type3A_97 : vector<16x128xi32> to vector<16x128xf32>
    %dot_general3A = arith.constant dense<0.000000e+00> : vector<2048x128xf32>
    %dot_general3A_99 = tpu.matmul %concatenate3A, %convert_element_type3A_91, %dot_general3A {dimension_numbers = #tpu.dot_dimension_numbers<[0], [0], [1], [1], [0, 1, 1, 1], [], []>, transpose_lhs_hint = false} : vector<8x2048xf32>, vector<8x128xf32>, vector<2048x128xf32> -> vector<2048x128xf32>
    %dot_general3A_100 = arith.constant dense<0.000000e+00> : vector<2048x128xf32>
    %dot_general3A_101 = tpu.matmul %concatenate3A_86, %convert_element_type3A_98, %dot_general3A_100 {dimension_numbers = #tpu.dot_dimension_numbers<[0], [0], [1], [1], [0, 1, 1, 1], [], []>, transpose_lhs_hint = false} : vector<16x2048xf32>, vector<16x128xf32>, vector<2048x128xf32> -> vector<2048x128xf32>
    %mul3A_102 = arith.mulf %dot_general3A_99, %dot_general3A_101 : vector<2048x128xf32>
    %swap3A = arith.constant 0 : index
    %swap3A_103 = arith.constant 0 : index
    %swap3A_104 = vector.load %arg2[%swap3A, %swap3A_103] : memref<2048x128xf32, #tpu.memory_space<vmem>>, vector<2048x128xf32>
    tpu.vector_store %arg2[%swap3A, %swap3A_103], %mul3A_102 {strides = array<i32>} : memref<2048x128xf32, #tpu.memory_space<vmem>>, vector<2048x128xf32>,
    return
  }
  func.func @transform_0(%arg0: i32) -> (i32, i32) {
    %add3A = arith.constant 160 : i32
    %add3A_0 = arith.addi %arg0, %add3A : i32
    %c0_i32 = arith.constant 0 : i32
    %c0_i32_1 = arith.constant 0 : i32
    return %c0_i32, %add3A_0 : i32, i32
  }
  func.func @transform_1(%arg0: i32) -> (i32, i32) {
    %c0_i32 = arith.constant 0 : i32
    %c0_i32_0 = arith.constant 0 : i32
    return %arg0, %c0_i32 : i32, i32
  }
}

module attributes {stable_mosaic.version = 14 : i64} {
  func.func @_feat_body(%arg0: i32, %arg1: memref<8x2048xf32, #tpu.memory_space<vmem>>, %arg2: memref<2048x128xf32, #tpu.memory_space<vmem>>) attributes {dimension_semantics = [#tpu.dimension_semantics<arbitrary>], iteration_bounds = array<i64: 160>, scalar_prefetch = 0 : i64, scratch_operands = 0 : i64, tpu.core_type = #tpu.core_type<tc>, window_params = [{transform_indices = @transform_0, window_bounds = array<i64: 8, 2048>}, {transform_indices = @transform_1, window_bounds = array<i64: 2048, 128>}]} {
    %get3A = arith.constant 0 : index
    %get3A_0 = arith.constant 0 : index
    %get3A_1 = vector.load %arg1[%get3A, %get3A_0] : memref<8x2048xf32, #tpu.memory_space<vmem>>, vector<1x2048xf32>
    %get3A_2 = arith.constant 1 : index
    %get3A_3 = arith.constant 0 : index
    %get3A_4 = vector.load %arg1[%get3A_2, %get3A_3] : memref<8x2048xf32, #tpu.memory_space<vmem>>, vector<1x2048xf32>
    %get3A_5 = arith.constant 2 : index
    %get3A_6 = arith.constant 0 : index
    %get3A_7 = vector.load %arg1[%get3A_5, %get3A_6] : memref<8x2048xf32, #tpu.memory_space<vmem>>, vector<1x2048xf32>
    %mul3A = arith.mulf %get3A_1, %get3A_1 : vector<1x2048xf32>
    %mul3A_8 = arith.mulf %get3A_4, %get3A_4 : vector<1x2048xf32>
    %add3A = arith.addf %mul3A, %mul3A_8 : vector<1x2048xf32>
    %mul3A_9 = arith.mulf %get3A_7, %get3A_7 : vector<1x2048xf32>
    %add3A_10 = arith.addf %add3A, %mul3A_9 : vector<1x2048xf32>
    %mul3A_11 = arith.constant 0.166666672 : f32
    %mul3A_12 = vector.broadcast %mul3A_11 : f32 to vector<1x2048xf32>
    %mul3A_13 = arith.mulf %add3A_10, %mul3A_12 : vector<1x2048xf32>
    %sub3A = arith.constant 1.000000e+00 : f32
    %sub3A_14 = vector.broadcast %sub3A : f32 to vector<1x2048xf32>
    %sub3A_15 = arith.subf %sub3A_14, %mul3A_13 : vector<1x2048xf32>
    %max3A = arith.constant 0.000000e+00 : f32
    %max3A_16 = vector.broadcast %max3A : f32 to vector<1x2048xf32>
    %max3A_17 = arith.maximumf %sub3A_15, %max3A_16 : vector<1x2048xf32>
    %sqrt3A = math.sqrt %mul3A_13 : vector<1x2048xf32>
    %mul3A_18 = arith.constant 8.02777767 : f32
    %mul3A_19 = vector.broadcast %mul3A_18 : f32 to vector<1x2048xf32>
    %mul3A_20 = arith.mulf %add3A_10, %mul3A_19 : vector<1x2048xf32>
    %add3A_21 = arith.constant 9.99999996E-13 : f32
    %add3A_22 = vector.broadcast %add3A_21 : f32 to vector<1x2048xf32>
    %add3A_23 = arith.addf %mul3A_20, %add3A_22 : vector<1x2048xf32>
    %sqrt3A_24 = math.sqrt %add3A_23 : vector<1x2048xf32>
    %tanh3A = math.tanh %sqrt3A_24 : vector<1x2048xf32>
    %div3A = arith.divf %tanh3A, %sqrt3A_24 : vector<1x2048xf32>
    %mul3A_25 = arith.constant 2.83333325 : f32
    %mul3A_26 = vector.broadcast %mul3A_25 : f32 to vector<1x2048xf32>
    %mul3A_27 = arith.mulf %div3A, %mul3A_26 : vector<1x2048xf32>
    %mul3A_28 = arith.mulf %get3A_1, %mul3A_27 : vector<1x2048xf32>
    %mul3A_29 = arith.mulf %get3A_4, %mul3A_27 : vector<1x2048xf32>
    %mul3A_30 = arith.mulf %get3A_7, %mul3A_27 : vector<1x2048xf32>
    %mul3A_31 = arith.constant 3.14159274 : f32
    %mul3A_32 = vector.broadcast %mul3A_31 : f32 to vector<1x2048xf32>
    %mul3A_33 = arith.mulf %mul3A_32, %sqrt3A : vector<1x2048xf32>
    %cos3A = math.cos %mul3A_33 : vector<1x2048xf32>
    %broadcast_in_dim3A = arith.constant 1.000000e+00 : f32
    %broadcast_in_dim3A_34 = vector.broadcast %broadcast_in_dim3A : f32 to vector<1x2048xf32>
    %mul3A_35 = arith.constant 2.000000e+00 : f32
    %mul3A_36 = vector.broadcast %mul3A_35 : f32 to vector<1x2048xf32>
    %mul3A_37 = arith.mulf %mul3A_36, %cos3A : vector<1x2048xf32>
    %mul3A_38 = arith.mulf %mul3A_37, %cos3A : vector<1x2048xf32>
    %sub3A_39 = arith.subf %mul3A_38, %broadcast_in_dim3A_34 : vector<1x2048xf32>
    %mul3A_40 = arith.constant 2.000000e+00 : f32
    %mul3A_41 = vector.broadcast %mul3A_40 : f32 to vector<1x2048xf32>
    %mul3A_42 = arith.mulf %mul3A_41, %cos3A : vector<1x2048xf32>
    %mul3A_43 = arith.mulf %mul3A_42, %sub3A_39 : vector<1x2048xf32>
    %sub3A_44 = arith.subf %mul3A_43, %cos3A : vector<1x2048xf32>
    %mul3A_45 = arith.constant 2.000000e+00 : f32
    %mul3A_46 = vector.broadcast %mul3A_45 : f32 to vector<1x2048xf32>
    %mul3A_47 = arith.mulf %mul3A_46, %cos3A : vector<1x2048xf32>
    %mul3A_48 = arith.mulf %mul3A_47, %sub3A_44 : vector<1x2048xf32>
    %sub3A_49 = arith.subf %mul3A_48, %sub3A_39 : vector<1x2048xf32>
    %mul3A_50 = arith.constant 2.000000e+00 : f32
    %mul3A_51 = vector.broadcast %mul3A_50 : f32 to vector<1x2048xf32>
    %mul3A_52 = arith.mulf %mul3A_51, %cos3A : vector<1x2048xf32>
    %mul3A_53 = arith.mulf %mul3A_52, %sub3A_49 : vector<1x2048xf32>
    %sub3A_54 = arith.subf %mul3A_53, %sub3A_44 : vector<1x2048xf32>
    %mul3A_55 = arith.constant 2.000000e+00 : f32
    %mul3A_56 = vector.broadcast %mul3A_55 : f32 to vector<1x2048xf32>
    %mul3A_57 = arith.mulf %mul3A_56, %cos3A : vector<1x2048xf32>
    %mul3A_58 = arith.mulf %mul3A_57, %sub3A_54 : vector<1x2048xf32>
    %sub3A_59 = arith.subf %mul3A_58, %sub3A_49 : vector<1x2048xf32>
    %mul3A_60 = arith.constant 2.000000e+00 : f32
    %mul3A_61 = vector.broadcast %mul3A_60 : f32 to vector<1x2048xf32>
    %mul3A_62 = arith.mulf %mul3A_61, %cos3A : vector<1x2048xf32>
    %mul3A_63 = arith.mulf %mul3A_62, %sub3A_59 : vector<1x2048xf32>
    %sub3A_64 = arith.subf %mul3A_63, %sub3A_54 : vector<1x2048xf32>
    %mul3A_65 = arith.mulf %broadcast_in_dim3A_34, %max3A_17 : vector<1x2048xf32>
    %mul3A_66 = arith.mulf %cos3A, %max3A_17 : vector<1x2048xf32>
    %mul3A_67 = arith.mulf %sub3A_39, %max3A_17 : vector<1x2048xf32>
    %mul3A_68 = arith.mulf %sub3A_44, %max3A_17 : vector<1x2048xf32>
    %mul3A_69 = arith.mulf %sub3A_49, %max3A_17 : vector<1x2048xf32>
    %mul3A_70 = arith.mulf %sub3A_54, %max3A_17 : vector<1x2048xf32>
    %mul3A_71 = arith.mulf %sub3A_59, %max3A_17 : vector<1x2048xf32>
    %mul3A_72 = arith.mulf %sub3A_64, %max3A_17 : vector<1x2048xf32>
    %concatenate3A = tpu.concatenate %mul3A_65, %mul3A_66, %mul3A_67, %mul3A_68, %mul3A_69, %mul3A_70, %mul3A_71, %mul3A_72 in 0 : vector<1x2048xf32>, vector<1x2048xf32>, vector<1x2048xf32>, vector<1x2048xf32>, vector<1x2048xf32>, vector<1x2048xf32>, vector<1x2048xf32>, vector<1x2048xf32> -> vector<8x2048xf32>
    %broadcast_in_dim3A_73 = arith.constant 0.000000e+00 : f32
    %broadcast_in_dim3A_74 = vector.broadcast %broadcast_in_dim3A_73 : f32 to vector<1x2048xf32>
    %broadcast_in_dim3A_75 = arith.constant 1.000000e+00 : f32
    %broadcast_in_dim3A_76 = vector.broadcast %broadcast_in_dim3A_75 : f32 to vector<1x2048xf32>
    %mul3A_77 = arith.mulf %mul3A_28, %mul3A_28 : vector<1x2048xf32>
    %mul3A_78 = arith.mulf %mul3A_28, %mul3A_29 : vector<1x2048xf32>
    %mul3A_79 = arith.mulf %mul3A_28, %mul3A_30 : vector<1x2048xf32>
    %mul3A_80 = arith.mulf %mul3A_29, %mul3A_28 : vector<1x2048xf32>
    %mul3A_81 = arith.mulf %mul3A_29, %mul3A_29 : vector<1x2048xf32>
    %mul3A_82 = arith.mulf %mul3A_29, %mul3A_30 : vector<1x2048xf32>
    %mul3A_83 = arith.mulf %mul3A_30, %mul3A_28 : vector<1x2048xf32>
    %mul3A_84 = arith.mulf %mul3A_30, %mul3A_29 : vector<1x2048xf32>
    %mul3A_85 = arith.mulf %mul3A_30, %mul3A_30 : vector<1x2048xf32>
    %concatenate3A_86 = tpu.concatenate %broadcast_in_dim3A_76, %mul3A_28, %mul3A_29, %mul3A_30, %mul3A_77, %mul3A_78, %mul3A_79, %mul3A_80, %mul3A_81, %mul3A_82, %mul3A_83, %mul3A_84, %mul3A_85, %broadcast_in_dim3A_74, %broadcast_in_dim3A_74, %broadcast_in_dim3A_74 in 0 : vector<1x2048xf32>, vector<1x2048xf32>, vector<1x2048xf32>, vector<1x2048xf32>, vector<1x2048xf32>, vector<1x2048xf32>, vector<1x2048xf32>, vector<1x2048xf32>, vector<1x2048xf32>, vector<1x2048xf32>, vector<1x2048xf32>, vector<1x2048xf32>, vector<1x2048xf32>, vector<1x2048xf32>, vector<1x2048xf32>, vector<1x2048xf32> -> vector<16x2048xf32>
    %iota3A = tpu.iota {dimensions = array<i32: 1>} : vector<1x128xi32>
    %iota3A_87 = tpu.iota {dimensions = array<i32: 0>} : vector<8x128xi32>
    %and3A = arith.constant 7 : i32
    %and3A_88 = vector.broadcast %and3A : i32 to vector<1x128xi32>
    %and3A_89 = arith.andi %iota3A, %and3A_88 : vector<1x128xi32>
    %eq3A = vector.broadcast %and3A_89 : vector<1x128xi32> to vector<8x128xi32>
    %eq3A_90 = arith.cmpi eq, %iota3A_87, %eq3A : vector<8x128xi32>
    %convert_element_type3A = arith.extui %eq3A_90 : vector<8x128xi1> to vector<8x128xi32>
    %convert_element_type3A_91 = arith.sitofp %convert_element_type3A : vector<8x128xi32> to vector<8x128xf32>
    %iota3A_92 = tpu.iota {dimensions = array<i32: 0>} : vector<16x128xi32>
    %shift_right_arithmetic3A = arith.constant 3 : i32
    %shift_right_arithmetic3A_93 = vector.broadcast %shift_right_arithmetic3A : i32 to vector<1x128xi32>
    %shift_right_arithmetic3A_94 = arith.shrsi %iota3A, %shift_right_arithmetic3A_93 : vector<1x128xi32>
    %eq3A_95 = vector.broadcast %shift_right_arithmetic3A_94 : vector<1x128xi32> to vector<16x128xi32>
    %eq3A_96 = arith.cmpi eq, %iota3A_92, %eq3A_95 : vector<16x128xi32>
    %convert_element_type3A_97 = arith.extui %eq3A_96 : vector<16x128xi1> to vector<16x128xi32>
    %convert_element_type3A_98 = arith.sitofp %convert_element_type3A_97 : vector<16x128xi32> to vector<16x128xf32>
    %dot_general3A = arith.constant dense<0.000000e+00> : vector<2048x128xf32>
    %dot_general3A_99 = tpu.matmul %concatenate3A, %convert_element_type3A_91, %dot_general3A {dimension_numbers = #tpu.dot_dimension_numbers<[0], [0], [1], [1], [0, 1, 1, 1], [], []>, transpose_lhs_hint = false} : vector<8x2048xf32>, vector<8x128xf32>, vector<2048x128xf32> -> vector<2048x128xf32>
    %dot_general3A_100 = arith.constant dense<0.000000e+00> : vector<2048x128xf32>
    %dot_general3A_101 = tpu.matmul %concatenate3A_86, %convert_element_type3A_98, %dot_general3A_100 {dimension_numbers = #tpu.dot_dimension_numbers<[0], [0], [1], [1], [0, 1, 1, 1], [], []>, transpose_lhs_hint = false} : vector<16x2048xf32>, vector<16x128xf32>, vector<2048x128xf32> -> vector<2048x128xf32>
    %mul3A_102 = arith.mulf %dot_general3A_99, %dot_general3A_101 : vector<2048x128xf32>
    %swap3A = arith.constant 0 : index
    %swap3A_103 = arith.constant 0 : index
    %swap3A_104 = vector.load %arg2[%swap3A, %swap3A_103] : memref<2048x128xf32, #tpu.memory_space<vmem>>, vector<2048x128xf32>
    tpu.vector_store %arg2[%swap3A, %swap3A_103], %mul3A_102 {strides = array<i32>} : memref<2048x128xf32, #tpu.memory_space<vmem>>, vector<2048x128xf32>,
    return
  }
  func.func @transform_0(%arg0: i32) -> (i32, i32) {
    %add3A = arith.constant 0 : i32
    %add3A_0 = arith.addi %arg0, %add3A : i32
    %c0_i32 = arith.constant 0 : i32
    %c0_i32_1 = arith.constant 0 : i32
    return %c0_i32, %add3A_0 : i32, i32
  }
  func.func @transform_1(%arg0: i32) -> (i32, i32) {
    %c0_i32 = arith.constant 0 : i32
    %c0_i32_0 = arith.constant 0 : i32
    return %arg0, %c0_i32 : i32, i32
  }
}

module attributes {stable_mosaic.version = 14 : i64} {
  func.func @_mm_body(%arg0: i32, %arg1: memref<2x10000x128xf32, #tpu.memory_space<vmem>>, %arg2: memref<2x10000x128xf32, #tpu.memory_space<vmem>>, %arg3: memref<128x128xf32, #tpu.memory_space<vmem>>, %arg4: memref<128x192xf32, #tpu.memory_space<vmem>>, %arg5: memref<128x288xf32, #tpu.memory_space<vmem>>, %arg6: memref<1x128xf32, #tpu.memory_space<vmem>>, %arg7: memref<10000x128xf32, #tpu.memory_space<vmem>>, %arg8: memref<192x10000xf32, #tpu.memory_space<vmem>>, %arg9: memref<288x10000xf32, #tpu.memory_space<vmem>>) attributes {dimension_semantics = [#tpu.dimension_semantics<arbitrary>], iteration_bounds = array<i64: 1>, scalar_prefetch = 0 : i64, scratch_operands = 0 : i64, tpu.core_type = #tpu.core_type<tc>, window_params = [{transform_indices = @transform_0, window_bounds = array<i64: 2, 10000, 128>}, {transform_indices = @transform_1, window_bounds = array<i64: 2, 10000, 128>}, {pipeline_mode = #tpu.pipeline_mode<synchronous>, transform_indices = @transform_2, window_bounds = array<i64: 128, 128>}, {pipeline_mode = #tpu.pipeline_mode<synchronous>, transform_indices = @transform_3, window_bounds = array<i64: 128, 192>}, {pipeline_mode = #tpu.pipeline_mode<synchronous>, transform_indices = @transform_4, window_bounds = array<i64: 128, 288>}, {pipeline_mode = #tpu.pipeline_mode<synchronous>, transform_indices = @transform_5, window_bounds = array<i64: 1, 128>}, {pipeline_mode = #tpu.pipeline_mode<synchronous>, transform_indices = @transform_6, window_bounds = array<i64: 10000, 128>}, {pipeline_mode = #tpu.pipeline_mode<synchronous>, transform_indices = @transform_7, window_bounds = array<i64: 192, 10000>}, {pipeline_mode = #tpu.pipeline_mode<synchronous>, transform_indices = @transform_8, window_bounds = array<i64: 288, 10000>}]} {
    %get3A = arith.constant 0 : index
    %get3A_0 = arith.constant 0 : index
    %get3A_1 = arith.constant 0 : index
    %get3A_2 = vector.load %arg1[%get3A, %get3A_0, %get3A_1] : memref<2x10000x128xf32, #tpu.memory_space<vmem>>, vector<1x10000x128xf32>
    %get3A_3 = vector.shape_cast %get3A_2 : vector<1x10000x128xf32> to vector<10000x128xf32>
    %get3A_4 = arith.constant 1 : index
    %get3A_5 = arith.constant 0 : index
    %get3A_6 = arith.constant 0 : index
    %get3A_7 = vector.load %arg1[%get3A_4, %get3A_5, %get3A_6] : memref<2x10000x128xf32, #tpu.memory_space<vmem>>, vector<1x10000x128xf32>
    %get3A_8 = vector.shape_cast %get3A_7 : vector<1x10000x128xf32> to vector<10000x128xf32>
    %add3A = arith.addf %get3A_3, %get3A_8 : vector<10000x128xf32>
    %get3A_9 = arith.constant 0 : index
    %get3A_10 = arith.constant 0 : index
    %get3A_11 = arith.constant 0 : index
    %get3A_12 = vector.load %arg2[%get3A_9, %get3A_10, %get3A_11] : memref<2x10000x128xf32, #tpu.memory_space<vmem>>, vector<1x10000x128xf32>
    %get3A_13 = vector.shape_cast %get3A_12 : vector<1x10000x128xf32> to vector<10000x128xf32>
    %add3A_14 = arith.addf %add3A, %get3A_13 : vector<10000x128xf32>
    %get3A_15 = arith.constant 1 : index
    %get3A_16 = arith.constant 0 : index
    %get3A_17 = arith.constant 0 : index
    %get3A_18 = vector.load %arg2[%get3A_15, %get3A_16, %get3A_17] : memref<2x10000x128xf32, #tpu.memory_space<vmem>>, vector<1x10000x128xf32>
    %get3A_19 = vector.shape_cast %get3A_18 : vector<1x10000x128xf32> to vector<10000x128xf32>
    %add3A_20 = arith.addf %add3A_14, %get3A_19 : vector<10000x128xf32>
    %get3A_21 = arith.constant 0 : index
    %get3A_22 = arith.constant 0 : index
    %get3A_23 = vector.load %arg3[%get3A_21, %get3A_22] : memref<128x128xf32, #tpu.memory_space<vmem>>, vector<128x128xf32>
    %dot_general3A = arith.constant dense<0.000000e+00> : vector<10000x128xf32>
    %dot_general3A_24 = tpu.matmul %add3A_20, %get3A_23, %dot_general3A {dimension_numbers = #tpu.dot_dimension_numbers<[1], [0], [0], [1], [0, 0, 1, 1], [], []>, transpose_lhs_hint = false} : vector<10000x128xf32>, vector<128x128xf32>, vector<10000x128xf32> -> vector<10000x128xf32>
    %get3A_25 = arith.constant 0 : index
    %get3A_26 = arith.constant 0 : index
    %get3A_27 = vector.load %arg6[%get3A_25, %get3A_26] : memref<1x128xf32, #tpu.memory_space<vmem>>, vector<1x128xf32>
    %add3A_28 = vector.broadcast %get3A_27 : vector<1x128xf32> to vector<10000x128xf32>
    %add3A_29 = arith.addf %dot_general3A_24, %add3A_28 : vector<10000x128xf32>
    %swap3A = arith.constant 0 : index
    %swap3A_30 = arith.constant 0 : index
    %swap3A_31 = vector.load %arg7[%swap3A, %swap3A_30] : memref<10000x128xf32, #tpu.memory_space<vmem>>, vector<10000x128xf32>
    tpu.vector_store %arg7[%swap3A, %swap3A_30], %add3A_29 {strides = array<i32>} : memref<10000x128xf32, #tpu.memory_space<vmem>>, vector<10000x128xf32>,
    %get3A_32 = arith.constant 0 : index
    %get3A_33 = arith.constant 0 : index
    %get3A_34 = vector.load %arg4[%get3A_32, %get3A_33] : memref<128x192xf32, #tpu.memory_space<vmem>>, vector<128x192xf32>
    %dot_general3A_35 = arith.constant dense<0.000000e+00> : vector<192x10000xf32>
    %dot_general3A_36 = tpu.matmul %get3A_34, %add3A_20, %dot_general3A_35 {dimension_numbers = #tpu.dot_dimension_numbers<[0], [1], [1], [0], [0, 1, 1, 0], [], []>, transpose_lhs_hint = false} : vector<128x192xf32>, vector<10000x128xf32>, vector<192x10000xf32> -> vector<192x10000xf32>
    %swap3A_37 = arith.constant 0 : index
    %swap3A_38 = arith.constant 0 : index
    %swap3A_39 = vector.load %arg8[%swap3A_37, %swap3A_38] : memref<192x10000xf32, #tpu.memory_space<vmem>>, vector<192x10000xf32>
    tpu.vector_store %arg8[%swap3A_37, %swap3A_38], %dot_general3A_36 {strides = array<i32>} : memref<192x10000xf32, #tpu.memory_space<vmem>>, vector<192x10000xf32>,
    %get3A_40 = arith.constant 0 : index
    %get3A_41 = arith.constant 0 : index
    %get3A_42 = vector.load %arg5[%get3A_40, %get3A_41] : memref<128x288xf32, #tpu.memory_space<vmem>>, vector<128x288xf32>
    %dot_general3A_43 = arith.constant dense<0.000000e+00> : vector<288x10000xf32>
    %dot_general3A_44 = tpu.matmul %get3A_42, %add3A_20, %dot_general3A_43 {dimension_numbers = #tpu.dot_dimension_numbers<[0], [1], [1], [0], [0, 1, 1, 0], [], []>, transpose_lhs_hint = false} : vector<128x288xf32>, vector<10000x128xf32>, vector<288x10000xf32> -> vector<288x10000xf32>
    %swap3A_45 = arith.constant 0 : index
    %swap3A_46 = arith.constant 0 : index
    %swap3A_47 = vector.load %arg9[%swap3A_45, %swap3A_46] : memref<288x10000xf32, #tpu.memory_space<vmem>>, vector<288x10000xf32>
    tpu.vector_store %arg9[%swap3A_45, %swap3A_46], %dot_general3A_44 {strides = array<i32>} : memref<288x10000xf32, #tpu.memory_space<vmem>>, vector<288x10000xf32>,
    return
  }
  func.func @transform_0(%arg0: i32) -> (i32, i32, i32) {
    %c0_i32 = arith.constant 0 : i32
    %c0_i32_0 = arith.constant 0 : i32
    %c0_i32_1 = arith.constant 0 : i32
    %c0_i32_2 = arith.constant 0 : i32
    return %c0_i32, %c0_i32_0, %c0_i32_1 : i32, i32, i32
  }
  func.func @transform_1(%arg0: i32) -> (i32, i32, i32) {
    %c0_i32 = arith.constant 0 : i32
    %c0_i32_0 = arith.constant 0 : i32
    %c0_i32_1 = arith.constant 0 : i32
    %c0_i32_2 = arith.constant 0 : i32
    return %c0_i32, %c0_i32_0, %c0_i32_1 : i32, i32, i32
  }
  func.func @transform_2(%arg0: i32) -> (i32, i32) {
    %c0_i32 = arith.constant 0 : i32
    %c0_i32_0 = arith.constant 0 : i32
    %c0_i32_1 = arith.constant 0 : i32
    return %c0_i32, %c0_i32_0 : i32, i32
  }
  func.func @transform_3(%arg0: i32) -> (i32, i32) {
    %c0_i32 = arith.constant 0 : i32
    %c0_i32_0 = arith.constant 0 : i32
    %c0_i32_1 = arith.constant 0 : i32
    return %c0_i32, %c0_i32_0 : i32, i32
  }
  func.func @transform_4(%arg0: i32) -> (i32, i32) {
    %c0_i32 = arith.constant 0 : i32
    %c0_i32_0 = arith.constant 0 : i32
    %c0_i32_1 = arith.constant 0 : i32
    return %c0_i32, %c0_i32_0 : i32, i32
  }
  func.func @transform_5(%arg0: i32) -> (i32, i32) {
    %c0_i32 = arith.constant 0 : i32
    %c0_i32_0 = arith.constant 0 : i32
    %c0_i32_1 = arith.constant 0 : i32
    return %c0_i32, %c0_i32_0 : i32, i32
  }
  func.func @transform_6(%arg0: i32) -> (i32, i32) {
    %c0_i32 = arith.constant 0 : i32
    %c0_i32_0 = arith.constant 0 : i32
    %c0_i32_1 = arith.constant 0 : i32
    return %c0_i32, %c0_i32_0 : i32, i32
  }
  func.func @transform_7(%arg0: i32) -> (i32, i32) {
    %c0_i32 = arith.constant 0 : i32
    %c0_i32_0 = arith.constant 0 : i32
    %c0_i32_1 = arith.constant 0 : i32
    return %c0_i32, %c0_i32_0 : i32, i32
  }
  func.func @transform_8(%arg0: i32) -> (i32, i32) {
    %c0_i32 = arith.constant 0 : i32
    %c0_i32_0 = arith.constant 0 : i32
    %c0_i32_1 = arith.constant 0 : i32
    return %c0_i32, %c0_i32_0 : i32, i32
  }
}

</mosaic_0001>

<sc_bundles>
// kernel: kernel.10.cloned.1.call-start
scs
__scs_entry_jumppad:
0x0: {  	(pc) =	sbr.rel $0x88, $3  }
0x1: {  	(tag) =	ssettag $0x0;
	lr =	simm.s32 $0x1  }
0x2: {  	[smem:$0x3F9B] =	sst lr;
	_ =	strace $0xD0000000  }
0x3: {  	_ = 	snop  }
0x4: {  	_ = 	snop  }
0x5: {  	_ = 	snop  }
0x6: {  	_ = 	snop  }
0x7: {  	_ = 	snop  }
__scs_overlays_trampoline_lowered:
0x8: {  	[smem:$0x3FAA] =	sst s0  }
0x9: {  	[smem:$0x3FAB] =	sst s1  }
0xa: {  	[smem:$0x3FAC] =	sst s2  }
0xb: {  	[smem:$0x3FAD] =	sst s3  }
0xc: {  	[smem:$0x3FAE] =	sst s4  }
0xd: {  	[smem:$0x3FAF] =	sst s5  }
0xe: {  	[smem:$0x3FB0] =	sst s6  }
0xf: {  	[smem:$0x3FB1] =	sst s7  }
0x10: {  	[smem:$0x3FB2] =	sst s8  }
0x11: {  	[smem:$0x3FB3] =	sst s9;
	s0 =	simm.s32 @!p0 $0x0  }
0x12: {  	s1 =	sld [smem:$0x3F99];
	s0 =	simm.s32 @p0 $0x1  }
0x13: {  	[smem:$0x3FB4] =	sst s0;
	s0 =	simm.s32 @!p1 $0x0  }
0x14: {  	s2 =	sld [smem:$0x3F98];
	s0 =	simm.s32 @p1 $0x1  }
0x15: {  	[smem:$0x3FB5] =	sst s0;
	s0 =	simm.s32 @!p2 $0x0  }
0x16: {  	s3 =	sld [smem:$0x3FDB];
	s0 =	simm.s32 @p2 $0x1  }
0x17: {  	s4 =	simm.s32 $0x1BF5;
	[smem:$0x3FB7] =	sst s0  }
0x18: {  	s0 =	sld [smem:$0x3F9A];
	_ =	swait.ge [sflag:s4], $0x0  }
0x19: {  	s7 =	sld [smem:$0x3F9B]  }
0x1a: {  	s8 =	sadd.s32 $0xFFFFE003, lr  }
0x1b: {  	s9 =	sadd.s32 $0xFFFFFEF7, lr;
	s5 =	simm.s32 $0xFFFFFFFF;
	p2 =	slt.u32 s8, $0xFFFFF086  }
0x1c: {  	p1 =	slt.u32 s9, $0xF7A;
	s5 =	simm.s32 @!p2 $0x0  }
0x1d: {  	s5 =	simm.s32 @p1 $0x1;
	p0 =	seq.s32 s7, s2  }
0x1e: {  	s7 =	smul.u32 @!p0 $0xF7A, s2;
	p2 =	seq.s32 @!p0 s5, $0x0  }
0x1f: {  	s9 =	smul.u32 $0xF7A, s1;
	s8 =	simm.s32 @!p0 $0x1BF5;
	p2 =	por !p2, p0  }
0x20: {  	[sflag:s8] =	ssyncset.s32 @!p0 $0xFFFFF086;
	s6 =	sadd.s32 @!p0 s3, s7;
	s7 =	simm.s32 @!p0 $0x108  }
0x21: {  	s3 =	sadd.s32 s3, s9;
	s6 =	sadd.s32 @!p0 $0x88, s6;
	s7 =	simm.s32 @p2 $0x1082  }
0x22: {  	[simem:s7], [sflag:s8] =	dma.local @!p0 [hbm:s6], $0xF7A  }
0x23: {  	s9 =	sor.u32 $0xD0000000, s2;
	s6 =	simm.s32 $0x108;
	_ =	swait.ge @!p0 [sflag:s8], $0x0  }
0x24: {  	s3 =	sadd.s32 $0x88, s3;
	s6 =	simm.s32 @!p1 $0x1082;
	[sflag:s4] =	ssyncset.s32 $0xFFFFF086  }
0x25: {  	[simem:s6], [sflag:s4] =	dma.local [hbm:s3], $0xF7A  }
0x26: {  	[smem:$0x3F9B] =	sst s1;
	(tag) =	ssettag s2;
	_ =	strace s9  }
0x27: {  	s1 =	sld [smem:$0x3FAB]  }
0x28: {  	s2 =	sld [smem:$0x3FAC]  }
0x29: {  	s4 =	sld [smem:$0x3FAE]  }
0x2a: {  	p0 =	seq.s32 s5, $0x0;
	s5 =	sld [smem:$0x3FAF]  }
0x2b: {  	s6 =	sld [smem:$0x3FB0]  }
0x2c: {  	s7 =	sld [smem:$0x3FB1]  }
0x2d: {  	s3 =	simm.s32 $0x108;
	s8 =	sld [smem:$0x3FB2]  }
0x2e: {  	s3 =	simm.s32 @!p0 $0x1082;
	s9 =	sld [smem:$0x3FB3]  }
0x2f: {  	lr =	sadd.s32 s0, s3;
	s0 =	sld [smem:$0x3FAA]  }
0x30: {  	s3 =	sld [smem:$0x3FAD]  }
0x31: {  	[smem:$0x3FB6] =	sst s10  }
0x32: {  	s10 =	sld [smem:$0x3FB4];
	_ =	sdelay $0x3  }
0x33: {  	p0 =	seq.s32 s10, $0x1;
	s10 =	sld [smem:$0x3FB6];
	_ =	sdelay $0x3  }
0x34: {  	[smem:$0x3FB6] =	sst s10  }
0x35: {  	s10 =	sld [smem:$0x3FB5];
	_ =	sdelay $0x3  }
0x36: {  	p1 =	seq.s32 s10, $0x1;
	s10 =	sld [smem:$0x3FB6];
	_ =	sdelay $0x3  }
0x37: {  	[smem:$0x3FB6] =	sst s10  }
0x38: {  	s10 =	sld [smem:$0x3FB7]  }
0x39: {  	_ = 	snop;
	(pc) =	sbr.ind lr, $3  }
0x3a: {  	_ = 	snop  }
0x3b: {  	_ = 	snop  }
0x3c: {  	p2 =	seq.s32 s10, $0x1;
	s10 =	sld [smem:$0x3FB6]  }
0x3d: {  	_ =	shalt  }
0x3e: {  	_ =	shalt  }
0x3f: {  	_ =	shalt  }
0x40: {  	_ =	shalt  }
0x41: {  	_ =	shalt  }
0x42: {  	_ =	shalt  }
0x43: {  	_ =	shalt  }
0x44: {  	_ =	shalt  }
0x45: {  	_ =	shalt  }
0x46: {  	_ =	shalt  }
0x47: {  	_ =	shalt  }
0x48: {  	_ =	shalt  }
0x49: {  	_ =	shalt  }
0x4a: {  	_ =	shalt  }
0x4b: {  	_ =	shalt  }
0x4c: {  	_ =	shalt  }
0x4d: {  	_ =	shalt  }
0x4e: {  	_ =	shalt  }
0x4f: {  	_ =	shalt  }
0x50: {  	_ =	shalt  }
0x51: {  	_ =	shalt  }
0x52: {  	_ =	shalt  }
0x53: {  	_ =	shalt  }
0x54: {  	_ =	shalt  }
0x55: {  	_ =	shalt  }
0x56: {  	_ =	shalt  }
0x57: {  	_ =	shalt  }
0x58: {  	_ =	shalt  }
0x59: {  	_ =	shalt  }
0x5a: {  	_ =	shalt  }
0x5b: {  	_ =	shalt  }
0x5c: {  	_ =	shalt  }
0x5d: {  	_ =	shalt  }
0x5e: {  	_ =	shalt  }
0x5f: {  	_ =	shalt  }
0x60: {  	_ =	shalt  }
0x61: {  	_ =	shalt  }
0x62: {  	_ =	shalt  }
0x63: {  	_ =	shalt  }
0x64: {  	_ =	shalt  }
0x65: {  	_ =	shalt  }
0x66: {  	_ =	shalt  }
0x67: {  	_ =	shalt  }
0x68: {  	_ =	shalt  }
0x69: {  	_ =	shalt  }
0x6a: {  	_ =	shalt  }
0x6b: {  	_ =	shalt  }
0x6c: {  	_ =	shalt  }
0x6d: {  	_ =	shalt  }
0x6e: {  	_ =	shalt  }
0x6f: {  	_ =	shalt  }
0x70: {  	_ =	shalt  }
0x71: {  	_ =	shalt  }
0x72: {  	_ =	shalt  }
0x73: {  	_ =	shalt  }
0x74: {  	_ =	shalt  }
0x75: {  	_ =	shalt  }
0x76: {  	_ =	shalt  }
0x77: {  	_ =	shalt  }
0x78: {  	_ =	shalt  }
0x79: {  	_ =	shalt  }
0x7a: {  	_ =	shalt  }
0x7b: {  	_ =	shalt  }
0x7c: {  	_ =	shalt  }
0x7d: {  	_ =	shalt  }
0x7e: {  	_ =	shalt  }
0x7f: {  	_ =	shalt  }
0x80: {  	_ =	shalt  }
0x81: {  	_ =	shalt  }
0x82: {  	_ =	shalt  }
0x83: {  	_ =	shalt  }
0x84: {  	_ =	shalt  }
0x85: {  	_ =	shalt  }
0x86: {  	_ =	shalt  }
0x87: {  	_ =	shalt  }
.Lfunc_end0:
.L_simem_size_0:
called_computation.1_lowered:
.L_overlay_start_0:
0x88: {  	s2 =	sld [smem:$0x3FD9]  }
0x89: {  	s3 =	sld [smem:$0x3FFE];
	_ =	sdelay $0x1  }
0x8a: {  	s1 =	srdreg.scid  }
0x8b: {  	s0 =	sand.u32 $0x1, s1  }
0x8c: {  	s14 =	sshll.u32 s0, $0xA;
	s2 =	sadd.s32 s3, s2  }
0x8d: {  	s2 =	sadd.s32 s2, s14  }
0x8e: {  	[smem:$0x3FC2] =	sst s2  }
0x8f: {  	_ = 	snop  }
0x90: {  	s2 =	sld [smem:$0x3FD0];
	_ =	sdelay $0x2  }
0x91: {  	s15 =	simm.s32 $0xB;
	s4 =	simm.s32 $0x10  }
0x92: {  	[smem:s4], [sflag:s15] =	dma.local [hbm:s2], $0x1  }
0x93: {  	_ =	swait.eq [sflag:s15], $0x1  }
0x94: {  	[sflag:s15] =	ssyncset.done $0x0  }
0x95: {  	[sflag:s15] =	ssyncadd.s32 $0xFFFFFFFF  }
0x96: {  	s16 =	sld [smem:$0x11];
	(tm) =	ssettm $0x1  }
0x97: {  	s17 =	sld [smem:$0x3FFB];
	_ =	sdelay $0x3  }
0x98: {  	_ =	strace s17  }
0x99: {  	s3 =	sld [smem:$0x3FFC];
	_ =	sdelay $0x3  }
0x9a: {  	_ =	strace s3  }
0x9b: {  	s3 =	sld [smem:$0x3FFD];
	_ =	sdelay $0x3  }
0x9c: {  	_ =	strace s3  }
0x9d: {  	_ =	strace $0x8FFFFFFF  }
0x9e: {  	s18 =	sld [smem:$0x3FDB];
	_ =	sdelay $0x1  }
0x9f: {  	s19 =	simm.s32 $_scs_section_size  }
0xa0: {  	s5 =	simm.s32 $_size__tile_overlayer_lowered;
	s6 =	simm.s32 $_tile_overlayer_lowered  }
0xa1: {  	s22 =	simm.s32 $0x1BFF;
	s21 =	sshll.u32 s6, $0x1;
	s3 =	sadd.s32 s19, s18  }
0xa2: {  	s7 =	simm.s32 $0x0;
	s20 =	sshll.u32 s5, $0x1;
	s5 =	sadd.s32 s21, s3  }
0xa3: {  	[timem:s7], [sflag:s22] =	dma.local [hbm:s5], s20  }
0xa4: {  	_ =	swait.ge [sflag:s22], s20  }
0xa5: {  	s4 =	ssub.s32 $0x0, s20;
	[sflag:s22] =	ssyncset.done $0x0  }
0xa6: {  	[sflag:s22] =	ssyncadd.s32 s4;
	_ =	sdelay $0x1  }
0xa7: {  	s23 =	simm.s32 $0x1B8B  }
0xa8: {  	_ =	swait.ge [sflag:s23], $0x1  }
0xa9: {  	[sflag:s23] =	ssyncset.done $0x0  }
0xaa: {  	s25 =	simm.s32 $0x1B8E;
	s24 =	sld [smem:$0x3FFE];
	[sflag:s23] =	ssyncadd.s32 $0xFFFFFFFF  }
0xab: {  	s26 =	simm.s32 $execute0_lowered;
	[smem:$0x3FD2] =	sst s25  }
0xac: {  	s5 =	sshll.u32 s26, $0x1;
	_ =	strace $0x80000046;
	[dreg:$0x1] =	wrdreg $0xFFFFFFFF  }
0xad: {  	s28 =	simm.s32 $_size_execute0_lowered;
	s3 =	sadd.s32 s3, s5;
	[dreg:$0x0] =	wrdreg $0x0  }
0xae: {  	s5 =	sshll.u32 s28, $0x1;
	[dreg:$0x2] =	wrdreg s3  }
0xaf: {  	[dreg:$0x3] =	wrdreg s5  }
0xb0: {  	[dreg:$0x4] =	wrdreg $0xC0  }
0xb1: {  	_ =	task [dreg:s7], $0x5FFFF  }
0xb2: {  	[dreg:$0x1] =	wrdreg $0xFFFFFFFF  }
0xb3: {  	[dreg:$0x0] =	wrdreg $0x60  }
0xb4: {  	[dreg:$0x2] =	wrdreg s24  }
0xb5: {  	[dreg:$0x3] =	wrdreg s16  }
0xb6: {  	[dreg:$0x4] =	wrdreg $0x88000  }
0xb7: {  	[dreg:$0x5] =	wrdreg $0xA  }
0xb8: {  	_ =	task.clear_ibuf [dreg:s7], $0x6FFFF;
	_ =	strace $0x90000046  }
0xb9: {  	s29 =	simm.s32 $0xA;
	_ =	strace $0x80000048  }
0xba: {  	_ =	swait.ge [sflag:s29], $0x1  }
0xbb: {  	[sflag:s29] =	ssyncadd.s32 $0xFFFFFFFF  }
0xbc: {  	_ =	strace $0x90000048  }
0xbd: {  	_ =	sfence  }
0xbe: {  	s30 =	sld [smem:$0x0];
	_ =	sdelay $0x2  }
0xbf: {  	s31 =	sshll.u32 s1, $0xD;
	s1 =	sshrl.u32 s1, $0x2  }
0xc0: {  	s3 =	sand.u32 $0x4000, s31;
	s1 =	sadd.s32 s1, s30  }
0xc1: {  	s0 =	sor.u32 s3, s0;
	s1 =	sshll.u32 s1, $0x11  }
0xc2: {  	s0 =	sor.u32 s1, s0  }
0xc3: {  	s0 =	sadd.s32 $0x8F2B, s0  }
0xc4: {  	[sflag:s0] =	ssyncadd.remote.s32 $0x1  }
0xc5: {  	_ =	sfence.sel $0xFFFF  }
0xc6: {  	[dreg:$0x0] =	wrdreg $0xFFFFFFFF;
	(pc) =	sbr.abs _section_cstart, $3  }
0xc7: {  	[dreg:$0x1] =	wrdreg $0xFFFFFFFF  }
0xc8: {  	_ =	task.clear_ibuf [dreg:s7], $0x2FFFF;
	_ =	strace $0x9FFFFFFF  }
0xc9: {  	(tm) =	ssettm $0x7FFFFFFF  }
tec
execute0_lowered:
.L_overlay_start_1:
0x0: {  	(tag) =	ssettag $0x1  }
0x1: {  	s0 =	rddreg [dreg:$0x0]  }
0x2: {  	s1 =	rddreg [dreg:$0x1]  }
0x3: {  	s3 =	srdreg.scid;
	s12 =	stileid.u32  }
0x4: {  	s2 =	rddreg [dreg:$0x2];
	s5 =	sand.u32 $0x1, s3;
	s4 =	smul.u32 $0x278, s12  }
0x5: {  	s3 =	simm.s32 $0x0;
	s7 =	sadd.s32 $0xA1E00, s0;
	s9 =	smul.u32 $0x4F000, s12  }
0x6: {  	s13 =	sshll.u32 s12, $0x1;
	s26 =	smul.u32 $0x280000, s12;
	s8 =	ssub.s32 $0x2, s5  }
0x7: {  	s6 =	smul.u32 $0x2780, s5;
	[smem:$0x7FF] =	sst s3;
	s14 =	sshrl.u32 s8, $0x1  }
0x8: {  	_ =	strace $0x80000047;
	s8 =	ssub.s32 s8, s14;
	s14 =	smul.u32 $0x140000, s5  }
0x9: {  	s4 =	sadd.s32 s4, s6;
	s6 =	sor.u32 s5, s13;
	s5 =	smul.u32 $0x28000, s5  }
0xa: {  	s15 =	sshrl.u32 s9, $0x2;
	s4 =	sshll.u32 s4, $0x4;
	s10 =	smul.u32 $0x2800, s6  }
0xb: {  	s6 =	smul.u32 $0x28000, s6;
	s8 =	smax.u32 s8, $0x1;
	s0 =	sadd.s32 s4, s0  }
0xc: {  	s4 =	sadd.s32 s15, s2;
	[dreg:$0x12] =	wrdreg s8;
	s16 =	sshrl.u32 s10, $0x3  }
0xd: {  	s11 =	sadd.s32 $0x800, s10;
	s19 =	sadd.s32 $0x1000, s10;
	s22 =	sadd.s32 $0x1800, s10  }
0xe: {  	s6 =	sadd.s32 s7, s6;
	s25 =	sadd.s32 $0x5A1E00, s0;
	s13 =	sadd.s32 $0x5A2600, s0  }
0xf: {  	s10 =	sadd.s32 $0x2000, s10;
	s15 =	sadd.s32 $0x5A2E00, s0;
	s28 =	sadd.s32 $0x4000, s4  }
0x10: {  	s29 =	sadd.s32 $0x8000, s4;
	s30 =	sadd.s32 $0xC000, s4;
	s31 =	sadd.s32 $0x10000, s4  }
0x11: {  	s9 =	sadd.s32 s1, s16;
	s17 =	sshrl.u32 s11, $0x3;
	s18 =	sshll.u32 s11, $0x4  }
0x12: {  	s20 =	sshrl.u32 s19, $0x3;
	s11 =	sshll.u32 s19, $0x4;
	[dreg:$0xc] =	wrdreg s25  }
0x13: {  	s23 =	sshrl.u32 s22, $0x3;
	s24 =	sshrl.u32 s10, $0x3;
	[dreg:$0xd] =	wrdreg s13  }
0x14: {  	[dreg:$0xf] =	wrdreg s15;
	s16 =	smul.u32 $0x50000, s12;
	s8 =	sadd.s32 $0x27800, s6  }
0x15: {  	s12 =	simm.s32 $0x4800;
	[dreg:$0x4] =	wrdreg s9;
	s9 =	sadd.s32 s1, s17  }
0x16: {  	s13 =	simm.s32 $0x80;
	s21 =	sadd.s32 s7, s11;
	[dreg:$0x5] =	wrdreg s9  }
0x17: {  	s15 =	simm.s32 $0x700;
	s11 =	sadd.s32 s1, s23;
	[dreg:$0x8] =	wrdreg s21  }
0x18: {  	s17 =	sadd.s32 $0x5A3600, s0;
	s0 =	sadd.s32 $0x5A3E00, s0;
	[dreg:$0x9] =	wrdreg s11  }
0x19: {  	s9 =	sadd.s32 s7, s18;
	s11 =	sshll.u32 s10, $0x4;
	[dreg:$0x10] =	wrdreg s17  }
0x1a: {  	[dreg:$0x11] =	wrdreg s0;
	s19 =	sadd.s32 s16, s7;
	s10 =	simm.s32 $0x3  }
0x1b: {  	s16 =	simm.s32 $0x780;
	[dreg:$0x6] =	wrdreg s9;
	s9 =	sadd.s32 s1, s20  }
0x1c: {  	s17 =	simm.s32 $0x0;
	s1 =	sadd.s32 s1, s24;
	[dreg:$0x7] =	wrdreg s9  }
0x1d: {  	s20 =	sadd.s32 $0x7800, s6;
	s9 =	sshll.u32 s22, $0x4;
	[dreg:$0xb] =	wrdreg s1  }
0x1e: {  	s1 =	sadd.s32 s14, s26;
	[dreg:$0x13] =	wrdreg s20;
	s14 =	simm.s32 $0x2  }
0x1f: {  	s9 =	sadd.s32 s7, s9;
	s18 =	sor.u32 $0x8000, s1;
	s1 =	sadd.s32 s5, s19  }
0x20: {  	s5 =	sadd.s32 $0x17800, s6;
	[dreg:$0xa] =	wrdreg s9;
	s9 =	sadd.s32 s7, s11  }
0x21: {  	s0 =	sshrl.u32 s18, $0x3;
	s22 =	sadd.s32 $0x800, s1;
	s23 =	sadd.s32 $0x9000, s1  }
0x22: {  	s24 =	sadd.s32 $0x11000, s1;
	s25 =	sadd.s32 $0x19000, s1;
	s26 =	sadd.s32 $0x21000, s1  }
0x23: {  	s11 =	simm.s32 $0x1;
	[dreg:$0xe] =	wrdreg s9;
	s21 =	sadd.s32 s0, s7  }
0x24: {  	v0 =	vimm.f32 $0.0e+00;
	s0 =	sadd.s32 $0xF800, s6;
	s7 =	sadd.s32 $0x1F800, s6;
	s9 =	simm.s32 $0x800  }
.LBB2_1:
0x25: {  	s18 =	simm.s32 $0x0;
	s19 =	simm.s32 $0x200  }
.LBB2_2:
0x26: {  	p0 =	sne.s32 s19, $0xFE00;
	[tilespmem:s18+$0x870] =	vst v0  }
0x27: {  	[tilespmem:s18+$0x800] =	vst v0  }
0x28: {  	[tilespmem:s18+$0x810] =	vst v0  }
.Ltmp0:
0x29: {  	[tilespmem:s18+$0x820] =	vst v0;
	(pc) =	sbr.rel @p0 .LBB2_2-.Ltmp0, $4  }
0x2a: {  	[tilespmem:s18+$0x830] =	vst v0  }
0x2b: {  	[tilespmem:s18+$0x840] =	vst v0  }
0x2c: {  	[tilespmem:s18+$0x850] =	vst v0  }
0x2d: {  	[tilespmem:s18+$0x860] =	vst v0;
	s18 =	sshra.s32 s19, $0x2;
	s19 =	sadd.s32 $0x200, s19  }
0x2e: {  	[tilespmem:s18+$0x870] =	vst v0  }
0x2f: {  	[tilespmem:s18+$0x800] =	vst v0  }
0x30: {  	[tilespmem:s18+$0x810] =	vst v0  }
0x31: {  	[tilespmem:s18+$0x820] =	vst v0  }
0x32: {  	[tilespmem:s18+$0x830] =	vst v0  }
0x33: {  	[tilespmem:s18+$0x840] =	vst v0  }
0x34: {  	[tilespmem:s18+$0x850] =	vst v0  }
0x35: {  	[tilespmem:s18+$0x860] =	vst v0  }
0x36: {  	[spmem:s4] =	stream.linear.scatter [tilespmem:s9], [sflag:$0x3], $0x4000, $0x38;
	[tilespmem:$0x1C400] =	vst v63  }
0x37: {  	_ =	swait.ge [sflag:s10], $0x4000  }
0x38: {  	[sflag:s10] =	ssyncset.done $0x0  }
0x39: {  	[sflag:s10] =	ssyncadd.s32 $0xFFFFC000  }
0x3a: {  	[spmem:s28] =	stream.linear.scatter [tilespmem:s9], [sflag:$0x3], $0x4000, $0x38;
	[tilespmem:$0x1C400] =	vst v63  }
0x3b: {  	_ =	swait.ge [sflag:s10], $0x4000  }
0x3c: {  	[sflag:s10] =	ssyncset.done $0x0  }
0x3d: {  	[sflag:s10] =	ssyncadd.s32 $0xFFFFC000  }
0x3e: {  	[spmem:s29] =	stream.linear.scatter [tilespmem:s9], [sflag:$0x3], $0x4000, $0x38;
	[tilespmem:$0x1C400] =	vst v63  }
0x3f: {  	_ =	swait.ge [sflag:s10], $0x4000  }
0x40: {  	[sflag:s10] =	ssyncset.done $0x0  }
0x41: {  	[sflag:s10] =	ssyncadd.s32 $0xFFFFC000  }
0x42: {  	[spmem:s30] =	stream.linear.scatter [tilespmem:s9], [sflag:$0x3], $0x4000, $0x38;
	[tilespmem:$0x1C400] =	vst v63  }
0x43: {  	_ =	swait.ge [sflag:s10], $0x4000  }
0x44: {  	[sflag:s10] =	ssyncset.done $0x0  }
0x45: {  	[sflag:s10] =	ssyncadd.s32 $0xFFFFC000  }
0x46: {  	[spmem:s31] =	stream.linear.scatter [tilespmem:s9], [sflag:$0x3], $0x3C00, $0x38;
	[tilespmem:$0x1C400] =	vst v63  }
0x47: {  	_ =	swait.ge [sflag:s10], $0x3C00  }
0x48: {  	[sflag:s10] =	ssyncset.done $0x0  }
0x49: {  	[sflag:s10] =	ssyncadd.s32 $0xFFFFC400  }
0x4a: {  	[bflag:$0x0] =	sbarrier.arrive $0xFFFF  }
0x4b: {  	s18 =	simm.s32 $0x0;
	s1 =	rddreg [dreg:$0x4]  }
0x4c: {  	[tilespmem:s18], [sflag:$0x3] =	stream.linear.gather [hbm4b:s1+s18], $0x800, $0x38;
	[tilespmem:$0x1C400] =	vst v63  }
0x4d: {  	_ =	swait.ge [sflag:s10], $0x800  }
0x4e: {  	[sflag:s10] =	ssyncset.done $0x0  }
0x4f: {  	[sflag:s10] =	ssyncadd.s32 $0xFFFFF800  }
0x50: {  	[tilespmem:s9], [sflag:$0x1] =	stream.linear.gather [hbm4b:s6+s18], $0x4000, $0x38;
	[tilespmem:$0x1C400] =	vst v63  }
0x51: {  	_ =	swait.ge [sflag:s11], $0x4000  }
0x52: {  	[sflag:s11] =	ssyncset.done $0x0  }
0x53: {  	s19 =	sadd.s32 $0x0, s22;
	[sflag:s11] =	ssyncadd.s32 $0xFFFFC000  }
0x54: {  	[tilespmem:s12], [sflag:$0x2] =	stream.linear.gather [hbm4b:s19+s3], $0x4000, $0x38;
	[tilespmem:$0x1C400] =	vst v63  }
0x55: {  	_ = 	snop  }
0x56: {  	[spmem:s2] =	stream.indirect.scatter.add.f32 [tilespmem:s9], [sflag:$0x3], $0x80, s18, s13, $0xb8;
	[tilespmem:$0x1C400] =	vst v63  }
0x57: {  	_ =	swait.ge [sflag:s10], $0x4000  }
0x58: {  	[sflag:s10] =	ssyncset.done $0x0  }
0x59: {  	[sflag:s10] =	ssyncadd.s32 $0xFFFFC000  }
0x5a: {  	_ =	swait.ge [sflag:s14], $0x4000  }
0x5b: {  	[sflag:s14] =	ssyncset.done $0x0  }
0x5c: {  	s1 =	sadd.s32 $0x0, s21;
	[sflag:s14] =	ssyncadd.s32 $0xFFFFC000  }
0x5d: {  	[tilespmem:s9], [sflag:$0x1] =	stream.linear.gather [hbm4b:s1+s3], $0x4000, $0x38;
	[tilespmem:$0x1C400] =	vst v63  }
0x5e: {  	s20 =	simm.s32 $0x80  }
0x5f: {  	[spmem:s2] =	stream.indirect.scatter.add.f32 [tilespmem:s12], [sflag:$0x3], $0x80, s20, s13, $0xb8;
	[tilespmem:$0x1C400] =	vst v63  }
0x60: {  	_ =	swait.ge [sflag:s10], $0x4000  }
0x61: {  	s19 =	simm.s32 $0x1000;
	[sflag:s10] =	ssyncset.done $0x0  }
.LBB2_4:
0x62: {  	p0 =	sne.s32 s19, $0x6000;
	[sflag:s10] =	ssyncadd.s32 $0xFFFFC000;
	s18 =	sadd.s32 $0x100, s18  }
0x63: {  	s20 =	smov.u32 s19;
	s19 =	sadd.s32 $0x1000, s19  }
0x64: {  	_ =	swait.ge [sflag:s11], $0x4000  }
0x65: {  	[sflag:s11] =	ssyncset.done $0x0  }
0x66: {  	s1 =	sadd.s32 s20, s22;
	[sflag:s11] =	ssyncadd.s32 $0xFFFFC000  }
0x67: {  	[tilespmem:s12], [sflag:$0x2] =	stream.linear.gather [hbm4b:s1+s3], $0x4000, $0x38;
	[tilespmem:$0x1C400] =	vst v63  }
0x68: {  	_ = 	snop  }
0x69: {  	[spmem:s2] =	stream.indirect.scatter.add.f32 [tilespmem:s9], [sflag:$0x3], $0x80, s18, s13, $0xb8;
	[tilespmem:$0x1C400] =	vst v63  }
0x6a: {  	_ =	swait.ge [sflag:s10], $0x4000  }
0x6b: {  	[sflag:s10] =	ssyncset.done $0x0  }
0x6c: {  	[sflag:s10] =	ssyncadd.s32 $0xFFFFC000  }
0x6d: {  	_ =	swait.ge [sflag:s14], $0x4000  }
0x6e: {  	[sflag:s14] =	ssyncset.done $0x0  }
0x6f: {  	s1 =	sadd.s32 s20, s21;
	[sflag:s14] =	ssyncadd.s32 $0xFFFFC000  }
0x70: {  	[tilespmem:s9], [sflag:$0x1] =	stream.linear.gather [hbm4b:s1+s3], $0x4000, $0x38;
	[tilespmem:$0x1C400] =	vst v63  }
.Ltmp1:
0x71: {  	_ = 	snop;
	(pc) =	sbr.rel @p0 .LBB2_4-.Ltmp1, $4  }
0x72: {  	s1 =	sadd.s32 $0x80, s18  }
0x73: {  	[spmem:s2] =	stream.indirect.scatter.add.f32 [tilespmem:s12], [sflag:$0x3], $0x80, s1, s13, $0xb8;
	[tilespmem:$0x1C400] =	vst v63  }
0x74: {  	_ =	swait.ge [sflag:s10], $0x4000  }
0x75: {  	[sflag:s10] =	ssyncset.done $0x0  }
0x76: {  	[sflag:s10] =	ssyncadd.s32 $0xFFFFC000  }
0x77: {  	_ =	swait.ge [sflag:s11], $0x4000  }
0x78: {  	[sflag:s11] =	ssyncset.done $0x0  }
0x79: {  	s1 =	simm.s32 $0x0;
	s18 =	rddreg [dreg:$0x13];
	[sflag:s11] =	ssyncadd.s32 $0xFFFFC000  }
0x7a: {  	[tilespmem:s12], [sflag:$0x2] =	stream.linear.gather [hbm4b:s18+s1], $0x4000, $0x38;
	[tilespmem:$0x1C400] =	vst v63  }
0x7b: {  	_ = 	snop  }
0x7c: {  	[spmem:s2] =	stream.indirect.scatter.add.f32 [tilespmem:s9], [sflag:$0x3], $0x80, s15, s13, $0xb8;
	[tilespmem:$0x1C400] =	vst v63  }
0x7d: {  	_ =	swait.ge [sflag:s10], $0x4000  }
0x7e: {  	[sflag:s10] =	ssyncset.done $0x0  }
0x7f: {  	[sflag:s10] =	ssyncadd.s32 $0xFFFFC000  }
0x80: {  	_ =	swait.ge [sflag:s14], $0x4000  }
0x81: {  	[sflag:s14] =	ssyncset.done $0x0  }
0x82: {  	[sflag:s14] =	ssyncadd.s32 $0xFFFFC000  }
0x83: {  	[spmem:s2] =	stream.indirect.scatter.add.f32 [tilespmem:s12], [sflag:$0x3], $0x80, s16, s13, $0xb8;
	[tilespmem:$0x1C400] =	vst v63  }
0x84: {  	_ =	swait.ge [sflag:s10], $0x4000  }
0x85: {  	[sflag:s10] =	ssyncset.done $0x0  }
0x86: {  	s19 =	rddreg [dreg:$0x5];
	[sflag:s10] =	ssyncadd.s32 $0xFFFFC000  }
0x87: {  	[tilespmem:s1], [sflag:$0x3] =	stream.linear.gather [hbm4b:s19+s1], $0x800, $0x38;
	[tilespmem:$0x1C400] =	vst v63  }
0x88: {  	_ =	swait.ge [sflag:s10], $0x800  }
0x89: {  	[sflag:s10] =	ssyncset.done $0x0  }
0x8a: {  	s20 =	rddreg [dreg:$0x6];
	[sflag:s10] =	ssyncadd.s32 $0xFFFFF800  }
0x8b: {  	[tilespmem:s9], [sflag:$0x1] =	stream.linear.gather [hbm4b:s20+s1], $0x4000, $0x38;
	[tilespmem:$0x1C400] =	vst v63  }
0x8c: {  	_ =	swait.ge [sflag:s11], $0x4000  }
0x8d: {  	[sflag:s11] =	ssyncset.done $0x0  }
0x8e: {  	s18 =	sadd.s32 $0xFFFFF800, s23;
	[sflag:s11] =	ssyncadd.s32 $0xFFFFC000  }
0x8f: {  	[tilespmem:s12], [sflag:$0x2] =	stream.linear.gather [hbm4b:s18+s3], $0x4000, $0x38;
	[tilespmem:$0x1C400] =	vst v63  }
0x90: {  	s19 =	simm.s32 $0x0  }
0x91: {  	[spmem:s2] =	stream.indirect.scatter.add.f32 [tilespmem:s9], [sflag:$0x3], $0x80, s19, s13, $0xb8;
	[tilespmem:$0x1C400] =	vst v63  }
0x92: {  	_ =	swait.ge [sflag:s10], $0x4000  }
0x93: {  	[sflag:s10] =	ssyncset.done $0x0  }
0x94: {  	[sflag:s10] =	ssyncadd.s32 $0xFFFFC000  }
0x95: {  	_ =	swait.ge [sflag:s14], $0x4000  }
0x96: {  	[sflag:s14] =	ssyncset.done $0x0  }
0x97: {  	[sflag:s14] =	ssyncadd.s32 $0xFFFFC000  }
0x98: {  	[tilespmem:s9], [sflag:$0x1] =	stream.linear.gather [hbm4b:s23+s3], $0x4000, $0x38;
	[tilespmem:$0x1C400] =	vst v63  }
0x99: {  	s20 =	simm.s32 $0x80  }
0x9a: {  	[spmem:s2] =	stream.indirect.scatter.add.f32 [tilespmem:s12], [sflag:$0x3], $0x80, s20, s13, $0xb8;
	[tilespmem:$0x1C400] =	vst v63  }
0x9b: {  	_ =	swait.ge [sflag:s10], $0x4000  }
0x9c: {  	s18 =	simm.s32 $0x400;
	s19 =	smov.u32 s23;
	[sflag:s10] =	ssyncset.done $0x0  }
.LBB2_6:
0x9d: {  	p0 =	sne.s32 s18, $0x1800;
	[sflag:s10] =	ssyncadd.s32 $0xFFFFC000;
	s19 =	sadd.s32 $0x1000, s19  }
0x9e: {  	s1 =	smov.u32 s18;
	s18 =	sadd.s32 $0x400, s18  }
0x9f: {  	_ =	swait.ge [sflag:s11], $0x4000  }
0xa0: {  	[sflag:s11] =	ssyncset.done $0x0  }
0xa1: {  	s20 =	sadd.s32 $0xFFFFF800, s19;
	[sflag:s11] =	ssyncadd.s32 $0xFFFFC000  }
0xa2: {  	[tilespmem:s12], [sflag:$0x2] =	stream.linear.gather [hbm4b:s20+s3], $0x4000, $0x38;
	[tilespmem:$0x1C400] =	vst v63  }
0xa3: {  	s1 =	sshra.s32 s1, $0x2  }
0xa4: {  	[spmem:s2] =	stream.indirect.scatter.add.f32 [tilespmem:s9], [sflag:$0x3], $0x80, s1, s13, $0xb8;
	[tilespmem:$0x1C400] =	vst v63  }
0xa5: {  	_ =	swait.ge [sflag:s10], $0x4000  }
0xa6: {  	[sflag:s10] =	ssyncset.done $0x0  }
0xa7: {  	[sflag:s10] =	ssyncadd.s32 $0xFFFFC000  }
0xa8: {  	_ =	swait.ge [sflag:s14], $0x4000  }
0xa9: {  	[sflag:s14] =	ssyncset.done $0x0  }
0xaa: {  	[sflag:s14] =	ssyncadd.s32 $0xFFFFC000  }
0xab: {  	[tilespmem:s9], [sflag:$0x1] =	stream.linear.gather [hbm4b:s19+s3], $0x4000, $0x38;
	[tilespmem:$0x1C400] =	vst v63  }
.Ltmp2:
0xac: {  	_ = 	snop;
	(pc) =	sbr.rel @p0 .LBB2_6-.Ltmp2, $4  }
0xad: {  	s1 =	sadd.s32 $0x80, s1  }
0xae: {  	[spmem:s2] =	stream.indirect.scatter.add.f32 [tilespmem:s12], [sflag:$0x3], $0x80, s1, s13, $0xb8;
	[tilespmem:$0x1C400] =	vst v63  }
0xaf: {  	_ =	swait.ge [sflag:s10], $0x4000  }
0xb0: {  	[sflag:s10] =	ssyncset.done $0x0  }
0xb1: {  	[sflag:s10] =	ssyncadd.s32 $0xFFFFC000  }
0xb2: {  	_ =	swait.ge [sflag:s11], $0x4000  }
0xb3: {  	[sflag:s11] =	ssyncset.done $0x0  }
0xb4: {  	s1 =	simm.s32 $0x0;
	[sflag:s11] =	ssyncadd.s32 $0xFFFFC000  }
0xb5: {  	[tilespmem:s12], [sflag:$0x2] =	stream.linear.gather [hbm4b:s0+s1], $0x4000, $0x38;
	[tilespmem:$0x1C400] =	vst v63  }
0xb6: {  	_ = 	snop  }
0xb7: {  	[spmem:s2] =	stream.indirect.scatter.add.f32 [tilespmem:s9], [sflag:$0x3], $0x80, s15, s13, $0xb8;
	[tilespmem:$0x1C400] =	vst v63  }
0xb8: {  	_ =	swait.ge [sflag:s10], $0x4000  }
0xb9: {  	[sflag:s10] =	ssyncset.done $0x0  }
0xba: {  	[sflag:s10] =	ssyncadd.s32 $0xFFFFC000  }
0xbb: {  	_ =	swait.ge [sflag:s14], $0x4000  }
0xbc: {  	[sflag:s14] =	ssyncset.done $0x0  }
0xbd: {  	[sflag:s14] =	ssyncadd.s32 $0xFFFFC000  }
0xbe: {  	[spmem:s2] =	stream.indirect.scatter.add.f32 [tilespmem:s12], [sflag:$0x3], $0x80, s16, s13, $0xb8;
	[tilespmem:$0x1C400] =	vst v63  }
0xbf: {  	_ =	swait.ge [sflag:s10], $0x4000  }
0xc0: {  	[sflag:s10] =	ssyncset.done $0x0  }
0xc1: {  	s18 =	rddreg [dreg:$0x7];
	[sflag:s10] =	ssyncadd.s32 $0xFFFFC000  }
0xc2: {  	[tilespmem:s1], [sflag:$0x3] =	stream.linear.gather [hbm4b:s18+s1], $0x800, $0x38;
	[tilespmem:$0x1C400] =	vst v63  }
0xc3: {  	_ =	swait.ge [sflag:s10], $0x800  }
0xc4: {  	[sflag:s10] =	ssyncset.done $0x0  }
0xc5: {  	s20 =	rddreg [dreg:$0x8];
	[sflag:s10] =	ssyncadd.s32 $0xFFFFF800  }
0xc6: {  	[tilespmem:s9], [sflag:$0x1] =	stream.linear.gather [hbm4b:s20+s1], $0x4000, $0x38;
	[tilespmem:$0x1C400] =	vst v63  }
0xc7: {  	_ =	swait.ge [sflag:s11], $0x4000  }
0xc8: {  	[sflag:s11] =	ssyncset.done $0x0  }
0xc9: {  	s18 =	sadd.s32 $0xFFFFF800, s24;
	[sflag:s11] =	ssyncadd.s32 $0xFFFFC000  }
0xca: {  	[tilespmem:s12], [sflag:$0x2] =	stream.linear.gather [hbm4b:s18+s3], $0x4000, $0x38;
	[tilespmem:$0x1C400] =	vst v63  }
0xcb: {  	s19 =	simm.s32 $0x0  }
0xcc: {  	[spmem:s2] =	stream.indirect.scatter.add.f32 [tilespmem:s9], [sflag:$0x3], $0x80, s19, s13, $0xb8;
	[tilespmem:$0x1C400] =	vst v63  }
0xcd: {  	_ =	swait.ge [sflag:s10], $0x4000  }
0xce: {  	[sflag:s10] =	ssyncset.done $0x0  }
0xcf: {  	[sflag:s10] =	ssyncadd.s32 $0xFFFFC000  }
0xd0: {  	_ =	swait.ge [sflag:s14], $0x4000  }
0xd1: {  	[sflag:s14] =	ssyncset.done $0x0  }
0xd2: {  	[sflag:s14] =	ssyncadd.s32 $0xFFFFC000  }
0xd3: {  	[tilespmem:s9], [sflag:$0x1] =	stream.linear.gather [hbm4b:s24+s3], $0x4000, $0x38;
	[tilespmem:$0x1C400] =	vst v63  }
0xd4: {  	s20 =	simm.s32 $0x80  }
0xd5: {  	[spmem:s2] =	stream.indirect.scatter.add.f32 [tilespmem:s12], [sflag:$0x3], $0x80, s20, s13, $0xb8;
	[tilespmem:$0x1C400] =	vst v63  }
0xd6: {  	_ =	swait.ge [sflag:s10], $0x4000  }
0xd7: {  	s18 =	simm.s32 $0x400;
	s19 =	smov.u32 s24;
	[sflag:s10] =	ssyncset.done $0x0  }
.LBB2_8:
0xd8: {  	p0 =	sne.s32 s18, $0x1800;
	[sflag:s10] =	ssyncadd.s32 $0xFFFFC000;
	s19 =	sadd.s32 $0x1000, s19  }
0xd9: {  	s1 =	smov.u32 s18;
	s18 =	sadd.s32 $0x400, s18  }
0xda: {  	_ =	swait.ge [sflag:s11], $0x4000  }
0xdb: {  	[sflag:s11] =	ssyncset.done $0x0  }
0xdc: {  	s20 =	sadd.s32 $0xFFFFF800, s19;
	[sflag:s11] =	ssyncadd.s32 $0xFFFFC000  }
0xdd: {  	[tilespmem:s12], [sflag:$0x2] =	stream.linear.gather [hbm4b:s20+s3], $0x4000, $0x38;
	[tilespmem:$0x1C400] =	vst v63  }
0xde: {  	s1 =	sshra.s32 s1, $0x2  }
0xdf: {  	[spmem:s2] =	stream.indirect.scatter.add.f32 [tilespmem:s9], [sflag:$0x3], $0x80, s1, s13, $0xb8;
	[tilespmem:$0x1C400] =	vst v63  }
0xe0: {  	_ =	swait.ge [sflag:s10], $0x4000  }
0xe1: {  	[sflag:s10] =	ssyncset.done $0x0  }
0xe2: {  	[sflag:s10] =	ssyncadd.s32 $0xFFFFC000  }
0xe3: {  	_ =	swait.ge [sflag:s14], $0x4000  }
0xe4: {  	[sflag:s14] =	ssyncset.done $0x0  }
0xe5: {  	[sflag:s14] =	ssyncadd.s32 $0xFFFFC000  }
0xe6: {  	[tilespmem:s9], [sflag:$0x1] =	stream.linear.gather [hbm4b:s19+s3], $0x4000, $0x38;
	[tilespmem:$0x1C400] =	vst v63  }
.Ltmp3:
0xe7: {  	_ = 	snop;
	(pc) =	sbr.rel @p0 .LBB2_8-.Ltmp3, $4  }
0xe8: {  	s1 =	sadd.s32 $0x80, s1  }
0xe9: {  	[spmem:s2] =	stream.indirect.scatter.add.f32 [tilespmem:s12], [sflag:$0x3], $0x80, s1, s13, $0xb8;
	[tilespmem:$0x1C400] =	vst v63  }
0xea: {  	_ =	swait.ge [sflag:s10], $0x4000  }
0xeb: {  	[sflag:s10] =	ssyncset.done $0x0  }
0xec: {  	[sflag:s10] =	ssyncadd.s32 $0xFFFFC000  }
0xed: {  	_ =	swait.ge [sflag:s11], $0x4000  }
0xee: {  	[sflag:s11] =	ssyncset.done $0x0  }
0xef: {  	s1 =	simm.s32 $0x0;
	[sflag:s11] =	ssyncadd.s32 $0xFFFFC000  }
0xf0: {  	[tilespmem:s12], [sflag:$0x2] =	stream.linear.gather [hbm4b:s5+s1], $0x4000, $0x38;
	[tilespmem:$0x1C400] =	vst v63  }
0xf1: {  	_ = 	snop  }
0xf2: {  	[spmem:s2] =	stream.indirect.scatter.add.f32 [tilespmem:s9], [sflag:$0x3], $0x80, s15, s13, $0xb8;
	[tilespmem:$0x1C400] =	vst v63  }
0xf3: {  	_ =	swait.ge [sflag:s10], $0x4000  }
0xf4: {  	[sflag:s10] =	ssyncset.done $0x0  }
0xf5: {  	[sflag:s10] =	ssyncadd.s32 $0xFFFFC000  }
0xf6: {  	_ =	swait.ge [sflag:s14], $0x4000  }
0xf7: {  	[sflag:s14] =	ssyncset.done $0x0  }
0xf8: {  	[sflag:s14] =	ssyncadd.s32 $0xFFFFC000  }
0xf9: {  	[spmem:s2] =	stream.indirect.scatter.add.f32 [tilespmem:s12], [sflag:$0x3], $0x80, s16, s13, $0xb8;
	[tilespmem:$0x1C400] =	vst v63  }
0xfa: {  	_ =	swait.ge [sflag:s10], $0x4000  }
0xfb: {  	[sflag:s10] =	ssyncset.done $0x0  }
0xfc: {  	s18 =	rddreg [dreg:$0x9];
	[sflag:s10] =	ssyncadd.s32 $0xFFFFC000  }
0xfd: {  	[tilespmem:s1], [sflag:$0x3] =	stream.linear.gather [hbm4b:s18+s1], $0x800, $0x38;
	[tilespmem:$0x1C400] =	vst v63  }
0xfe: {  	_ =	swait.ge [sflag:s10], $0x800  }
0xff: {  	[sflag:s10] =	ssyncset.done $0x0  }
0x100: {  	s20 =	rddreg [dreg:$0xa];
	[sflag:s10] =	ssyncadd.s32 $0xFFFFF800  }
0x101: {  	[tilespmem:s9], [sflag:$0x1] =	stream.linear.gather [hbm4b:s20+s1], $0x4000, $0x38;
	[tilespmem:$0x1C400] =	vst v63  }
0x102: {  	_ =	swait.ge [sflag:s11], $0x4000  }
0x103: {  	[sflag:s11] =	ssyncset.done $0x0  }
0x104: {  	s18 =	sadd.s32 $0xFFFFF800, s25;
	[sflag:s11] =	ssyncadd.s32 $0xFFFFC000  }
0x105: {  	[tilespmem:s12], [sflag:$0x2] =	stream.linear.gather [hbm4b:s18+s3], $0x4000, $0x38;
	[tilespmem:$0x1C400] =	vst v63  }
0x106: {  	s19 =	simm.s32 $0x0  }
0x107: {  	[spmem:s2] =	stream.indirect.scatter.add.f32 [tilespmem:s9], [sflag:$0x3], $0x80, s19, s13, $0xb8;
	[tilespmem:$0x1C400] =	vst v63  }
0x108: {  	_ =	swait.ge [sflag:s10], $0x4000  }
0x109: {  	[sflag:s10] =	ssyncset.done $0x0  }
0x10a: {  	[sflag:s10] =	ssyncadd.s32 $0xFFFFC000  }
0x10b: {  	_ =	swait.ge [sflag:s14], $0x4000  }
0x10c: {  	[sflag:s14] =	ssyncset.done $0x0  }
0x10d: {  	[sflag:s14] =	ssyncadd.s32 $0xFFFFC000  }
0x10e: {  	[tilespmem:s9], [sflag:$0x1] =	stream.linear.gather [hbm4b:s25+s3], $0x4000, $0x38;
	[tilespmem:$0x1C400] =	vst v63  }
0x10f: {  	s20 =	simm.s32 $0x80  }
0x110: {  	[spmem:s2] =	stream.indirect.scatter.add.f32 [tilespmem:s12], [sflag:$0x3], $0x80, s20, s13, $0xb8;
	[tilespmem:$0x1C400] =	vst v63  }
0x111: {  	_ =	swait.ge [sflag:s10], $0x4000  }
0x112: {  	s18 =	simm.s32 $0x400;
	s19 =	smov.u32 s25;
	[sflag:s10] =	ssyncset.done $0x0  }
.LBB2_10:
0x113: {  	p0 =	sne.s32 s18, $0x1800;
	[sflag:s10] =	ssyncadd.s32 $0xFFFFC000;
	s19 =	sadd.s32 $0x1000, s19  }
0x114: {  	s1 =	smov.u32 s18;
	s18 =	sadd.s32 $0x400, s18  }
0x115: {  	_ =	swait.ge [sflag:s11], $0x4000  }
0x116: {  	[sflag:s11] =	ssyncset.done $0x0  }
0x117: {  	s20 =	sadd.s32 $0xFFFFF800, s19;
	[sflag:s11] =	ssyncadd.s32 $0xFFFFC000  }
0x118: {  	[tilespmem:s12], [sflag:$0x2] =	stream.linear.gather [hbm4b:s20+s3], $0x4000, $0x38;
	[tilespmem:$0x1C400] =	vst v63  }
0x119: {  	s1 =	sshra.s32 s1, $0x2  }
0x11a: {  	[spmem:s2] =	stream.indirect.scatter.add.f32 [tilespmem:s9], [sflag:$0x3], $0x80, s1, s13, $0xb8;
	[tilespmem:$0x1C400] =	vst v63  }
0x11b: {  	_ =	swait.ge [sflag:s10], $0x4000  }
0x11c: {  	[sflag:s10] =	ssyncset.done $0x0  }
0x11d: {  	[sflag:s10] =	ssyncadd.s32 $0xFFFFC000  }
0x11e: {  	_ =	swait.ge [sflag:s14], $0x4000  }
0x11f: {  	[sflag:s14] =	ssyncset.done $0x0  }
0x120: {  	[sflag:s14] =	ssyncadd.s32 $0xFFFFC000  }
0x121: {  	[tilespmem:s9], [sflag:$0x1] =	stream.linear.gather [hbm4b:s19+s3], $0x4000, $0x38;
	[tilespmem:$0x1C400] =	vst v63  }
.Ltmp4:
0x122: {  	_ = 	snop;
	(pc) =	sbr.rel @p0 .LBB2_10-.Ltmp4, $4  }
0x123: {  	s1 =	sadd.s32 $0x80, s1  }
0x124: {  	[spmem:s2] =	stream.indirect.scatter.add.f32 [tilespmem:s12], [sflag:$0x3], $0x80, s1, s13, $0xb8;
	[tilespmem:$0x1C400] =	vst v63  }
0x125: {  	_ =	swait.ge [sflag:s10], $0x4000  }
0x126: {  	[sflag:s10] =	ssyncset.done $0x0  }
0x127: {  	[sflag:s10] =	ssyncadd.s32 $0xFFFFC000  }
0x128: {  	_ =	swait.ge [sflag:s11], $0x4000  }
0x129: {  	[sflag:s11] =	ssyncset.done $0x0  }
0x12a: {  	s1 =	simm.s32 $0x0;
	[sflag:s11] =	ssyncadd.s32 $0xFFFFC000  }
0x12b: {  	[tilespmem:s12], [sflag:$0x2] =	stream.linear.gather [hbm4b:s7+s1], $0x4000, $0x38;
	[tilespmem:$0x1C400] =	vst v63  }
0x12c: {  	_ = 	snop  }
0x12d: {  	[spmem:s2] =	stream.indirect.scatter.add.f32 [tilespmem:s9], [sflag:$0x3], $0x80, s15, s13, $0xb8;
	[tilespmem:$0x1C400] =	vst v63  }
0x12e: {  	_ =	swait.ge [sflag:s10], $0x4000  }
0x12f: {  	[sflag:s10] =	ssyncset.done $0x0  }
0x130: {  	[sflag:s10] =	ssyncadd.s32 $0xFFFFC000  }
0x131: {  	_ =	swait.ge [sflag:s14], $0x4000  }
0x132: {  	[sflag:s14] =	ssyncset.done $0x0  }
0x133: {  	[sflag:s14] =	ssyncadd.s32 $0xFFFFC000  }
0x134: {  	[spmem:s2] =	stream.indirect.scatter.add.f32 [tilespmem:s12], [sflag:$0x3], $0x80, s16, s13, $0xb8;
	[tilespmem:$0x1C400] =	vst v63  }
0x135: {  	_ =	swait.ge [sflag:s10], $0x4000  }
0x136: {  	[sflag:s10] =	ssyncset.done $0x0  }
0x137: {  	s18 =	rddreg [dreg:$0xb];
	[sflag:s10] =	ssyncadd.s32 $0xFFFFC000  }
0x138: {  	[tilespmem:s1], [sflag:$0x3] =	stream.linear.gather [hbm4b:s18+s1], $0x800, $0x38;
	[tilespmem:$0x1C400] =	vst v63  }
0x139: {  	_ =	swait.ge [sflag:s10], $0x800  }
0x13a: {  	[sflag:s10] =	ssyncset.done $0x0  }
0x13b: {  	s20 =	rddreg [dreg:$0xe];
	[sflag:s10] =	ssyncadd.s32 $0xFFFFF800  }
0x13c: {  	[tilespmem:s9], [sflag:$0x1] =	stream.linear.gather [hbm4b:s20+s1], $0x4000, $0x38;
	[tilespmem:$0x1C400] =	vst v63  }
0x13d: {  	_ =	swait.ge [sflag:s11], $0x4000  }
0x13e: {  	[sflag:s11] =	ssyncset.done $0x0  }
0x13f: {  	s18 =	sadd.s32 $0xFFFFF800, s26;
	[sflag:s11] =	ssyncadd.s32 $0xFFFFC000  }
0x140: {  	[tilespmem:s12], [sflag:$0x2] =	stream.linear.gather [hbm4b:s18+s3], $0x4000, $0x38;
	[tilespmem:$0x1C400] =	vst v63  }
0x141: {  	s19 =	simm.s32 $0x0  }
0x142: {  	[spmem:s2] =	stream.indirect.scatter.add.f32 [tilespmem:s9], [sflag:$0x3], $0x80, s19, s13, $0xb8;
	[tilespmem:$0x1C400] =	vst v63  }
0x143: {  	_ =	swait.ge [sflag:s10], $0x4000  }
0x144: {  	[sflag:s10] =	ssyncset.done $0x0  }
0x145: {  	[sflag:s10] =	ssyncadd.s32 $0xFFFFC000  }
0x146: {  	_ =	swait.ge [sflag:s14], $0x4000  }
0x147: {  	[sflag:s14] =	ssyncset.done $0x0  }
0x148: {  	[sflag:s14] =	ssyncadd.s32 $0xFFFFC000  }
0x149: {  	[tilespmem:s9], [sflag:$0x1] =	stream.linear.gather [hbm4b:s26+s3], $0x4000, $0x38;
	[tilespmem:$0x1C400] =	vst v63  }
0x14a: {  	s20 =	simm.s32 $0x80  }
0x14b: {  	[spmem:s2] =	stream.indirect.scatter.add.f32 [tilespmem:s12], [sflag:$0x3], $0x80, s20, s13, $0xb8;
	[tilespmem:$0x1C400] =	vst v63  }
0x14c: {  	_ =	swait.ge [sflag:s10], $0x4000  }
0x14d: {  	s18 =	simm.s32 $0x400;
	s19 =	smov.u32 s26;
	[sflag:s10] =	ssyncset.done $0x0  }
.LBB2_12:
0x14e: {  	p0 =	sne.s32 s18, $0x1800;
	[sflag:s10] =	ssyncadd.s32 $0xFFFFC000;
	s19 =	sadd.s32 $0x1000, s19  }
0x14f: {  	s1 =	smov.u32 s18;
	s18 =	sadd.s32 $0x400, s18  }
0x150: {  	_ =	swait.ge [sflag:s11], $0x4000  }
0x151: {  	[sflag:s11] =	ssyncset.done $0x0  }
0x152: {  	s20 =	sadd.s32 $0xFFFFF800, s19;
	[sflag:s11] =	ssyncadd.s32 $0xFFFFC000  }
0x153: {  	[tilespmem:s12], [sflag:$0x2] =	stream.linear.gather [hbm4b:s20+s3], $0x4000, $0x38;
	[tilespmem:$0x1C400] =	vst v63  }
0x154: {  	s1 =	sshra.s32 s1, $0x2  }
0x155: {  	[spmem:s2] =	stream.indirect.scatter.add.f32 [tilespmem:s9], [sflag:$0x3], $0x80, s1, s13, $0xb8;
	[tilespmem:$0x1C400] =	vst v63  }
0x156: {  	_ =	swait.ge [sflag:s10], $0x4000  }
0x157: {  	[sflag:s10] =	ssyncset.done $0x0  }
0x158: {  	[sflag:s10] =	ssyncadd.s32 $0xFFFFC000  }
0x159: {  	_ =	swait.ge [sflag:s14], $0x4000  }
0x15a: {  	[sflag:s14] =	ssyncset.done $0x0  }
0x15b: {  	[sflag:s14] =	ssyncadd.s32 $0xFFFFC000  }
0x15c: {  	[tilespmem:s9], [sflag:$0x1] =	stream.linear.gather [hbm4b:s19+s3], $0x4000, $0x38;
	[tilespmem:$0x1C400] =	vst v63  }
.Ltmp5:
0x15d: {  	_ = 	snop;
	(pc) =	sbr.rel @p0 .LBB2_12-.Ltmp5, $4  }
0x15e: {  	s1 =	sadd.s32 $0x80, s1  }
0x15f: {  	[spmem:s2] =	stream.indirect.scatter.add.f32 [tilespmem:s12], [sflag:$0x3], $0x80, s1, s13, $0xb8;
	[tilespmem:$0x1C400] =	vst v63  }
0x160: {  	_ =	swait.ge [sflag:s10], $0x4000  }
0x161: {  	[sflag:s10] =	ssyncset.done $0x0  }
0x162: {  	[sflag:s10] =	ssyncadd.s32 $0xFFFFC000  }
0x163: {  	_ =	swait.ge [sflag:s11], $0x4000  }
0x164: {  	[sflag:s11] =	ssyncset.done $0x0  }
0x165: {  	[sflag:s11] =	ssyncadd.s32 $0xFFFFC000  }
0x166: {  	[tilespmem:s12], [sflag:$0x2] =	stream.linear.gather [hbm4b:s8+s3], $0x4000, $0x38;
	[tilespmem:$0x1C400] =	vst v63  }
0x167: {  	_ = 	snop  }
0x168: {  	[spmem:s2] =	stream.indirect.scatter.add.f32 [tilespmem:s9], [sflag:$0x3], $0x80, s15, s13, $0xb8;
	[tilespmem:$0x1C400] =	vst v63  }
0x169: {  	_ =	swait.ge [sflag:s10], $0x4000  }
0x16a: {  	[sflag:s10] =	ssyncset.done $0x0  }
0x16b: {  	[sflag:s10] =	ssyncadd.s32 $0xFFFFC000  }
0x16c: {  	_ =	swait.ge [sflag:s14], $0x4000  }
0x16d: {  	[sflag:s14] =	ssyncset.done $0x0  }
0x16e: {  	[sflag:s14] =	ssyncadd.s32 $0xFFFFC000  }
0x16f: {  	[spmem:s2] =	stream.indirect.scatter.add.f32 [tilespmem:s12], [sflag:$0x3], $0x80, s16, s13, $0xb8;
	[tilespmem:$0x1C400] =	vst v63  }
0x170: {  	_ =	swait.ge [sflag:s10], $0x4000  }
0x171: {  	[sflag:s10] =	ssyncset.done $0x0  }
0x172: {  	[sflag:s10] =	ssyncadd.s32 $0xFFFFC000  }
0x173: {  	[bflag:$0x0] =	sbarrier.arrive $0xFFFF  }
0x174: {  	[tilespmem:s12], [sflag:$0x3] =	stream.linear.gather [spmem:s4], $0x4000, $0x38;
	[tilespmem:$0x1C400] =	vst v63  }
0x175: {  	_ =	swait.ge [sflag:s10], $0x4000  }
0x176: {  	[sflag:s10] =	ssyncset.done $0x0  }
0x177: {  	s1 =	rddreg [dreg:$0xc];
	[sflag:s10] =	ssyncadd.s32 $0xFFFFC000  }
0x178: {  	[hbm4b:s1+s3] =	stream.linear.scatter [tilespmem:s12], [sflag:$0x3], $0x4000, $0x38;
	[tilespmem:$0x1C400] =	vst v63  }
0x179: {  	_ =	swait.ge [sflag:s10], $0x4000  }
0x17a: {  	[sflag:s10] =	ssyncset.done $0x0  }
0x17b: {  	[sflag:s10] =	ssyncadd.s32 $0xFFFFC000  }
0x17c: {  	[tilespmem:s12], [sflag:$0x3] =	stream.linear.gather [spmem:s28], $0x4000, $0x38;
	[tilespmem:$0x1C400] =	vst v63  }
0x17d: {  	_ =	swait.ge [sflag:s10], $0x4000  }
0x17e: {  	[sflag:s10] =	ssyncset.done $0x0  }
0x17f: {  	s19 =	rddreg [dreg:$0xd];
	[sflag:s10] =	ssyncadd.s32 $0xFFFFC000  }
0x180: {  	[hbm4b:s19+s3] =	stream.linear.scatter [tilespmem:s12], [sflag:$0x3], $0x4000, $0x38;
	[tilespmem:$0x1C400] =	vst v63  }
0x181: {  	_ =	swait.ge [sflag:s10], $0x4000  }
0x182: {  	[sflag:s10] =	ssyncset.done $0x0  }
0x183: {  	[sflag:s10] =	ssyncadd.s32 $0xFFFFC000  }
0x184: {  	[tilespmem:s12], [sflag:$0x3] =	stream.linear.gather [spmem:s29], $0x4000, $0x38;
	[tilespmem:$0x1C400] =	vst v63  }
0x185: {  	_ =	swait.ge [sflag:s10], $0x4000  }
0x186: {  	[sflag:s10] =	ssyncset.done $0x0  }
0x187: {  	s20 =	rddreg [dreg:$0xf];
	[sflag:s10] =	ssyncadd.s32 $0xFFFFC000  }
0x188: {  	[hbm4b:s20+s3] =	stream.linear.scatter [tilespmem:s12], [sflag:$0x3], $0x4000, $0x38;
	[tilespmem:$0x1C400] =	vst v63  }
0x189: {  	_ =	swait.ge [sflag:s10], $0x4000  }
0x18a: {  	[sflag:s10] =	ssyncset.done $0x0  }
0x18b: {  	[sflag:s10] =	ssyncadd.s32 $0xFFFFC000  }
0x18c: {  	[tilespmem:s12], [sflag:$0x3] =	stream.linear.gather [spmem:s30], $0x4000, $0x38;
	[tilespmem:$0x1C400] =	vst v63  }
0x18d: {  	_ =	swait.ge [sflag:s10], $0x4000  }
0x18e: {  	[sflag:s10] =	ssyncset.done $0x0  }
0x18f: {  	s18 =	rddreg [dreg:$0x10];
	[sflag:s10] =	ssyncadd.s32 $0xFFFFC000  }
0x190: {  	[hbm4b:s18+s3] =	stream.linear.scatter [tilespmem:s12], [sflag:$0x3], $0x4000, $0x38;
	[tilespmem:$0x1C400] =	vst v63  }
0x191: {  	_ =	swait.ge [sflag:s10], $0x4000  }
0x192: {  	[sflag:s10] =	ssyncset.done $0x0  }
0x193: {  	[sflag:s10] =	ssyncadd.s32 $0xFFFFC000  }
0x194: {  	[tilespmem:s12], [sflag:$0x3] =	stream.linear.gather [spmem:s31], $0x3C00, $0x38;
	[tilespmem:$0x1C400] =	vst v63  }
0x195: {  	_ =	swait.ge [sflag:s10], $0x3C00  }
0x196: {  	[sflag:s10] =	ssyncset.done $0x0  }
0x197: {  	s19 =	rddreg [dreg:$0x11];
	[sflag:s10] =	ssyncadd.s32 $0xFFFFC400  }
0x198: {  	[hbm4b:s19+s3] =	stream.linear.scatter [tilespmem:s12], [sflag:$0x3], $0x3C00, $0x38;
	[tilespmem:$0x1C400] =	vst v63  }
0x199: {  	_ =	swait.ge [sflag:s10], $0x3C00  }
0x19a: {  	s17 =	sadd.s32 $0x1, s17;
	s20 =	rddreg [dreg:$0x12]  }
0x19b: {  	p0 =	sne.s32 s17, s20  }
.Ltmp6:
0x19c: {  	_ = 	snop;
	(pc) =	sbr.rel @p0 .LBB2_1-.Ltmp6, $3  }
0x19d: {  	_ =	sdelay $0x1  }
0x19e: {  	[sflag:s10] =	ssyncset.done $0x0  }
0x19f: {  	[sflag:s10] =	ssyncadd.s32 $0xFFFFC400  }
0x1a0: {  	_ =	sfence.sel $0x180000  }
0x1a1: {  	[bflag:$0x0] =	sbarrier.arrive $0xFFFF  }
0x1a2: {  	_ =	strace $0x90000047  }
0x1a3: {  	s0 =	stileid.u32;
	[bflag:$0x2] =	sbarrier.arrive $0xFFFF  }
0x1a4: {  	p0 =	sne.s32 s0, $0x0;
	s0 =	rddreg [dreg:$0x3]  }
0x1a5: {  	s0 =	sadd.s32 @!p0 $0x100000, s0  }
0x1a6: {  	[sflag:s0] =	ssyncadd.tile.s32 @!p0 $0x1;
	_ =	shalt  }
.Lfunc_end2:
_tile_overlayer_lowered:
.L_overlay_start_2:
0x1a7: {  	(tag) =	ssettag $0x2  }
0x1a8: {  	s0 =	rddreg [dreg:$0x0];
	s2 =	stileid.u32  }
0x1a9: {  	s1 =	rddreg [dreg:$0x1];
	p0 =	sne.s32 s2, $0x0  }
0x1aa: {  	s3 =	rddreg [dreg:$0x2];
	[bflag:$0x3] =	sbarrier.arrive $0xFFFF;
	s2 =	simm.s32 @!p0 $0x1C03  }
0x1ab: {  	[timem:s3], [sflag:s2] =	dma.local @!p0 [hbm:s0], s1  }
0x1ac: {  	s0 =	simm.s32 @!p0 $0x3  }
0x1ad: {  	_ =	swait.ge @!p0 [sflag:s0], s1  }
0x1ae: {  	s1 =	ssub.s32 @!p0 $0x0, s1;
	[sflag:s0] =	ssyncset.done @!p0 $0x0  }
0x1af: {  	[sflag:s0] =	ssyncadd.s32 @!p0 s1  }
0x1b0: {  	[bflag:$0x3] =	sbarrier.arrive $0xFFFF  }
0x1b1: {  	_ =	shalt  }

// kernel: kernel.7.cloned.1.call-start
scs
__scs_entry_jumppad:
0x0: {  	(pc) =	sbr.rel $0x88, $3  }
0x1: {  	(tag) =	ssettag $0x0;
	lr =	simm.s32 $0x1  }
0x2: {  	[smem:$0x3F9B] =	sst lr;
	_ =	strace $0xD0000000  }
0x3: {  	_ = 	snop  }
0x4: {  	_ = 	snop  }
0x5: {  	_ = 	snop  }
0x6: {  	_ = 	snop  }
0x7: {  	_ = 	snop  }
__scs_overlays_trampoline_lowered:
0x8: {  	[smem:$0x3FAA] =	sst s0  }
0x9: {  	[smem:$0x3FAB] =	sst s1  }
0xa: {  	[smem:$0x3FAC] =	sst s2  }
0xb: {  	[smem:$0x3FAD] =	sst s3  }
0xc: {  	[smem:$0x3FAE] =	sst s4  }
0xd: {  	[smem:$0x3FAF] =	sst s5  }
0xe: {  	[smem:$0x3FB0] =	sst s6  }
0xf: {  	[smem:$0x3FB1] =	sst s7  }
0x10: {  	[smem:$0x3FB2] =	sst s8  }
0x11: {  	[smem:$0x3FB3] =	sst s9;
	s0 =	simm.s32 @!p0 $0x0  }
0x12: {  	s1 =	sld [smem:$0x3F99];
	s0 =	simm.s32 @p0 $0x1  }
0x13: {  	[smem:$0x3FB4] =	sst s0;
	s0 =	simm.s32 @!p1 $0x0  }
0x14: {  	s2 =	sld [smem:$0x3F98];
	s0 =	simm.s32 @p1 $0x1  }
0x15: {  	[smem:$0x3FB5] =	sst s0;
	s0 =	simm.s32 @!p2 $0x0  }
0x16: {  	s3 =	sld [smem:$0x3FDB];
	s0 =	simm.s32 @p2 $0x1  }
0x17: {  	s4 =	simm.s32 $0x1BF5;
	[smem:$0x3FB7] =	sst s0  }
0x18: {  	s0 =	sld [smem:$0x3F9A];
	_ =	swait.ge [sflag:s4], $0x0  }
0x19: {  	s7 =	sld [smem:$0x3F9B]  }
0x1a: {  	s8 =	sadd.s32 $0xFFFFE003, lr  }
0x1b: {  	s9 =	sadd.s32 $0xFFFFFEF7, lr;
	s5 =	simm.s32 $0xFFFFFFFF;
	p2 =	slt.u32 s8, $0xFFFFF086  }
0x1c: {  	p1 =	slt.u32 s9, $0xF7A;
	s5 =	simm.s32 @!p2 $0x0  }
0x1d: {  	s5 =	simm.s32 @p1 $0x1;
	p0 =	seq.s32 s7, s2  }
0x1e: {  	s7 =	smul.u32 @!p0 $0xF7A, s2;
	p2 =	seq.s32 @!p0 s5, $0x0  }
0x1f: {  	s9 =	smul.u32 $0xF7A, s1;
	s8 =	simm.s32 @!p0 $0x1BF5;
	p2 =	por !p2, p0  }
0x20: {  	[sflag:s8] =	ssyncset.s32 @!p0 $0xFFFFF086;
	s6 =	sadd.s32 @!p0 s3, s7;
	s7 =	simm.s32 @!p0 $0x108  }
0x21: {  	s3 =	sadd.s32 s3, s9;
	s6 =	sadd.s32 @!p0 $0x88, s6;
	s7 =	simm.s32 @p2 $0x1082  }
0x22: {  	[simem:s7], [sflag:s8] =	dma.local @!p0 [hbm:s6], $0xF7A  }
0x23: {  	s9 =	sor.u32 $0xD0000000, s2;
	s6 =	simm.s32 $0x108;
	_ =	swait.ge @!p0 [sflag:s8], $0x0  }
0x24: {  	s3 =	sadd.s32 $0x88, s3;
	s6 =	simm.s32 @!p1 $0x1082;
	[sflag:s4] =	ssyncset.s32 $0xFFFFF086  }
0x25: {  	[simem:s6], [sflag:s4] =	dma.local [hbm:s3], $0xF7A  }
0x26: {  	[smem:$0x3F9B] =	sst s1;
	(tag) =	ssettag s2;
	_ =	strace s9  }
0x27: {  	s1 =	sld [smem:$0x3FAB]  }
0x28: {  	s2 =	sld [smem:$0x3FAC]  }
0x29: {  	s4 =	sld [smem:$0x3FAE]  }
0x2a: {  	p0 =	seq.s32 s5, $0x0;
	s5 =	sld [smem:$0x3FAF]  }
0x2b: {  	s6 =	sld [smem:$0x3FB0]  }
0x2c: {  	s7 =	sld [smem:$0x3FB1]  }
0x2d: {  	s3 =	simm.s32 $0x108;
	s8 =	sld [smem:$0x3FB2]  }
0x2e: {  	s3 =	simm.s32 @!p0 $0x1082;
	s9 =	sld [smem:$0x3FB3]  }
0x2f: {  	lr =	sadd.s32 s0, s3;
	s0 =	sld [smem:$0x3FAA]  }
0x30: {  	s3 =	sld [smem:$0x3FAD]  }
0x31: {  	[smem:$0x3FB6] =	sst s10  }
0x32: {  	s10 =	sld [smem:$0x3FB4];
	_ =	sdelay $0x3  }
0x33: {  	p0 =	seq.s32 s10, $0x1;
	s10 =	sld [smem:$0x3FB6];
	_ =	sdelay $0x3  }
0x34: {  	[smem:$0x3FB6] =	sst s10  }
0x35: {  	s10 =	sld [smem:$0x3FB5];
	_ =	sdelay $0x3  }
0x36: {  	p1 =	seq.s32 s10, $0x1;
	s10 =	sld [smem:$0x3FB6];
	_ =	sdelay $0x3  }
0x37: {  	[smem:$0x3FB6] =	sst s10  }
0x38: {  	s10 =	sld [smem:$0x3FB7]  }
0x39: {  	_ = 	snop;
	(pc) =	sbr.ind lr, $3  }
0x3a: {  	_ = 	snop  }
0x3b: {  	_ = 	snop  }
0x3c: {  	p2 =	seq.s32 s10, $0x1;
	s10 =	sld [smem:$0x3FB6]  }
0x3d: {  	_ =	shalt  }
0x3e: {  	_ =	shalt  }
0x3f: {  	_ =	shalt  }
0x40: {  	_ =	shalt  }
0x41: {  	_ =	shalt  }
0x42: {  	_ =	shalt  }
0x43: {  	_ =	shalt  }
0x44: {  	_ =	shalt  }
0x45: {  	_ =	shalt  }
0x46: {  	_ =	shalt  }
0x47: {  	_ =	shalt  }
0x48: {  	_ =	shalt  }
0x49: {  	_ =	shalt  }
0x4a: {  	_ =	shalt  }
0x4b: {  	_ =	shalt  }
0x4c: {  	_ =	shalt  }
0x4d: {  	_ =	shalt  }
0x4e: {  	_ =	shalt  }
0x4f: {  	_ =	shalt  }
0x50: {  	_ =	shalt  }
0x51: {  	_ =	shalt  }
0x52: {  	_ =	shalt  }
0x53: {  	_ =	shalt  }
0x54: {  	_ =	shalt  }
0x55: {  	_ =	shalt  }
0x56: {  	_ =	shalt  }
0x57: {  	_ =	shalt  }
0x58: {  	_ =	shalt  }
0x59: {  	_ =	shalt  }
0x5a: {  	_ =	shalt  }
0x5b: {  	_ =	shalt  }
0x5c: {  	_ =	shalt  }
0x5d: {  	_ =	shalt  }
0x5e: {  	_ =	shalt  }
0x5f: {  	_ =	shalt  }
0x60: {  	_ =	shalt  }
0x61: {  	_ =	shalt  }
0x62: {  	_ =	shalt  }
0x63: {  	_ =	shalt  }
0x64: {  	_ =	shalt  }
0x65: {  	_ =	shalt  }
0x66: {  	_ =	shalt  }
0x67: {  	_ =	shalt  }
0x68: {  	_ =	shalt  }
0x69: {  	_ =	shalt  }
0x6a: {  	_ =	shalt  }
0x6b: {  	_ =	shalt  }
0x6c: {  	_ =	shalt  }
0x6d: {  	_ =	shalt  }
0x6e: {  	_ =	shalt  }
0x6f: {  	_ =	shalt  }
0x70: {  	_ =	shalt  }
0x71: {  	_ =	shalt  }
0x72: {  	_ =	shalt  }
0x73: {  	_ =	shalt  }
0x74: {  	_ =	shalt  }
0x75: {  	_ =	shalt  }
0x76: {  	_ =	shalt  }
0x77: {  	_ =	shalt  }
0x78: {  	_ =	shalt  }
0x79: {  	_ =	shalt  }
0x7a: {  	_ =	shalt  }
0x7b: {  	_ =	shalt  }
0x7c: {  	_ =	shalt  }
0x7d: {  	_ =	shalt  }
0x7e: {  	_ =	shalt  }
0x7f: {  	_ =	shalt  }
0x80: {  	_ =	shalt  }
0x81: {  	_ =	shalt  }
0x82: {  	_ =	shalt  }
0x83: {  	_ =	shalt  }
0x84: {  	_ =	shalt  }
0x85: {  	_ =	shalt  }
0x86: {  	_ =	shalt  }
0x87: {  	_ =	shalt  }
.Lfunc_end0:
.L_simem_size_0:
called_computation_lowered:
.L_overlay_start_0:
0x88: {  	s2 =	sld [smem:$0x3FD9]  }
0x89: {  	s3 =	sld [smem:$0x3FFE];
	_ =	sdelay $0x1  }
0x8a: {  	s1 =	srdreg.scid  }
0x8b: {  	s0 =	sand.u32 $0x1, s1  }
0x8c: {  	s15 =	sshll.u32 s0, $0xA;
	s2 =	sadd.s32 s3, s2  }
0x8d: {  	s2 =	sadd.s32 s2, s15  }
0x8e: {  	[smem:$0x3FC2] =	sst s2  }
0x8f: {  	_ = 	snop  }
0x90: {  	s2 =	sld [smem:$0x3FD0];
	_ =	sdelay $0x2  }
0x91: {  	s4 =	simm.s32 $0xB;
	s16 =	simm.s32 $0x10  }
0x92: {  	[smem:s16], [sflag:s4] =	dma.local [hbm:s2], $0x1  }
0x93: {  	_ =	swait.eq [sflag:s4], $0x1  }
0x94: {  	[sflag:s4] =	ssyncset.done $0x0  }
0x95: {  	s17 =	sld [smem:$0x10];
	[sflag:s4] =	ssyncadd.s32 $0xFFFFFFFF  }
0x96: {  	s18 =	sld [smem:$0x12];
	(tm) =	ssettm $0x1  }
0x97: {  	s19 =	sld [smem:$0x3FFB];
	_ =	sdelay $0x3  }
0x98: {  	_ =	strace s19  }
0x99: {  	s2 =	sld [smem:$0x3FFC];
	_ =	sdelay $0x3  }
0x9a: {  	_ =	strace s2  }
0x9b: {  	s2 =	sld [smem:$0x3FFD];
	_ =	sdelay $0x3  }
0x9c: {  	_ =	strace s2  }
0x9d: {  	_ =	strace $0x8FFFFFFF  }
0x9e: {  	s20 =	sld [smem:$0x3FDB];
	_ =	sdelay $0x1  }
0x9f: {  	s5 =	simm.s32 $_scs_section_size  }
0xa0: {  	s6 =	simm.s32 $_size__tile_overlayer_lowered;
	s7 =	simm.s32 $_tile_overlayer_lowered  }
0xa1: {  	s8 =	simm.s32 $0x1BFF;
	s21 =	sshll.u32 s7, $0x1;
	s5 =	sadd.s32 s5, s20  }
0xa2: {  	s22 =	simm.s32 $0x0;
	s6 =	sshll.u32 s6, $0x1;
	s7 =	sadd.s32 s21, s5  }
0xa3: {  	[timem:s22], [sflag:s8] =	dma.local [hbm:s7], s6  }
0xa4: {  	_ =	swait.ge [sflag:s8], s6  }
0xa5: {  	s6 =	ssub.s32 $0x0, s6;
	[sflag:s8] =	ssyncset.done $0x0  }
0xa6: {  	[sflag:s8] =	ssyncadd.s32 s6;
	_ =	sdelay $0x1  }
0xa7: {  	s23 =	simm.s32 $0x1B8B  }
0xa8: {  	_ =	swait.ge [sflag:s23], $0x1  }
0xa9: {  	[sflag:s23] =	ssyncset.done $0x0  }
0xaa: {  	[sflag:s23] =	ssyncadd.s32 $0xFFFFFFFF  }
0xab: {  	s6 =	sld [smem:$0x0]  }
0xac: {  	s7 =	sand.u32 $0xFFFFFFFE, s1  }
0xad: {  	p0 =	sne.s32 s1, s7  }
0xae: {  	s7 =	sshll.u32 @p0 s7, $0xE  }
0xaf: {  	s7 =	sadd.s32 @p0 $0x11B8D, s7;
	s8 =	sshll.u32 @p0 s6, $0x11  }
0xb0: {  	s7 =	sor.u32 @p0 s8, s7  }
0xb1: {  	[sflag:s7] =	ssyncadd.remote.s32 @p0 $0x1;
	_ =	sdelay $0x1  }
0xb2: {  	s7 =	simm.s32 @p0 $0x1B8D  }
0xb3: {  	_ =	swait.eq @p0 [sflag:s7], $0x1  }
0xb4: {  	[sflag:s7] =	ssyncadd.s32 @p0 $0xFFFFFFFF  }
0xb5: {  	s8 =	sshll.u32 @!p0 s1, $0xE  }
0xb6: {  	s8 =	sor.u32 @!p0 $0x4000, s8;
	s7 =	simm.s32 @!p0 $0x1B8D  }
0xb7: {  	s6 =	sshll.u32 @!p0 s6, $0x11;
	s8 =	sadd.s32 @!p0 $0x11B8D, s8;
	_ =	swait.eq @!p0 [sflag:s7], $0x1  }
0xb8: {  	s6 =	sor.u32 @!p0 s6, s8;
	[sflag:s7] =	ssyncadd.s32 @!p0 $0xFFFFFFFF  }
0xb9: {  	s25 =	simm.s32 $0x1B8E;
	s24 =	sld [smem:$0x3FFE];
	[sflag:s6] =	ssyncadd.remote.s32 @!p0 $0x1  }
0xba: {  	s26 =	simm.s32 $execute0_lowered;
	[smem:$0x3FD2] =	sst s25  }
0xbb: {  	s7 =	sshll.u32 s26, $0x1;
	_ =	strace $0x80000049;
	[dreg:$0x1] =	wrdreg $0xFFFFFFFF  }
0xbc: {  	s28 =	simm.s32 $_size_execute0_lowered;
	s5 =	sadd.s32 s5, s7;
	[dreg:$0x0] =	wrdreg $0x0  }
0xbd: {  	s7 =	sshll.u32 s28, $0x1;
	[dreg:$0x2] =	wrdreg s5  }
0xbe: {  	[dreg:$0x3] =	wrdreg s7  }
0xbf: {  	[dreg:$0x4] =	wrdreg $0xC0  }
0xc0: {  	_ =	task [dreg:s22], $0x5FFFF  }
0xc1: {  	[dreg:$0x1] =	wrdreg $0xFFFFFFFF  }
0xc2: {  	[dreg:$0x0] =	wrdreg $0x60  }
0xc3: {  	[dreg:$0x2] =	wrdreg s24  }
0xc4: {  	[dreg:$0x3] =	wrdreg s17  }
0xc5: {  	[dreg:$0x4] =	wrdreg s18  }
0xc6: {  	[dreg:$0x5] =	wrdreg $0x88000  }
0xc7: {  	[dreg:$0x6] =	wrdreg $0x9  }
0xc8: {  	_ =	task.clear_ibuf [dreg:s22], $0x7FFFF;
	_ =	strace $0x90000049  }
0xc9: {  	s29 =	simm.s32 $0x9;
	_ =	strace $0x8000004B  }
0xca: {  	_ =	swait.ge [sflag:s29], $0x1  }
0xcb: {  	[sflag:s29] =	ssyncadd.s32 $0xFFFFFFFF  }
0xcc: {  	_ =	strace $0x9000004B  }
0xcd: {  	_ =	sfence  }
0xce: {  	s30 =	sld [smem:$0x0];
	_ =	sdelay $0x2  }
0xcf: {  	s31 =	sshll.u32 s1, $0xD;
	s1 =	sshrl.u32 s1, $0x2  }
0xd0: {  	s4 =	sand.u32 $0x4000, s31;
	s1 =	sadd.s32 s1, s30  }
0xd1: {  	s0 =	sor.u32 s4, s0;
	s1 =	sshll.u32 s1, $0x11  }
0xd2: {  	s0 =	sor.u32 s1, s0  }
0xd3: {  	s0 =	sadd.s32 $0x8F2B, s0  }
0xd4: {  	[sflag:s0] =	ssyncadd.remote.s32 $0x1  }
0xd5: {  	_ =	sfence.sel $0xFFFF  }
0xd6: {  	[dreg:$0x0] =	wrdreg $0xFFFFFFFF;
	(pc) =	sbr.abs _section_cstart, $3  }
0xd7: {  	[dreg:$0x1] =	wrdreg $0xFFFFFFFF  }
0xd8: {  	_ =	task.clear_ibuf [dreg:s22], $0x2FFFF;
	_ =	strace $0x9FFFFFFF  }
0xd9: {  	(tm) =	ssettm $0x7FFFFFFF  }
tec
execute0_lowered:
.L_overlay_start_1:
0x0: {  	(tag) =	ssettag $0x1  }
0x1: {  	s0 =	rddreg [dreg:$0x0]  }
0x2: {  	s2 =	rddreg [dreg:$0x1]  }
0x3: {  	s8 =	rddreg [dreg:$0x2]  }
0x4: {  	s1 =	rddreg [dreg:$0x3]  }
0x5: {  	s3 =	simm.s32 $0x0;
	s4 =	srdreg.scid;
	s19 =	stileid.u32  }
0x6: {  	s28 =	simm.s32 $0x780;
	s29 =	simm.s32 $0x0;
	s5 =	smul.u32 $0x4F000, s19  }
0x7: {  	[smem:$0x7FF] =	sst s3;
	s10 =	sand.u32 $0x1, s4;
	s11 =	smul.u32 $0x278, s19  }
0x8: {  	s0 =	sadd.s32 $0x5F0E00, s0;
	s7 =	sshll.u32 s19, $0x1;
	s20 =	smul.u32 $0x2780, s10  }
0x9: {  	s4 =	ssub.s32 $0x2, s10;
	s7 =	sor.u32 s10, s7;
	s22 =	smul.u32 $0x140000, s10  }
0xa: {  	s10 =	smul.u32 $0x28000, s10;
	s6 =	sshrl.u32 s4, $0x1;
	s5 =	sshrl.u32 s5, $0x2  }
0xb: {  	s13 =	smul.u32 $0x2800, s7;
	s12 =	ssub.s32 s4, s6;
	s4 =	sadd.s32 s5, s1  }
0xc: {  	_ =	strace $0x8000004A;
	s9 =	smul.u32 $0x28000, s7;
	s5 =	sadd.s32 $0x4000, s4  }
0xd: {  	s6 =	sadd.s32 $0x8000, s4;
	s7 =	sadd.s32 $0xC000, s4;
	s14 =	sshrl.u32 s13, $0x3  }
0xe: {  	s15 =	sadd.s32 $0x800, s13;
	s9 =	sadd.s32 s0, s9;
	s26 =	sadd.s32 $0x1000, s13  }
0xf: {  	s16 =	sadd.s32 $0x1800, s13;
	s13 =	sadd.s32 $0x2000, s13;
	s14 =	sadd.s32 s2, s14  }
0x10: {  	s24 =	sshrl.u32 s15, $0x3;
	s25 =	sshll.u32 s15, $0x4;
	s30 =	sshrl.u32 s26, $0x3  }
0x11: {  	s31 =	sshll.u32 s26, $0x4;
	s18 =	sshrl.u32 s16, $0x3;
	s17 =	sshrl.u32 s13, $0x3  }
0x12: {  	s21 =	sshll.u32 s13, $0x4;
	s13 =	smax.u32 s12, $0x1;
	[dreg:$0x5] =	wrdreg s14  }
0x13: {  	s16 =	sshll.u32 s16, $0x4;
	s14 =	sadd.s32 s2, s24;
	[dreg:$0xe] =	wrdreg s13  }
0x14: {  	s26 =	smul.u32 $0x50000, s19;
	s15 =	sadd.s32 s2, s18;
	[dreg:$0x6] =	wrdreg s14  }
0x15: {  	s12 =	simm.s32 $0x800;
	s23 =	sadd.s32 s0, s16;
	[dreg:$0x9] =	wrdreg s15  }
0x16: {  	s18 =	smul.u32 $0x280000, s19;
	s14 =	sadd.s32 s0, s25;
	[dreg:$0xc] =	wrdreg s23  }
0x17: {  	s24 =	sadd.s32 s11, s20;
	[dreg:$0x7] =	wrdreg s14;
	s14 =	sadd.s32 s2, s30  }
0x18: {  	s13 =	simm.s32 $0x3;
	s2 =	sadd.s32 s2, s17;
	[dreg:$0x8] =	wrdreg s14  }
0x19: {  	s25 =	sadd.s32 s22, s18;
	[dreg:$0xa] =	wrdreg s2;
	s14 =	sadd.s32 s0, s31  }
0x1a: {  	s2 =	sadd.s32 s0, s21;
	s11 =	sor.u32 $0x8000, s25;
	[dreg:$0xb] =	wrdreg s14  }
0x1b: {  	s31 =	sadd.s32 s26, s0;
	s26 =	sadd.s32 $0x10000, s4;
	[dreg:$0xd] =	wrdreg s2  }
0x1c: {  	s2 =	sshll.u32 s24, $0x4;
	s30 =	sshrl.u32 s11, $0x3;
	s14 =	sadd.s32 s10, s31  }
0x1d: {  	s31 =	sadd.s32 $0xF800, s9;
	s10 =	sadd.s32 $0x1F800, s9;
	s11 =	sadd.s32 $0x27800, s9  }
0x1e: {  	s18 =	sadd.s32 s8, s2;
	s20 =	sadd.s32 s30, s0;
	s21 =	sadd.s32 $0x800, s14  }
0x1f: {  	s22 =	sadd.s32 $0x9000, s14;
	s30 =	sadd.s32 $0x7800, s9;
	[dreg:$0x14] =	wrdreg s31  }
0x20: {  	s23 =	sadd.s32 $0x11000, s14;
	s15 =	sadd.s32 $0x800, s18;
	[dreg:$0x13] =	wrdreg s30  }
0x21: {  	s24 =	sadd.s32 $0x19000, s14;
	s16 =	sadd.s32 $0x1000, s18;
	[dreg:$0xf] =	wrdreg s15  }
0x22: {  	s25 =	sadd.s32 $0x21000, s14;
	s17 =	sadd.s32 $0x1800, s18;
	[dreg:$0x10] =	wrdreg s16  }
0x23: {  	s8 =	sadd.s32 $0x17800, s9;
	s19 =	sadd.s32 $0x2000, s18;
	[dreg:$0x11] =	wrdreg s17  }
0x24: {  	s14 =	simm.s32 $0x1;
	[dreg:$0x12] =	wrdreg s19;
	s15 =	simm.s32 $0x4800  }
0x25: {  	v0 =	vimm.f32 $0.0e+00;
	s16 =	simm.s32 $0x80;
	s17 =	simm.s32 $0x2;
	s19 =	simm.s32 $0x700  }
.LBB2_1:
0x26: {  	s30 =	simm.s32 $0x0;
	s31 =	simm.s32 $0x200  }
.LBB2_2:
0x27: {  	p0 =	sne.s32 s31, $0xFE00;
	[tilespmem:s30+$0x870] =	vst v0  }
0x28: {  	[tilespmem:s30+$0x800] =	vst v0  }
0x29: {  	[tilespmem:s30+$0x810] =	vst v0  }
.Ltmp0:
0x2a: {  	[tilespmem:s30+$0x820] =	vst v0;
	(pc) =	sbr.rel @p0 .LBB2_2-.Ltmp0, $4  }
0x2b: {  	[tilespmem:s30+$0x830] =	vst v0  }
0x2c: {  	[tilespmem:s30+$0x840] =	vst v0  }
0x2d: {  	[tilespmem:s30+$0x850] =	vst v0  }
0x2e: {  	[tilespmem:s30+$0x860] =	vst v0;
	s30 =	sshra.s32 s31, $0x2;
	s31 =	sadd.s32 $0x200, s31  }
0x2f: {  	[tilespmem:s30+$0x870] =	vst v0  }
0x30: {  	[tilespmem:s30+$0x800] =	vst v0  }
0x31: {  	[tilespmem:s30+$0x810] =	vst v0  }
0x32: {  	[tilespmem:s30+$0x820] =	vst v0  }
0x33: {  	[tilespmem:s30+$0x830] =	vst v0  }
0x34: {  	[tilespmem:s30+$0x840] =	vst v0  }
0x35: {  	[tilespmem:s30+$0x850] =	vst v0  }
0x36: {  	[tilespmem:s30+$0x860] =	vst v0  }
0x37: {  	[spmem:s4] =	stream.linear.scatter [tilespmem:s12], [sflag:$0x3], $0x4000, $0x38;
	[tilespmem:$0x1C400] =	vst v63  }
0x38: {  	_ =	swait.ge [sflag:s13], $0x4000  }
0x39: {  	[sflag:s13] =	ssyncset.done $0x0  }
0x3a: {  	[sflag:s13] =	ssyncadd.s32 $0xFFFFC000  }
0x3b: {  	[spmem:s5] =	stream.linear.scatter [tilespmem:s12], [sflag:$0x3], $0x4000, $0x38;
	[tilespmem:$0x1C400] =	vst v63  }
0x3c: {  	_ =	swait.ge [sflag:s13], $0x4000  }
0x3d: {  	[sflag:s13] =	ssyncset.done $0x0  }
0x3e: {  	[sflag:s13] =	ssyncadd.s32 $0xFFFFC000  }
0x3f: {  	[spmem:s6] =	stream.linear.scatter [tilespmem:s12], [sflag:$0x3], $0x4000, $0x38;
	[tilespmem:$0x1C400] =	vst v63  }
0x40: {  	_ =	swait.ge [sflag:s13], $0x4000  }
0x41: {  	[sflag:s13] =	ssyncset.done $0x0  }
0x42: {  	[sflag:s13] =	ssyncadd.s32 $0xFFFFC000  }
0x43: {  	[spmem:s7] =	stream.linear.scatter [tilespmem:s12], [sflag:$0x3], $0x4000, $0x38;
	[tilespmem:$0x1C400] =	vst v63  }
0x44: {  	_ =	swait.ge [sflag:s13], $0x4000  }
0x45: {  	[sflag:s13] =	ssyncset.done $0x0  }
0x46: {  	[sflag:s13] =	ssyncadd.s32 $0xFFFFC000  }
0x47: {  	[spmem:s26] =	stream.linear.scatter [tilespmem:s12], [sflag:$0x3], $0x3C00, $0x38;
	[tilespmem:$0x1C400] =	vst v63  }
0x48: {  	_ =	swait.ge [sflag:s13], $0x3C00  }
0x49: {  	[sflag:s13] =	ssyncset.done $0x0  }
0x4a: {  	[sflag:s13] =	ssyncadd.s32 $0xFFFFC400  }
0x4b: {  	[bflag:$0x0] =	sbarrier.arrive $0xFFFF  }
0x4c: {  	s30 =	simm.s32 $0x0;
	s0 =	rddreg [dreg:$0x5]  }
0x4d: {  	[tilespmem:s30], [sflag:$0x3] =	stream.linear.gather [hbm4b:s0+s30], $0x800, $0x38;
	[tilespmem:$0x1C400] =	vst v63  }
0x4e: {  	_ =	swait.ge [sflag:s13], $0x800  }
0x4f: {  	[sflag:s13] =	ssyncset.done $0x0  }
0x50: {  	[sflag:s13] =	ssyncadd.s32 $0xFFFFF800  }
0x51: {  	[tilespmem:s12], [sflag:$0x1] =	stream.linear.gather [hbm4b:s9+s30], $0x4000, $0x38;
	[tilespmem:$0x1C400] =	vst v63  }
0x52: {  	_ =	swait.ge [sflag:s14], $0x4000  }
0x53: {  	[sflag:s14] =	ssyncset.done $0x0  }
0x54: {  	s31 =	sadd.s32 $0x0, s21;
	[sflag:s14] =	ssyncadd.s32 $0xFFFFC000  }
0x55: {  	[tilespmem:s15], [sflag:$0x2] =	stream.linear.gather [hbm4b:s31+s3], $0x4000, $0x38;
	[tilespmem:$0x1C400] =	vst v63  }
0x56: {  	_ = 	snop  }
0x57: {  	[spmem:s1] =	stream.indirect.scatter.add.f32 [tilespmem:s12], [sflag:$0x3], $0x80, s30, s16, $0xb8;
	[tilespmem:$0x1C400] =	vst v63  }
0x58: {  	_ =	swait.ge [sflag:s13], $0x4000  }
0x59: {  	[sflag:s13] =	ssyncset.done $0x0  }
0x5a: {  	[sflag:s13] =	ssyncadd.s32 $0xFFFFC000  }
0x5b: {  	_ =	swait.ge [sflag:s17], $0x4000  }
0x5c: {  	[sflag:s17] =	ssyncset.done $0x0  }
0x5d: {  	s31 =	sadd.s32 $0x0, s20;
	[sflag:s17] =	ssyncadd.s32 $0xFFFFC000  }
0x5e: {  	[tilespmem:s12], [sflag:$0x1] =	stream.linear.gather [hbm4b:s31+s3], $0x4000, $0x38;
	[tilespmem:$0x1C400] =	vst v63  }
0x5f: {  	s31 =	simm.s32 $0x80  }
0x60: {  	[spmem:s1] =	stream.indirect.scatter.add.f32 [tilespmem:s15], [sflag:$0x3], $0x80, s31, s16, $0xb8;
	[tilespmem:$0x1C400] =	vst v63  }
0x61: {  	_ =	swait.ge [sflag:s13], $0x4000  }
0x62: {  	s31 =	simm.s32 $0x1000;
	[sflag:s13] =	ssyncset.done $0x0  }
.LBB2_4:
0x63: {  	p0 =	sne.s32 s31, $0x6000;
	[sflag:s13] =	ssyncadd.s32 $0xFFFFC000;
	s30 =	sadd.s32 $0x100, s30  }
0x64: {  	s0 =	smov.u32 s31;
	s31 =	sadd.s32 $0x1000, s31  }
0x65: {  	_ =	swait.ge [sflag:s14], $0x4000  }
0x66: {  	[sflag:s14] =	ssyncset.done $0x0  }
0x67: {  	s2 =	sadd.s32 s0, s21;
	[sflag:s14] =	ssyncadd.s32 $0xFFFFC000  }
0x68: {  	[tilespmem:s15], [sflag:$0x2] =	stream.linear.gather [hbm4b:s2+s3], $0x4000, $0x38;
	[tilespmem:$0x1C400] =	vst v63  }
0x69: {  	_ = 	snop  }
0x6a: {  	[spmem:s1] =	stream.indirect.scatter.add.f32 [tilespmem:s12], [sflag:$0x3], $0x80, s30, s16, $0xb8;
	[tilespmem:$0x1C400] =	vst v63  }
0x6b: {  	_ =	swait.ge [sflag:s13], $0x4000  }
0x6c: {  	[sflag:s13] =	ssyncset.done $0x0  }
0x6d: {  	[sflag:s13] =	ssyncadd.s32 $0xFFFFC000  }
0x6e: {  	_ =	swait.ge [sflag:s17], $0x4000  }
0x6f: {  	[sflag:s17] =	ssyncset.done $0x0  }
0x70: {  	s0 =	sadd.s32 s0, s20;
	[sflag:s17] =	ssyncadd.s32 $0xFFFFC000  }
0x71: {  	[tilespmem:s12], [sflag:$0x1] =	stream.linear.gather [hbm4b:s0+s3], $0x4000, $0x38;
	[tilespmem:$0x1C400] =	vst v63  }
.Ltmp1:
0x72: {  	_ = 	snop;
	(pc) =	sbr.rel @p0 .LBB2_4-.Ltmp1, $4  }
0x73: {  	s0 =	sadd.s32 $0x80, s30  }
0x74: {  	[spmem:s1] =	stream.indirect.scatter.add.f32 [tilespmem:s15], [sflag:$0x3], $0x80, s0, s16, $0xb8;
	[tilespmem:$0x1C400] =	vst v63  }
0x75: {  	_ =	swait.ge [sflag:s13], $0x4000  }
0x76: {  	[sflag:s13] =	ssyncset.done $0x0  }
0x77: {  	[sflag:s13] =	ssyncadd.s32 $0xFFFFC000  }
0x78: {  	_ =	swait.ge [sflag:s14], $0x4000  }
0x79: {  	[sflag:s14] =	ssyncset.done $0x0  }
0x7a: {  	s0 =	simm.s32 $0x0;
	s2 =	rddreg [dreg:$0x13];
	[sflag:s14] =	ssyncadd.s32 $0xFFFFC000  }
0x7b: {  	[tilespmem:s15], [sflag:$0x2] =	stream.linear.gather [hbm4b:s2+s0], $0x4000, $0x38;
	[tilespmem:$0x1C400] =	vst v63  }
0x7c: {  	_ = 	snop  }
0x7d: {  	[spmem:s1] =	stream.indirect.scatter.add.f32 [tilespmem:s12], [sflag:$0x3], $0x80, s19, s16, $0xb8;
	[tilespmem:$0x1C400] =	vst v63  }
0x7e: {  	_ =	swait.ge [sflag:s13], $0x4000  }
0x7f: {  	[sflag:s13] =	ssyncset.done $0x0  }
0x80: {  	[sflag:s13] =	ssyncadd.s32 $0xFFFFC000  }
0x81: {  	_ =	swait.ge [sflag:s17], $0x4000  }
0x82: {  	[sflag:s17] =	ssyncset.done $0x0  }
0x83: {  	[sflag:s17] =	ssyncadd.s32 $0xFFFFC000  }
0x84: {  	[spmem:s1] =	stream.indirect.scatter.add.f32 [tilespmem:s15], [sflag:$0x3], $0x80, s28, s16, $0xb8;
	[tilespmem:$0x1C400] =	vst v63  }
0x85: {  	_ =	swait.ge [sflag:s13], $0x4000  }
0x86: {  	[sflag:s13] =	ssyncset.done $0x0  }
0x87: {  	s2 =	rddreg [dreg:$0x6];
	[sflag:s13] =	ssyncadd.s32 $0xFFFFC000  }
0x88: {  	[tilespmem:s0], [sflag:$0x3] =	stream.linear.gather [hbm4b:s2+s0], $0x800, $0x38;
	[tilespmem:$0x1C400] =	vst v63  }
0x89: {  	_ =	swait.ge [sflag:s13], $0x800  }
0x8a: {  	[sflag:s13] =	ssyncset.done $0x0  }
0x8b: {  	s2 =	rddreg [dreg:$0x7];
	[sflag:s13] =	ssyncadd.s32 $0xFFFFF800  }
0x8c: {  	[tilespmem:s12], [sflag:$0x1] =	stream.linear.gather [hbm4b:s2+s0], $0x4000, $0x38;
	[tilespmem:$0x1C400] =	vst v63  }
0x8d: {  	_ =	swait.ge [sflag:s14], $0x4000  }
0x8e: {  	[sflag:s14] =	ssyncset.done $0x0  }
0x8f: {  	s2 =	sadd.s32 $0xFFFFF800, s22;
	[sflag:s14] =	ssyncadd.s32 $0xFFFFC000  }
0x90: {  	[tilespmem:s15], [sflag:$0x2] =	stream.linear.gather [hbm4b:s2+s3], $0x4000, $0x38;
	[tilespmem:$0x1C400] =	vst v63  }
0x91: {  	s2 =	simm.s32 $0x0  }
0x92: {  	[spmem:s1] =	stream.indirect.scatter.add.f32 [tilespmem:s12], [sflag:$0x3], $0x80, s2, s16, $0xb8;
	[tilespmem:$0x1C400] =	vst v63  }
0x93: {  	_ =	swait.ge [sflag:s13], $0x4000  }
0x94: {  	[sflag:s13] =	ssyncset.done $0x0  }
0x95: {  	[sflag:s13] =	ssyncadd.s32 $0xFFFFC000  }
0x96: {  	_ =	swait.ge [sflag:s17], $0x4000  }
0x97: {  	[sflag:s17] =	ssyncset.done $0x0  }
0x98: {  	[sflag:s17] =	ssyncadd.s32 $0xFFFFC000  }
0x99: {  	[tilespmem:s12], [sflag:$0x1] =	stream.linear.gather [hbm4b:s22+s3], $0x4000, $0x38;
	[tilespmem:$0x1C400] =	vst v63  }
0x9a: {  	s2 =	simm.s32 $0x80  }
0x9b: {  	[spmem:s1] =	stream.indirect.scatter.add.f32 [tilespmem:s15], [sflag:$0x3], $0x80, s2, s16, $0xb8;
	[tilespmem:$0x1C400] =	vst v63  }
0x9c: {  	_ =	swait.ge [sflag:s13], $0x4000  }
0x9d: {  	s30 =	simm.s32 $0x400;
	s31 =	smov.u32 s22;
	[sflag:s13] =	ssyncset.done $0x0  }
.LBB2_6:
0x9e: {  	p0 =	sne.s32 s30, $0x1800;
	[sflag:s13] =	ssyncadd.s32 $0xFFFFC000;
	s31 =	sadd.s32 $0x1000, s31  }
0x9f: {  	s0 =	smov.u32 s30;
	s30 =	sadd.s32 $0x400, s30  }
0xa0: {  	_ =	swait.ge [sflag:s14], $0x4000  }
0xa1: {  	[sflag:s14] =	ssyncset.done $0x0  }
0xa2: {  	s2 =	sadd.s32 $0xFFFFF800, s31;
	[sflag:s14] =	ssyncadd.s32 $0xFFFFC000  }
0xa3: {  	[tilespmem:s15], [sflag:$0x2] =	stream.linear.gather [hbm4b:s2+s3], $0x4000, $0x38;
	[tilespmem:$0x1C400] =	vst v63  }
0xa4: {  	s0 =	sshra.s32 s0, $0x2  }
0xa5: {  	[spmem:s1] =	stream.indirect.scatter.add.f32 [tilespmem:s12], [sflag:$0x3], $0x80, s0, s16, $0xb8;
	[tilespmem:$0x1C400] =	vst v63  }
0xa6: {  	_ =	swait.ge [sflag:s13], $0x4000  }
0xa7: {  	[sflag:s13] =	ssyncset.done $0x0  }
0xa8: {  	[sflag:s13] =	ssyncadd.s32 $0xFFFFC000  }
0xa9: {  	_ =	swait.ge [sflag:s17], $0x4000  }
0xaa: {  	[sflag:s17] =	ssyncset.done $0x0  }
0xab: {  	[sflag:s17] =	ssyncadd.s32 $0xFFFFC000  }
0xac: {  	[tilespmem:s12], [sflag:$0x1] =	stream.linear.gather [hbm4b:s31+s3], $0x4000, $0x38;
	[tilespmem:$0x1C400] =	vst v63  }
.Ltmp2:
0xad: {  	_ = 	snop;
	(pc) =	sbr.rel @p0 .LBB2_6-.Ltmp2, $4  }
0xae: {  	s0 =	sadd.s32 $0x80, s0  }
0xaf: {  	[spmem:s1] =	stream.indirect.scatter.add.f32 [tilespmem:s15], [sflag:$0x3], $0x80, s0, s16, $0xb8;
	[tilespmem:$0x1C400] =	vst v63  }
0xb0: {  	_ =	swait.ge [sflag:s13], $0x4000  }
0xb1: {  	[sflag:s13] =	ssyncset.done $0x0  }
0xb2: {  	[sflag:s13] =	ssyncadd.s32 $0xFFFFC000  }
0xb3: {  	_ =	swait.ge [sflag:s14], $0x4000  }
0xb4: {  	[sflag:s14] =	ssyncset.done $0x0  }
0xb5: {  	s0 =	simm.s32 $0x0;
	s2 =	rddreg [dreg:$0x14];
	[sflag:s14] =	ssyncadd.s32 $0xFFFFC000  }
0xb6: {  	[tilespmem:s15], [sflag:$0x2] =	stream.linear.gather [hbm4b:s2+s0], $0x4000, $0x38;
	[tilespmem:$0x1C400] =	vst v63  }
0xb7: {  	_ = 	snop  }
0xb8: {  	[spmem:s1] =	stream.indirect.scatter.add.f32 [tilespmem:s12], [sflag:$0x3], $0x80, s19, s16, $0xb8;
	[tilespmem:$0x1C400] =	vst v63  }
0xb9: {  	_ =	swait.ge [sflag:s13], $0x4000  }
0xba: {  	[sflag:s13] =	ssyncset.done $0x0  }
0xbb: {  	[sflag:s13] =	ssyncadd.s32 $0xFFFFC000  }
0xbc: {  	_ =	swait.ge [sflag:s17], $0x4000  }
0xbd: {  	[sflag:s17] =	ssyncset.done $0x0  }
0xbe: {  	[sflag:s17] =	ssyncadd.s32 $0xFFFFC000  }
0xbf: {  	[spmem:s1] =	stream.indirect.scatter.add.f32 [tilespmem:s15], [sflag:$0x3], $0x80, s28, s16, $0xb8;
	[tilespmem:$0x1C400] =	vst v63  }
0xc0: {  	_ =	swait.ge [sflag:s13], $0x4000  }
0xc1: {  	[sflag:s13] =	ssyncset.done $0x0  }
0xc2: {  	s2 =	rddreg [dreg:$0x8];
	[sflag:s13] =	ssyncadd.s32 $0xFFFFC000  }
0xc3: {  	[tilespmem:s0], [sflag:$0x3] =	stream.linear.gather [hbm4b:s2+s0], $0x800, $0x38;
	[tilespmem:$0x1C400] =	vst v63  }
0xc4: {  	_ =	swait.ge [sflag:s13], $0x800  }
0xc5: {  	[sflag:s13] =	ssyncset.done $0x0  }
0xc6: {  	s2 =	rddreg [dreg:$0xb];
	[sflag:s13] =	ssyncadd.s32 $0xFFFFF800  }
0xc7: {  	[tilespmem:s12], [sflag:$0x1] =	stream.linear.gather [hbm4b:s2+s0], $0x4000, $0x38;
	[tilespmem:$0x1C400] =	vst v63  }
0xc8: {  	_ =	swait.ge [sflag:s14], $0x4000  }
0xc9: {  	[sflag:s14] =	ssyncset.done $0x0  }
0xca: {  	s2 =	sadd.s32 $0xFFFFF800, s23;
	[sflag:s14] =	ssyncadd.s32 $0xFFFFC000  }
0xcb: {  	[tilespmem:s15], [sflag:$0x2] =	stream.linear.gather [hbm4b:s2+s3], $0x4000, $0x38;
	[tilespmem:$0x1C400] =	vst v63  }
0xcc: {  	s2 =	simm.s32 $0x0  }
0xcd: {  	[spmem:s1] =	stream.indirect.scatter.add.f32 [tilespmem:s12], [sflag:$0x3], $0x80, s2, s16, $0xb8;
	[tilespmem:$0x1C400] =	vst v63  }
0xce: {  	_ =	swait.ge [sflag:s13], $0x4000  }
0xcf: {  	[sflag:s13] =	ssyncset.done $0x0  }
0xd0: {  	[sflag:s13] =	ssyncadd.s32 $0xFFFFC000  }
0xd1: {  	_ =	swait.ge [sflag:s17], $0x4000  }
0xd2: {  	[sflag:s17] =	ssyncset.done $0x0  }
0xd3: {  	[sflag:s17] =	ssyncadd.s32 $0xFFFFC000  }
0xd4: {  	[tilespmem:s12], [sflag:$0x1] =	stream.linear.gather [hbm4b:s23+s3], $0x4000, $0x38;
	[tilespmem:$0x1C400] =	vst v63  }
0xd5: {  	s2 =	simm.s32 $0x80  }
0xd6: {  	[spmem:s1] =	stream.indirect.scatter.add.f32 [tilespmem:s15], [sflag:$0x3], $0x80, s2, s16, $0xb8;
	[tilespmem:$0x1C400] =	vst v63  }
0xd7: {  	_ =	swait.ge [sflag:s13], $0x4000  }
0xd8: {  	s30 =	simm.s32 $0x400;
	s31 =	smov.u32 s23;
	[sflag:s13] =	ssyncset.done $0x0  }
.LBB2_8:
0xd9: {  	p0 =	sne.s32 s30, $0x1800;
	[sflag:s13] =	ssyncadd.s32 $0xFFFFC000;
	s31 =	sadd.s32 $0x1000, s31  }
0xda: {  	s0 =	smov.u32 s30;
	s30 =	sadd.s32 $0x400, s30  }
0xdb: {  	_ =	swait.ge [sflag:s14], $0x4000  }
0xdc: {  	[sflag:s14] =	ssyncset.done $0x0  }
0xdd: {  	s2 =	sadd.s32 $0xFFFFF800, s31;
	[sflag:s14] =	ssyncadd.s32 $0xFFFFC000  }
0xde: {  	[tilespmem:s15], [sflag:$0x2] =	stream.linear.gather [hbm4b:s2+s3], $0x4000, $0x38;
	[tilespmem:$0x1C400] =	vst v63  }
0xdf: {  	s0 =	sshra.s32 s0, $0x2  }
0xe0: {  	[spmem:s1] =	stream.indirect.scatter.add.f32 [tilespmem:s12], [sflag:$0x3], $0x80, s0, s16, $0xb8;
	[tilespmem:$0x1C400] =	vst v63  }
0xe1: {  	_ =	swait.ge [sflag:s13], $0x4000  }
0xe2: {  	[sflag:s13] =	ssyncset.done $0x0  }
0xe3: {  	[sflag:s13] =	ssyncadd.s32 $0xFFFFC000  }
0xe4: {  	_ =	swait.ge [sflag:s17], $0x4000  }
0xe5: {  	[sflag:s17] =	ssyncset.done $0x0  }
0xe6: {  	[sflag:s17] =	ssyncadd.s32 $0xFFFFC000  }
0xe7: {  	[tilespmem:s12], [sflag:$0x1] =	stream.linear.gather [hbm4b:s31+s3], $0x4000, $0x38;
	[tilespmem:$0x1C400] =	vst v63  }
.Ltmp3:
0xe8: {  	_ = 	snop;
	(pc) =	sbr.rel @p0 .LBB2_8-.Ltmp3, $4  }
0xe9: {  	s0 =	sadd.s32 $0x80, s0  }
0xea: {  	[spmem:s1] =	stream.indirect.scatter.add.f32 [tilespmem:s15], [sflag:$0x3], $0x80, s0, s16, $0xb8;
	[tilespmem:$0x1C400] =	vst v63  }
0xeb: {  	_ =	swait.ge [sflag:s13], $0x4000  }
0xec: {  	[sflag:s13] =	ssyncset.done $0x0  }
0xed: {  	[sflag:s13] =	ssyncadd.s32 $0xFFFFC000  }
0xee: {  	_ =	swait.ge [sflag:s14], $0x4000  }
0xef: {  	[sflag:s14] =	ssyncset.done $0x0  }
0xf0: {  	s0 =	simm.s32 $0x0;
	[sflag:s14] =	ssyncadd.s32 $0xFFFFC000  }
0xf1: {  	[tilespmem:s15], [sflag:$0x2] =	stream.linear.gather [hbm4b:s8+s0], $0x4000, $0x38;
	[tilespmem:$0x1C400] =	vst v63  }
0xf2: {  	_ = 	snop  }
0xf3: {  	[spmem:s1] =	stream.indirect.scatter.add.f32 [tilespmem:s12], [sflag:$0x3], $0x80, s19, s16, $0xb8;
	[tilespmem:$0x1C400] =	vst v63  }
0xf4: {  	_ =	swait.ge [sflag:s13], $0x4000  }
0xf5: {  	[sflag:s13] =	ssyncset.done $0x0  }
0xf6: {  	[sflag:s13] =	ssyncadd.s32 $0xFFFFC000  }
0xf7: {  	_ =	swait.ge [sflag:s17], $0x4000  }
0xf8: {  	[sflag:s17] =	ssyncset.done $0x0  }
0xf9: {  	[sflag:s17] =	ssyncadd.s32 $0xFFFFC000  }
0xfa: {  	[spmem:s1] =	stream.indirect.scatter.add.f32 [tilespmem:s15], [sflag:$0x3], $0x80, s28, s16, $0xb8;
	[tilespmem:$0x1C400] =	vst v63  }
0xfb: {  	_ =	swait.ge [sflag:s13], $0x4000  }
0xfc: {  	[sflag:s13] =	ssyncset.done $0x0  }
0xfd: {  	s2 =	rddreg [dreg:$0x9];
	[sflag:s13] =	ssyncadd.s32 $0xFFFFC000  }
0xfe: {  	[tilespmem:s0], [sflag:$0x3] =	stream.linear.gather [hbm4b:s2+s0], $0x800, $0x38;
	[tilespmem:$0x1C400] =	vst v63  }
0xff: {  	_ =	swait.ge [sflag:s13], $0x800  }
0x100: {  	[sflag:s13] =	ssyncset.done $0x0  }
0x101: {  	s2 =	rddreg [dreg:$0xc];
	[sflag:s13] =	ssyncadd.s32 $0xFFFFF800  }
0x102: {  	[tilespmem:s12], [sflag:$0x1] =	stream.linear.gather [hbm4b:s2+s0], $0x4000, $0x38;
	[tilespmem:$0x1C400] =	vst v63  }
0x103: {  	_ =	swait.ge [sflag:s14], $0x4000  }
0x104: {  	[sflag:s14] =	ssyncset.done $0x0  }
0x105: {  	s2 =	sadd.s32 $0xFFFFF800, s24;
	[sflag:s14] =	ssyncadd.s32 $0xFFFFC000  }
0x106: {  	[tilespmem:s15], [sflag:$0x2] =	stream.linear.gather [hbm4b:s2+s3], $0x4000, $0x38;
	[tilespmem:$0x1C400] =	vst v63  }
0x107: {  	s2 =	simm.s32 $0x0  }
0x108: {  	[spmem:s1] =	stream.indirect.scatter.add.f32 [tilespmem:s12], [sflag:$0x3], $0x80, s2, s16, $0xb8;
	[tilespmem:$0x1C400] =	vst v63  }
0x109: {  	_ =	swait.ge [sflag:s13], $0x4000  }
0x10a: {  	[sflag:s13] =	ssyncset.done $0x0  }
0x10b: {  	[sflag:s13] =	ssyncadd.s32 $0xFFFFC000  }
0x10c: {  	_ =	swait.ge [sflag:s17], $0x4000  }
0x10d: {  	[sflag:s17] =	ssyncset.done $0x0  }
0x10e: {  	[sflag:s17] =	ssyncadd.s32 $0xFFFFC000  }
0x10f: {  	[tilespmem:s12], [sflag:$0x1] =	stream.linear.gather [hbm4b:s24+s3], $0x4000, $0x38;
	[tilespmem:$0x1C400] =	vst v63  }
0x110: {  	s2 =	simm.s32 $0x80  }
0x111: {  	[spmem:s1] =	stream.indirect.scatter.add.f32 [tilespmem:s15], [sflag:$0x3], $0x80, s2, s16, $0xb8;
	[tilespmem:$0x1C400] =	vst v63  }
0x112: {  	_ =	swait.ge [sflag:s13], $0x4000  }
0x113: {  	s30 =	simm.s32 $0x400;
	s31 =	smov.u32 s24;
	[sflag:s13] =	ssyncset.done $0x0  }
.LBB2_10:
0x114: {  	p0 =	sne.s32 s30, $0x1800;
	[sflag:s13] =	ssyncadd.s32 $0xFFFFC000;
	s31 =	sadd.s32 $0x1000, s31  }
0x115: {  	s0 =	smov.u32 s30;
	s30 =	sadd.s32 $0x400, s30  }
0x116: {  	_ =	swait.ge [sflag:s14], $0x4000  }
0x117: {  	[sflag:s14] =	ssyncset.done $0x0  }
0x118: {  	s2 =	sadd.s32 $0xFFFFF800, s31;
	[sflag:s14] =	ssyncadd.s32 $0xFFFFC000  }
0x119: {  	[tilespmem:s15], [sflag:$0x2] =	stream.linear.gather [hbm4b:s2+s3], $0x4000, $0x38;
	[tilespmem:$0x1C400] =	vst v63  }
0x11a: {  	s0 =	sshra.s32 s0, $0x2  }
0x11b: {  	[spmem:s1] =	stream.indirect.scatter.add.f32 [tilespmem:s12], [sflag:$0x3], $0x80, s0, s16, $0xb8;
	[tilespmem:$0x1C400] =	vst v63  }
0x11c: {  	_ =	swait.ge [sflag:s13], $0x4000  }
0x11d: {  	[sflag:s13] =	ssyncset.done $0x0  }
0x11e: {  	[sflag:s13] =	ssyncadd.s32 $0xFFFFC000  }
0x11f: {  	_ =	swait.ge [sflag:s17], $0x4000  }
0x120: {  	[sflag:s17] =	ssyncset.done $0x0  }
0x121: {  	[sflag:s17] =	ssyncadd.s32 $0xFFFFC000  }
0x122: {  	[tilespmem:s12], [sflag:$0x1] =	stream.linear.gather [hbm4b:s31+s3], $0x4000, $0x38;
	[tilespmem:$0x1C400] =	vst v63  }
.Ltmp4:
0x123: {  	_ = 	snop;
	(pc) =	sbr.rel @p0 .LBB2_10-.Ltmp4, $4  }
0x124: {  	s0 =	sadd.s32 $0x80, s0  }
0x125: {  	[spmem:s1] =	stream.indirect.scatter.add.f32 [tilespmem:s15], [sflag:$0x3], $0x80, s0, s16, $0xb8;
	[tilespmem:$0x1C400] =	vst v63  }
0x126: {  	_ =	swait.ge [sflag:s13], $0x4000  }
0x127: {  	[sflag:s13] =	ssyncset.done $0x0  }
0x128: {  	[sflag:s13] =	ssyncadd.s32 $0xFFFFC000  }
0x129: {  	_ =	swait.ge [sflag:s14], $0x4000  }
0x12a: {  	[sflag:s14] =	ssyncset.done $0x0  }
0x12b: {  	s0 =	simm.s32 $0x0;
	[sflag:s14] =	ssyncadd.s32 $0xFFFFC000  }
0x12c: {  	[tilespmem:s15], [sflag:$0x2] =	stream.linear.gather [hbm4b:s10+s0], $0x4000, $0x38;
	[tilespmem:$0x1C400] =	vst v63  }
0x12d: {  	_ = 	snop  }
0x12e: {  	[spmem:s1] =	stream.indirect.scatter.add.f32 [tilespmem:s12], [sflag:$0x3], $0x80, s19, s16, $0xb8;
	[tilespmem:$0x1C400] =	vst v63  }
0x12f: {  	_ =	swait.ge [sflag:s13], $0x4000  }
0x130: {  	[sflag:s13] =	ssyncset.done $0x0  }
0x131: {  	[sflag:s13] =	ssyncadd.s32 $0xFFFFC000  }
0x132: {  	_ =	swait.ge [sflag:s17], $0x4000  }
0x133: {  	[sflag:s17] =	ssyncset.done $0x0  }
0x134: {  	[sflag:s17] =	ssyncadd.s32 $0xFFFFC000  }
0x135: {  	[spmem:s1] =	stream.indirect.scatter.add.f32 [tilespmem:s15], [sflag:$0x3], $0x80, s28, s16, $0xb8;
	[tilespmem:$0x1C400] =	vst v63  }
0x136: {  	_ =	swait.ge [sflag:s13], $0x4000  }
0x137: {  	[sflag:s13] =	ssyncset.done $0x0  }
0x138: {  	s2 =	rddreg [dreg:$0xa];
	[sflag:s13] =	ssyncadd.s32 $0xFFFFC000  }
0x139: {  	[tilespmem:s0], [sflag:$0x3] =	stream.linear.gather [hbm4b:s2+s0], $0x800, $0x38;
	[tilespmem:$0x1C400] =	vst v63  }
0x13a: {  	_ =	swait.ge [sflag:s13], $0x800  }
0x13b: {  	[sflag:s13] =	ssyncset.done $0x0  }
0x13c: {  	s2 =	rddreg [dreg:$0xd];
	[sflag:s13] =	ssyncadd.s32 $0xFFFFF800  }
0x13d: {  	[tilespmem:s12], [sflag:$0x1] =	stream.linear.gather [hbm4b:s2+s0], $0x4000, $0x38;
	[tilespmem:$0x1C400] =	vst v63  }
0x13e: {  	_ =	swait.ge [sflag:s14], $0x4000  }
0x13f: {  	[sflag:s14] =	ssyncset.done $0x0  }
0x140: {  	s2 =	sadd.s32 $0xFFFFF800, s25;
	[sflag:s14] =	ssyncadd.s32 $0xFFFFC000  }
0x141: {  	[tilespmem:s15], [sflag:$0x2] =	stream.linear.gather [hbm4b:s2+s3], $0x4000, $0x38;
	[tilespmem:$0x1C400] =	vst v63  }
0x142: {  	s2 =	simm.s32 $0x0  }
0x143: {  	[spmem:s1] =	stream.indirect.scatter.add.f32 [tilespmem:s12], [sflag:$0x3], $0x80, s2, s16, $0xb8;
	[tilespmem:$0x1C400] =	vst v63  }
0x144: {  	_ =	swait.ge [sflag:s13], $0x4000  }
0x145: {  	[sflag:s13] =	ssyncset.done $0x0  }
0x146: {  	[sflag:s13] =	ssyncadd.s32 $0xFFFFC000  }
0x147: {  	_ =	swait.ge [sflag:s17], $0x4000  }
0x148: {  	[sflag:s17] =	ssyncset.done $0x0  }
0x149: {  	[sflag:s17] =	ssyncadd.s32 $0xFFFFC000  }
0x14a: {  	[tilespmem:s12], [sflag:$0x1] =	stream.linear.gather [hbm4b:s25+s3], $0x4000, $0x38;
	[tilespmem:$0x1C400] =	vst v63  }
0x14b: {  	s2 =	simm.s32 $0x80  }
0x14c: {  	[spmem:s1] =	stream.indirect.scatter.add.f32 [tilespmem:s15], [sflag:$0x3], $0x80, s2, s16, $0xb8;
	[tilespmem:$0x1C400] =	vst v63  }
0x14d: {  	_ =	swait.ge [sflag:s13], $0x4000  }
0x14e: {  	s30 =	simm.s32 $0x400;
	s31 =	smov.u32 s25;
	[sflag:s13] =	ssyncset.done $0x0  }
.LBB2_12:
0x14f: {  	p0 =	sne.s32 s30, $0x1800;
	[sflag:s13] =	ssyncadd.s32 $0xFFFFC000;
	s31 =	sadd.s32 $0x1000, s31  }
0x150: {  	s0 =	smov.u32 s30;
	s30 =	sadd.s32 $0x400, s30  }
0x151: {  	_ =	swait.ge [sflag:s14], $0x4000  }
0x152: {  	[sflag:s14] =	ssyncset.done $0x0  }
0x153: {  	s2 =	sadd.s32 $0xFFFFF800, s31;
	[sflag:s14] =	ssyncadd.s32 $0xFFFFC000  }
0x154: {  	[tilespmem:s15], [sflag:$0x2] =	stream.linear.gather [hbm4b:s2+s3], $0x4000, $0x38;
	[tilespmem:$0x1C400] =	vst v63  }
0x155: {  	s0 =	sshra.s32 s0, $0x2  }
0x156: {  	[spmem:s1] =	stream.indirect.scatter.add.f32 [tilespmem:s12], [sflag:$0x3], $0x80, s0, s16, $0xb8;
	[tilespmem:$0x1C400] =	vst v63  }
0x157: {  	_ =	swait.ge [sflag:s13], $0x4000  }
0x158: {  	[sflag:s13] =	ssyncset.done $0x0  }
0x159: {  	[sflag:s13] =	ssyncadd.s32 $0xFFFFC000  }
0x15a: {  	_ =	swait.ge [sflag:s17], $0x4000  }
0x15b: {  	[sflag:s17] =	ssyncset.done $0x0  }
0x15c: {  	[sflag:s17] =	ssyncadd.s32 $0xFFFFC000  }
0x15d: {  	[tilespmem:s12], [sflag:$0x1] =	stream.linear.gather [hbm4b:s31+s3], $0x4000, $0x38;
	[tilespmem:$0x1C400] =	vst v63  }
.Ltmp5:
0x15e: {  	_ = 	snop;
	(pc) =	sbr.rel @p0 .LBB2_12-.Ltmp5, $4  }
0x15f: {  	s0 =	sadd.s32 $0x80, s0  }
0x160: {  	[spmem:s1] =	stream.indirect.scatter.add.f32 [tilespmem:s15], [sflag:$0x3], $0x80, s0, s16, $0xb8;
	[tilespmem:$0x1C400] =	vst v63  }
0x161: {  	_ =	swait.ge [sflag:s13], $0x4000  }
0x162: {  	[sflag:s13] =	ssyncset.done $0x0  }
0x163: {  	[sflag:s13] =	ssyncadd.s32 $0xFFFFC000  }
0x164: {  	_ =	swait.ge [sflag:s14], $0x4000  }
0x165: {  	[sflag:s14] =	ssyncset.done $0x0  }
0x166: {  	[sflag:s14] =	ssyncadd.s32 $0xFFFFC000  }
0x167: {  	[tilespmem:s15], [sflag:$0x2] =	stream.linear.gather [hbm4b:s11+s3], $0x4000, $0x38;
	[tilespmem:$0x1C400] =	vst v63  }
0x168: {  	_ = 	snop  }
0x169: {  	[spmem:s1] =	stream.indirect.scatter.add.f32 [tilespmem:s12], [sflag:$0x3], $0x80, s19, s16, $0xb8;
	[tilespmem:$0x1C400] =	vst v63  }
0x16a: {  	_ =	swait.ge [sflag:s13], $0x4000  }
0x16b: {  	[sflag:s13] =	ssyncset.done $0x0  }
0x16c: {  	[sflag:s13] =	ssyncadd.s32 $0xFFFFC000  }
0x16d: {  	_ =	swait.ge [sflag:s17], $0x4000  }
0x16e: {  	[sflag:s17] =	ssyncset.done $0x0  }
0x16f: {  	[sflag:s17] =	ssyncadd.s32 $0xFFFFC000  }
0x170: {  	[spmem:s1] =	stream.indirect.scatter.add.f32 [tilespmem:s15], [sflag:$0x3], $0x80, s28, s16, $0xb8;
	[tilespmem:$0x1C400] =	vst v63  }
0x171: {  	_ =	swait.ge [sflag:s13], $0x4000  }
0x172: {  	[sflag:s13] =	ssyncset.done $0x0  }
0x173: {  	[sflag:s13] =	ssyncadd.s32 $0xFFFFC000  }
0x174: {  	[bflag:$0x0] =	sbarrier.arrive $0xFFFF  }
0x175: {  	[tilespmem:s15], [sflag:$0x3] =	stream.linear.gather [spmem:s4], $0x4000, $0x38;
	[tilespmem:$0x1C400] =	vst v63  }
0x176: {  	_ =	swait.ge [sflag:s13], $0x4000  }
0x177: {  	[sflag:s13] =	ssyncset.done $0x0  }
0x178: {  	[sflag:s13] =	ssyncadd.s32 $0xFFFFC000  }
0x179: {  	[hbm4b:s18+s3] =	stream.linear.scatter [tilespmem:s15], [sflag:$0x3], $0x4000, $0x38;
	[tilespmem:$0x1C400] =	vst v63  }
0x17a: {  	_ =	swait.ge [sflag:s13], $0x4000  }
0x17b: {  	[sflag:s13] =	ssyncset.done $0x0  }
0x17c: {  	[sflag:s13] =	ssyncadd.s32 $0xFFFFC000  }
0x17d: {  	[tilespmem:s15], [sflag:$0x3] =	stream.linear.gather [spmem:s5], $0x4000, $0x38;
	[tilespmem:$0x1C400] =	vst v63  }
0x17e: {  	_ =	swait.ge [sflag:s13], $0x4000  }
0x17f: {  	[sflag:s13] =	ssyncset.done $0x0  }
0x180: {  	s0 =	rddreg [dreg:$0xf];
	[sflag:s13] =	ssyncadd.s32 $0xFFFFC000  }
0x181: {  	[hbm4b:s0+s3] =	stream.linear.scatter [tilespmem:s15], [sflag:$0x3], $0x4000, $0x38;
	[tilespmem:$0x1C400] =	vst v63  }
0x182: {  	_ =	swait.ge [sflag:s13], $0x4000  }
0x183: {  	[sflag:s13] =	ssyncset.done $0x0  }
0x184: {  	[sflag:s13] =	ssyncadd.s32 $0xFFFFC000  }
0x185: {  	[tilespmem:s15], [sflag:$0x3] =	stream.linear.gather [spmem:s6], $0x4000, $0x38;
	[tilespmem:$0x1C400] =	vst v63  }
0x186: {  	_ =	swait.ge [sflag:s13], $0x4000  }
0x187: {  	[sflag:s13] =	ssyncset.done $0x0  }
0x188: {  	s31 =	rddreg [dreg:$0x10];
	[sflag:s13] =	ssyncadd.s32 $0xFFFFC000  }
0x189: {  	[hbm4b:s31+s3] =	stream.linear.scatter [tilespmem:s15], [sflag:$0x3], $0x4000, $0x38;
	[tilespmem:$0x1C400] =	vst v63  }
0x18a: {  	_ =	swait.ge [sflag:s13], $0x4000  }
0x18b: {  	[sflag:s13] =	ssyncset.done $0x0  }
0x18c: {  	[sflag:s13] =	ssyncadd.s32 $0xFFFFC000  }
0x18d: {  	[tilespmem:s15], [sflag:$0x3] =	stream.linear.gather [spmem:s7], $0x4000, $0x38;
	[tilespmem:$0x1C400] =	vst v63  }
0x18e: {  	_ =	swait.ge [sflag:s13], $0x4000  }
0x18f: {  	[sflag:s13] =	ssyncset.done $0x0  }
0x190: {  	s2 =	rddreg [dreg:$0x11];
	[sflag:s13] =	ssyncadd.s32 $0xFFFFC000  }
0x191: {  	[hbm4b:s2+s3] =	stream.linear.scatter [tilespmem:s15], [sflag:$0x3], $0x4000, $0x38;
	[tilespmem:$0x1C400] =	vst v63  }
0x192: {  	_ =	swait.ge [sflag:s13], $0x4000  }
0x193: {  	[sflag:s13] =	ssyncset.done $0x0  }
0x194: {  	[sflag:s13] =	ssyncadd.s32 $0xFFFFC000  }
0x195: {  	[tilespmem:s15], [sflag:$0x3] =	stream.linear.gather [spmem:s26], $0x3C00, $0x38;
	[tilespmem:$0x1C400] =	vst v63  }
0x196: {  	_ =	swait.ge [sflag:s13], $0x3C00  }
0x197: {  	[sflag:s13] =	ssyncset.done $0x0  }
0x198: {  	s30 =	rddreg [dreg:$0x12];
	[sflag:s13] =	ssyncadd.s32 $0xFFFFC400  }
0x199: {  	[hbm4b:s30+s3] =	stream.linear.scatter [tilespmem:s15], [sflag:$0x3], $0x3C00, $0x38;
	[tilespmem:$0x1C400] =	vst v63  }
0x19a: {  	_ =	swait.ge [sflag:s13], $0x3C00  }
0x19b: {  	s29 =	sadd.s32 $0x1, s29;
	s31 =	rddreg [dreg:$0xe]  }
0x19c: {  	p0 =	sne.s32 s29, s31  }
.Ltmp6:
0x19d: {  	_ = 	snop;
	(pc) =	sbr.rel @p0 .LBB2_1-.Ltmp6, $3  }
0x19e: {  	_ =	sdelay $0x1  }
0x19f: {  	[sflag:s13] =	ssyncset.done $0x0  }
0x1a0: {  	[sflag:s13] =	ssyncadd.s32 $0xFFFFC400  }
0x1a1: {  	_ =	sfence.sel $0x180000  }
0x1a2: {  	[bflag:$0x0] =	sbarrier.arrive $0xFFFF  }
0x1a3: {  	_ =	strace $0x9000004A  }
0x1a4: {  	s0 =	stileid.u32;
	[bflag:$0x2] =	sbarrier.arrive $0xFFFF  }
0x1a5: {  	p0 =	sne.s32 s0, $0x0;
	s0 =	rddreg [dreg:$0x4]  }
0x1a6: {  	s0 =	sadd.s32 @!p0 $0x100000, s0  }
0x1a7: {  	[sflag:s0] =	ssyncadd.tile.s32 @!p0 $0x1;
	_ =	shalt  }
.Lfunc_end2:
_tile_overlayer_lowered:
.L_overlay_start_2:
0x1a8: {  	(tag) =	ssettag $0x2  }
0x1a9: {  	s0 =	rddreg [dreg:$0x0];
	s2 =	stileid.u32  }
0x1aa: {  	s1 =	rddreg [dreg:$0x1];
	p0 =	sne.s32 s2, $0x0  }
0x1ab: {  	s3 =	rddreg [dreg:$0x2];
	[bflag:$0x3] =	sbarrier.arrive $0xFFFF;
	s2 =	simm.s32 @!p0 $0x1C03  }
0x1ac: {  	[timem:s3], [sflag:s2] =	dma.local @!p0 [hbm:s0], s1  }
0x1ad: {  	s0 =	simm.s32 @!p0 $0x3  }
0x1ae: {  	_ =	swait.ge @!p0 [sflag:s0], s1  }
0x1af: {  	s1 =	ssub.s32 @!p0 $0x0, s1;
	[sflag:s0] =	ssyncset.done @!p0 $0x0  }
0x1b0: {  	[sflag:s0] =	ssyncadd.s32 @!p0 s1  }
0x1b1: {  	[bflag:$0x3] =	sbarrier.arrive $0xFFFF  }
0x1b2: {  	_ =	shalt  }

</sc_bundles>
